<compile_context>
chip_gen: v7x
topology: tpu7x:2x2x1
jax: 0.10.2.dev20260603
libtpu: 0.0.44.dev20260713+nightly
codegen_flags: <defaults>
</compile_context>

<pallas_src>
import functools

import jax
import jax.numpy as jnp
from jax import lax
from jax.experimental import pallas as pl
from jax.experimental.pallas import tpu as pltpu
from jax.experimental.pallas import tpu_sc as plsc

F32 = jnp.float32

_N = 10000
_E = 320000
_D = 128
_G = 128
_NC = 2
_NS = 16
_NW = _NC * _NS
_EW = _E // _NW
_K = 100
_CH = _EW // _K
_NP = 10240
_RPT = _NP // _NS
_R = 1000
_NB = _N // _R


def _deg_body(dst_hbm, e0_hbm, znd_hbm, deg_hbm,
              id0, id1, rows, acc_sh, semj0, semj1):
    c = lax.axis_index("c")
    s = lax.axis_index("s")
    w = c * _NS + s
    pltpu.sync_copy(znd_hbm.at[pl.ds(s * _RPT, _RPT)],
                    acc_sh.at[pl.ds(s * _RPT, _RPT)])
    pltpu.sync_copy(e0_hbm, rows)
    plsc.subcore_barrier()

    pltpu.async_copy(dst_hbm.at[w, 0], id0, semj0)
    pltpu.async_copy(dst_hbm.at[w, 1], id1, semj1)
    npair = _CH // 2

    def body(i, carry):
        k0 = 2 * i
        k1 = k0 + 1
        pltpu.make_async_copy(dst_hbm.at[w, k0], id0, semj0).wait()
        pltpu.sync_copy(rows, acc_sh.at[id0.at[0]], add=True)

        @pl.when(i + 1 < npair)
        def _():
            pltpu.async_copy(dst_hbm.at[w, k0 + 2], id0, semj0)

        pltpu.make_async_copy(dst_hbm.at[w, k1], id1, semj1).wait()
        pltpu.sync_copy(rows, acc_sh.at[id1.at[0]], add=True)

        @pl.when(i + 1 < npair)
        def _():
            pltpu.async_copy(dst_hbm.at[w, k1 + 2], id1, semj1)

        return carry

    lax.fori_loop(0, npair, body, 0)
    plsc.subcore_barrier()
    pltpu.sync_copy(acc_sh.at[pl.ds(s * _RPT, _RPT)],
                    deg_hbm.at[c, pl.ds(s * _RPT, _RPT)])


def _spmm_body(hp_hbm, src_hbm, dst_hbm, znd_hbm, agg_hbm,
                 is0, is1, id0, id1, rows0, rows1, acc_sh,
                 sem0, sem1, semi0, semi1, semj0, semj1):
    c = lax.axis_index("c")
    s = lax.axis_index("s")
    w = c * _NS + s
    pltpu.sync_copy(znd_hbm.at[pl.ds(s * _RPT, _RPT)],
                    acc_sh.at[pl.ds(s * _RPT, _RPT)])
    plsc.subcore_barrier()

    pltpu.async_copy(src_hbm.at[w, 0], is0, semi0)
    pltpu.async_copy(dst_hbm.at[w, 0], id0, semj0)
    pltpu.async_copy(src_hbm.at[w, 1], is1, semi1)
    pltpu.async_copy(dst_hbm.at[w, 1], id1, semj1)
    pltpu.make_async_copy(src_hbm.at[w, 0], is0, semi0).wait()
    pltpu.async_copy(hp_hbm.at[is0.at[0]], rows0, sem0)

    npair = _CH // 2

    def body(i, carry):
        k0 = 2 * i
        k1 = k0 + 1
        pltpu.make_async_copy(hp_hbm.at[is0.at[0]], rows0, sem0).wait()
        pltpu.make_async_copy(src_hbm.at[w, k1], is1, semi1).wait()
        pltpu.async_copy(hp_hbm.at[is1.at[0]], rows1, sem1)
        pltpu.make_async_copy(dst_hbm.at[w, k0], id0, semj0).wait()
        pltpu.sync_copy(rows0, acc_sh.at[id0.at[0]], add=True)

        @pl.when(i + 1 < npair)
        def _():
            pltpu.async_copy(src_hbm.at[w, k0 + 2], is0, semi0)
            pltpu.async_copy(dst_hbm.at[w, k0 + 2], id0, semj0)

        pltpu.make_async_copy(hp_hbm.at[is1.at[0]], rows1, sem1).wait()
        pltpu.make_async_copy(dst_hbm.at[w, k1], id1, semj1).wait()
        pltpu.sync_copy(rows1, acc_sh.at[id1.at[0]], add=True)

        @pl.when(i + 1 < npair)
        def _():
            pltpu.make_async_copy(src_hbm.at[w, k0 + 2], is0, semi0).wait()
            pltpu.async_copy(hp_hbm.at[is0.at[0]], rows0, sem0)
            pltpu.async_copy(src_hbm.at[w, k0 + 3], is1, semi1)
            pltpu.async_copy(dst_hbm.at[w, k0 + 3], id1, semj1)

        return carry

    lax.fori_loop(0, npair, body, 0)
    plsc.subcore_barrier()
    pltpu.sync_copy(acc_sh.at[pl.ds(s * _RPT, _RPT)],
                    agg_hbm.at[c, pl.ds(s * _RPT, _RPT)])


@functools.lru_cache(maxsize=None)
def _sc_kernels():
    mesh = plsc.VectorSubcoreMesh(
        core_axis_name="c", subcore_axis_name="s",
        num_cores=_NC, num_subcores=_NS)
    deg_kernel = pl.kernel(
        _deg_body,
        out_type=jax.ShapeDtypeStruct((_NC, _NP, _D), F32),
        mesh=mesh,
        scratch_types=[
            pltpu.VMEM((1, _K), jnp.int32),
            pltpu.VMEM((1, _K), jnp.int32),
            pltpu.VMEM((_K, _D), F32),
            pltpu.VMEM_SHARED((_NP, _D), F32),
            pltpu.SemaphoreType.DMA,
            pltpu.SemaphoreType.DMA,
        ],
    )
    spmm_kernel = pl.kernel(
        _spmm_body,
        out_type=jax.ShapeDtypeStruct((_NC, _NP, _D), F32),
        mesh=mesh,
        scratch_types=[
            pltpu.VMEM((1, _K), jnp.int32),
            pltpu.VMEM((1, _K), jnp.int32),
            pltpu.VMEM((1, _K), jnp.int32),
            pltpu.VMEM((1, _K), jnp.int32),
            pltpu.VMEM((_K, _D), F32),
            pltpu.VMEM((_K, _D), F32),
            pltpu.VMEM_SHARED((_NP, _D), F32),
            pltpu.SemaphoreType.DMA,
            pltpu.SemaphoreType.DMA,
            pltpu.SemaphoreType.DMA,
            pltpu.SemaphoreType.DMA,
            pltpu.SemaphoreType.DMA,
            pltpu.SemaphoreType.DMA,
        ],
    )
    return deg_kernel, spmm_kernel



def _dot(a, b):
    return jnp.dot(a, b, preferred_element_type=F32,
                   precision=lax.Precision.HIGHEST)


def _tc1_body(dga_ref, dgb_ref, x_ref, w_ref, hp_ref, dis_ref):
    deg = dga_ref[0, :, :1] + dgb_ref[0, :, :1] + 1.0
    dis = 1.0 / jnp.sqrt(deg)
    h = _dot(x_ref[...], w_ref[...])
    hp_ref[...] = h * dis
    dis_ref[...] = dis


def _tc1(deg2, x, w1):
    return pl.pallas_call(
        _tc1_body,
        grid=(_NB,),
        in_specs=[
            pl.BlockSpec((1, _R, _D), lambda i: (0, i, 0)),
            pl.BlockSpec((1, _R, _D), lambda i: (1, i, 0)),
            pl.BlockSpec((_R, _D), lambda i: (i, 0)),
            pl.BlockSpec((_D, _D), lambda i: (0, 0)),
        ],
        out_specs=[
            pl.BlockSpec((_R, _D), lambda i: (i, 0)),
            pl.BlockSpec((_R, 1), lambda i: (i, 0)),
        ],
        out_shape=[
            jax.ShapeDtypeStruct((_N, _D), F32),
            jax.ShapeDtypeStruct((_N, 1), F32),
        ],
    )(deg2, deg2, x, w1)


def _tcmid_body(aa_ref, ab_ref, hp_ref, dis_ref, b_ref, w_ref, out_ref):
    dis = dis_ref[...]
    xn = jnp.maximum(
        dis * (aa_ref[0] + ab_ref[0] + hp_ref[...]) + b_ref[...], 0.0)
    out_ref[...] = _dot(xn, w_ref[...]) * dis


def _tcmid(agg, hp, dis, b, w):
    return pl.pallas_call(
        _tcmid_body,
        grid=(_NB,),
        in_specs=[
            pl.BlockSpec((1, _R, _D), lambda i: (0, i, 0)),
            pl.BlockSpec((1, _R, _D), lambda i: (1, i, 0)),
            pl.BlockSpec((_R, _D), lambda i: (i, 0)),
            pl.BlockSpec((_R, 1), lambda i: (i, 0)),
            pl.BlockSpec((1, _D), lambda i: (0, 0)),
            pl.BlockSpec((_D, _D), lambda i: (0, 0)),
        ],
        out_specs=pl.BlockSpec((_R, _D), lambda i: (i, 0)),
        out_shape=jax.ShapeDtypeStruct((_N, _D), F32),
    )(agg, agg, hp, dis, b, w)


def _tcfin_body(aa_ref, ab_ref, hp_ref, dis_ref, b_ref, btt_ref, btc_ref,
                out_ref, sums, cnt):
    i = pl.program_id(0)

    @pl.when(i == 0)
    def _():
        sums[...] = jnp.zeros_like(sums)
        cnt[...] = jnp.zeros_like(cnt)
        out_ref[...] = jnp.full_like(out_ref, -jnp.inf)

    dis = dis_ref[...]
    h3 = jnp.maximum(
        dis * (aa_ref[0] + ab_ref[0] + hp_ref[...]) + b_ref[...], 0.0)

    btt0 = btt_ref[0]
    iot = lax.broadcasted_iota(jnp.int32, (_G, _R), 0)
    oht = (iot == btt0).astype(F32)
    sums[...] += _dot(oht, h3)
    cnt[...] += jnp.sum(oht, axis=1, keepdims=True)

    btc = btc_ref[...]
    hs = h3
    sh = 1
    while sh < _R:
        bshift = jnp.concatenate(
            [jnp.full((sh, 1), -1, jnp.int32), btc[:_R - sh]], axis=0)
        hshift = jnp.concatenate(
            [jnp.full((sh, _D), -jnp.inf, F32), hs[:_R - sh]], axis=0)
        hs = jnp.maximum(hs, jnp.where(btc == bshift, hshift, -jnp.inf))
        sh *= 2
    btnext = jnp.concatenate(
        [btt0[:, 1:], jnp.full((1, 1), -1, jnp.int32)], axis=1)
    ohlast = ((iot == btt0) & (btt0 != btnext)).astype(F32)
    mxb = _dot(ohlast, hs)
    present = jnp.sum(ohlast, axis=1, keepdims=True) > 0.0
    cur = out_ref[:, _D:]
    out_ref[:, _D:] = jnp.maximum(cur, jnp.where(present, mxb, -jnp.inf))

    @pl.when(i == _NB - 1)
    def _():
        out_ref[:, :_D] = sums[...] / jnp.maximum(cnt[...], 1.0)


def _tcfin(agg, hp, dis, b, btt, btc):
    return pl.pallas_call(
        _tcfin_body,
        grid=(_NB,),
        in_specs=[
            pl.BlockSpec((1, _R, _D), lambda i: (0, i, 0)),
            pl.BlockSpec((1, _R, _D), lambda i: (1, i, 0)),
            pl.BlockSpec((_R, _D), lambda i: (i, 0)),
            pl.BlockSpec((_R, 1), lambda i: (i, 0)),
            pl.BlockSpec((1, _D), lambda i: (0, 0)),
            pl.BlockSpec((1, 1, _R), lambda i: (i, 0, 0)),
            pl.BlockSpec((_R, 1), lambda i: (i, 0)),
        ],
        out_specs=pl.BlockSpec((_G, 2 * _D), lambda i: (0, 0)),
        out_shape=jax.ShapeDtypeStruct((_G, 2 * _D), F32),
        scratch_shapes=[
            pltpu.VMEM((_G, _D), F32),
            pltpu.VMEM((_G, 1), F32),
        ],
    )(agg, agg, hp, dis, b, btt, btc)



def kernel(x, edge_index, batch, W1, b1, W2, b2, W3, b3):
    src4 = edge_index[0].astype(jnp.int32).reshape(_NW, _CH, 1, _K)
    dst4 = edge_index[1].astype(jnp.int32).reshape(_NW, _CH, 1, _K)
    btt = batch.astype(jnp.int32).reshape(_NB, 1, _R)
    btc = batch.astype(jnp.int32).reshape(_N, 1)
    znd = jnp.zeros((_NP, _D), F32)
    e0 = jnp.zeros((_K, _D), F32).at[:, 0].set(1.0)

    deg_kernel, spmm_kernel = _sc_kernels()
    deg2 = deg_kernel(dst4, e0, znd)
    hp1, dis = _tc1(deg2, x, W1)
    agg1 = spmm_kernel(hp1, src4, dst4, znd)
    hp2 = _tcmid(agg1, hp1, dis, b1.reshape(1, _D), W2)
    agg2 = spmm_kernel(hp2, src4, dst4, znd)
    hp3 = _tcmid(agg2, hp2, dis, b2.reshape(1, _D), W3)
    agg3 = spmm_kernel(hp3, src4, dst4, znd)
    return _tcfin(agg3, hp3, dis, b3.reshape(1, _D), btt, btc)

# --- scband reference (transcript-rebuilt; emitter-appended) ---
"""Pipeline reference for scband-drug-gcn-12472585027971 (READ-ONLY COPY).

The authoritative reference and input builder live on the scoring server;
editing this copy changes nothing except your own understanding.
"""

import jax, jax.numpy as jnp
import numpy as np

N_NODES = 10000
N_EDGES = 320000
D_IN = 128
D_HID = 128
D_OUT = 128
N_GRAPHS = 128


def setup_inputs(seed: int = 0) -> dict:
    key = jax.random.key(seed)
    ks = jax.random.split(key, 10)
    x = jax.random.normal(ks[0], (N_NODES, D_IN), dtype=jnp.float32)
    edge_index = jax.random.randint(ks[1], (2, N_EDGES), 0, N_NODES, dtype=jnp.int64 if jax.config.read('jax_enable_x64') else jnp.int32)
    batch = jnp.sort(jax.random.randint(ks[2], (N_NODES,), 0, N_GRAPHS, dtype=jnp.int32))
    def glorot(k, fan_in, fan_out):
        s = (2.0 / (fan_in + fan_out)) ** 0.5
        return jax.random.normal(k, (fan_in, fan_out), dtype=jnp.float32) * s
    W1 = glorot(ks[3], D_IN, D_HID)
    b1 = jnp.zeros((D_HID,), dtype=jnp.float32)
    W2 = glorot(ks[4], D_HID, D_HID)
    b2 = jnp.zeros((D_HID,), dtype=jnp.float32)
    W3 = glorot(ks[5], D_HID, D_OUT)
    b3 = jnp.zeros((D_OUT,), dtype=jnp.float32)
    return {"x": x, "edge_index": edge_index, "batch": batch,
            "W1": W1, "b1": b1, "W2": W2, "b2": b2, "W3": W3, "b3": b3}


def _gcn_conv(x, src, dst, W, b):
    # torch_geometric GCNConv: linear -> add self loops -> sym-normalized scatter-add -> bias
    n = x.shape[0]
    h = x @ W
    loop = jnp.arange(n, dtype=src.dtype)
    s = jnp.concatenate([src, loop])
    d = jnp.concatenate([dst, loop])
    deg = jax.ops.segment_sum(jnp.ones(s.shape[0], dtype=h.dtype), d, num_segments=n)
    dis = jnp.where(deg > 0, 1.0 / jnp.sqrt(deg), 0.0)
    norm = dis[s] * dis[d]
    out = jax.ops.segment_sum(norm[:, None] * h[s], d, num_segments=n)
    return out + b


def reference(x, edge_index, batch, W1, b1, W2, b2, W3, b3):
    src = edge_index[0]
    dst = edge_index[1]
    # dropout is identity in eval mode
    h = jax.nn.relu(_gcn_conv(x, src, dst, W1, b1))
    h = jax.nn.relu(_gcn_conv(h, src, dst, W2, b2))
    h = jax.nn.relu(_gcn_conv(h, src, dst, W3, b3))
    cnt = jax.ops.segment_sum(jnp.ones((h.shape[0],), dtype=h.dtype), batch, num_segments=N_GRAPHS)
    pooled_mean = jax.ops.segment_sum(h, batch, num_segments=N_GRAPHS) / jnp.maximum(cnt, 1.0)[:, None]
    pooled_max = jax.ops.segment_max(h, batch, num_segments=N_GRAPHS)
    return jnp.concatenate([pooled_mean, pooled_max], axis=-1)

if __name__ == "__main__":
    import jax
    _d = setup_inputs()
    print(jax.jit(kernel)(*tuple(_d.values())))

</pallas_src>

<mosaic_0001>
#map = affine_map<(d0, d1) -> (0, 0)>
#map1 = affine_map<(d0, d1) -> (0, 0, 0, 0)>
#map2 = affine_map<(d0, d1) -> (0, 0, 0)>
module attributes {stable_mosaic.version = 14 : i64} {
  func.func @_spmm_body(%arg0: i32, %arg1: i32, %arg2: memref<10000x128xf32, #tpu.memory_space<hbm>>, %arg3: memref<32x100x1x100xi32, #tpu.memory_space<hbm>>, %arg4: memref<32x100x1x100xi32, #tpu.memory_space<hbm>>, %arg5: memref<10240x128xf32, #tpu.memory_space<hbm>>, %arg6: memref<2x10240x128xf32, #tpu.memory_space<hbm>>, %arg7: memref<1x100xi32, #tpu.memory_space<vmem>>, %arg8: memref<1x100xi32, #tpu.memory_space<vmem>>, %arg9: memref<1x100xi32, #tpu.memory_space<vmem>>, %arg10: memref<1x100xi32, #tpu.memory_space<vmem>>, %arg11: memref<100x128xf32, #tpu.memory_space<vmem>>, %arg12: memref<100x128xf32, #tpu.memory_space<vmem>>, %arg13: memref<10240x128xf32, #tpu.memory_space<vmem_shared>>, %arg14: memref<!tpu.dma_semaphore, #tpu.memory_space<semaphore_mem>>, %arg15: memref<!tpu.dma_semaphore, #tpu.memory_space<semaphore_mem>>, %arg16: memref<!tpu.dma_semaphore, #tpu.memory_space<semaphore_mem>>, %arg17: memref<!tpu.dma_semaphore, #tpu.memory_space<semaphore_mem>>, %arg18: memref<!tpu.dma_semaphore, #tpu.memory_space<semaphore_mem>>, %arg19: memref<!tpu.dma_semaphore, #tpu.memory_space<semaphore_mem>>) attributes {dimension_semantics = [#tpu.dimension_semantics<core_parallel>, #tpu.dimension_semantics<subcore_parallel>], iteration_bounds = array<i64: 2, 16>, scalar_prefetch = 0 : i64, scratch_operands = 13 : i64, tpu.core_type = #tpu.core_type<sc_vector_subcore>, window_params = [{transform_indices = #map}, {transform_indices = #map1}, {transform_indices = #map1}, {transform_indices = #map}, {transform_indices = #map2}]} {
    %mul3A = arith.constant 16 : i32
    %mul3A_0 = arith.muli %arg0, %mul3A : i32
    %add3A = arith.addi %mul3A_0, %arg1 : i32
    %mul3A_1 = arith.constant 640 : i32
    %mul3A_2 = arith.muli %arg1, %mul3A_1 : i32
    %mul3A_3 = arith.constant 640 : i32
    %mul3A_4 = arith.muli %arg1, %mul3A_3 : i32
    "tpu.region"() ({
      %run_scoped3A = tpu.sem_alloc : memref<!tpu.dma_semaphore, #tpu.memory_space<semaphore_mem>>
      %dma_start3A_65 = arith.constant 0 : i32
      %dma_start3A_66 = tpu.memref_slice %arg13[%mul3A_4, %dma_start3A_65] : memref<10240x128xf32, #tpu.memory_space<vmem_shared>> -> memref<640x128xf32, #tpu.memory_space<vmem_shared>>
      %dma_start3A_67 = arith.constant 0 : i32
      %dma_start3A_68 = tpu.memref_slice %arg5[%mul3A_2, %dma_start3A_67] : memref<10240x128xf32, #tpu.memory_space<hbm>> -> memref<640x128xf32, #tpu.memory_space<hbm>>
      tpu.enqueue_dma source(%dma_start3A_68 : memref<640x128xf32, #tpu.memory_space<hbm>>) target(%dma_start3A_66 : memref<640x128xf32, #tpu.memory_space<vmem_shared>>) target_semaphore(%run_scoped3A : memref<!tpu.dma_semaphore, #tpu.memory_space<semaphore_mem>>)
      %dma_wait3A_69 = arith.constant 0 : i32
      %dma_wait3A_70 = tpu.memref_slice %arg13[%mul3A_4, %dma_wait3A_69] : memref<10240x128xf32, #tpu.memory_space<vmem_shared>> -> memref<640x128xf32, #tpu.memory_space<vmem_shared>>
      %dma_wait3A_71 = arith.constant 0 : i32
      %dma_wait3A_72 = tpu.memref_slice %arg5[%mul3A_2, %dma_wait3A_71] : memref<10240x128xf32, #tpu.memory_space<hbm>> -> memref<640x128xf32, #tpu.memory_space<hbm>>
      tpu.wait_dma2 semaphore(%run_scoped3A : memref<!tpu.dma_semaphore, #tpu.memory_space<semaphore_mem>>) src(%dma_wait3A_72 : memref<640x128xf32, #tpu.memory_space<hbm>>) dst(%dma_wait3A_70 : memref<640x128xf32, #tpu.memory_space<vmem_shared>>)
      tpu.yield
    }) : () -> ()
    %barrier3A = arith.constant 0 : index
    tpu.barrier barrier_id(%barrier3A)
    %dma_start3A = arith.constant 0 : i32
    %dma_start3A_5 = arith.constant 0 : i32
    %dma_start3A_6 = arith.constant 0 : i32
    %dma_start3A_7 = tpu.memref_slice %arg3[%add3A, %dma_start3A, %dma_start3A_5, %dma_start3A_6] : memref<32x100x1x100xi32, #tpu.memory_space<hbm>> -> memref<1x1x1x100xi32, #tpu.memory_space<hbm>>
    %dma_start3A_8 = tpu.memref_squeeze %dma_start3A_7 : memref<1x1x1x100xi32, #tpu.memory_space<hbm>> -> memref<1x100xi32, #tpu.memory_space<hbm>>
    %dma_start3A_9 = arith.constant 0 : i32
    %dma_start3A_10 = arith.constant 0 : i32
    %dma_start3A_11 = tpu.memref_slice %arg3[%add3A, %dma_start3A, %dma_start3A_9, %dma_start3A_10] : memref<32x100x1x100xi32, #tpu.memory_space<hbm>> -> memref<1x1x1x100xi32, #tpu.memory_space<hbm>>
    %dma_start3A_12 = tpu.memref_squeeze %dma_start3A_11 : memref<1x1x1x100xi32, #tpu.memory_space<hbm>> -> memref<1x100xi32, #tpu.memory_space<hbm>>
    tpu.enqueue_dma source(%dma_start3A_12 : memref<1x100xi32, #tpu.memory_space<hbm>>) target(%arg7 : memref<1x100xi32, #tpu.memory_space<vmem>>) target_semaphore(%arg16 : memref<!tpu.dma_semaphore, #tpu.memory_space<semaphore_mem>>)
    %dma_start3A_13 = arith.constant 0 : i32
    %dma_start3A_14 = arith.constant 0 : i32
    %dma_start3A_15 = arith.constant 0 : i32
    %dma_start3A_16 = tpu.memref_slice %arg4[%add3A, %dma_start3A_13, %dma_start3A_14, %dma_start3A_15] : memref<32x100x1x100xi32, #tpu.memory_space<hbm>> -> memref<1x1x1x100xi32, #tpu.memory_space<hbm>>
    %dma_start3A_17 = tpu.memref_squeeze %dma_start3A_16 : memref<1x1x1x100xi32, #tpu.memory_space<hbm>> -> memref<1x100xi32, #tpu.memory_space<hbm>>
    %dma_start3A_18 = arith.constant 0 : i32
    %dma_start3A_19 = arith.constant 0 : i32
    %dma_start3A_20 = tpu.memref_slice %arg4[%add3A, %dma_start3A_13, %dma_start3A_18, %dma_start3A_19] : memref<32x100x1x100xi32, #tpu.memory_space<hbm>> -> memref<1x1x1x100xi32, #tpu.memory_space<hbm>>
    %dma_start3A_21 = tpu.memref_squeeze %dma_start3A_20 : memref<1x1x1x100xi32, #tpu.memory_space<hbm>> -> memref<1x100xi32, #tpu.memory_space<hbm>>
    tpu.enqueue_dma source(%dma_start3A_21 : memref<1x100xi32, #tpu.memory_space<hbm>>) target(%arg9 : memref<1x100xi32, #tpu.memory_space<vmem>>) target_semaphore(%arg18 : memref<!tpu.dma_semaphore, #tpu.memory_space<semaphore_mem>>)
    %dma_start3A_22 = arith.constant 1 : i32
    %dma_start3A_23 = arith.constant 0 : i32
    %dma_start3A_24 = arith.constant 0 : i32
    %dma_start3A_25 = tpu.memref_slice %arg3[%add3A, %dma_start3A_22, %dma_start3A_23, %dma_start3A_24] : memref<32x100x1x100xi32, #tpu.memory_space<hbm>> -> memref<1x1x1x100xi32, #tpu.memory_space<hbm>>
    %dma_start3A_26 = tpu.memref_squeeze %dma_start3A_25 : memref<1x1x1x100xi32, #tpu.memory_space<hbm>> -> memref<1x100xi32, #tpu.memory_space<hbm>>
    %dma_start3A_27 = arith.constant 0 : i32
    %dma_start3A_28 = arith.constant 0 : i32
    %dma_start3A_29 = tpu.memref_slice %arg3[%add3A, %dma_start3A_22, %dma_start3A_27, %dma_start3A_28] : memref<32x100x1x100xi32, #tpu.memory_space<hbm>> -> memref<1x1x1x100xi32, #tpu.memory_space<hbm>>
    %dma_start3A_30 = tpu.memref_squeeze %dma_start3A_29 : memref<1x1x1x100xi32, #tpu.memory_space<hbm>> -> memref<1x100xi32, #tpu.memory_space<hbm>>
    tpu.enqueue_dma source(%dma_start3A_30 : memref<1x100xi32, #tpu.memory_space<hbm>>) target(%arg8 : memref<1x100xi32, #tpu.memory_space<vmem>>) target_semaphore(%arg17 : memref<!tpu.dma_semaphore, #tpu.memory_space<semaphore_mem>>)
    %dma_start3A_31 = arith.constant 1 : i32
    %dma_start3A_32 = arith.constant 0 : i32
    %dma_start3A_33 = arith.constant 0 : i32
    %dma_start3A_34 = tpu.memref_slice %arg4[%add3A, %dma_start3A_31, %dma_start3A_32, %dma_start3A_33] : memref<32x100x1x100xi32, #tpu.memory_space<hbm>> -> memref<1x1x1x100xi32, #tpu.memory_space<hbm>>
    %dma_start3A_35 = tpu.memref_squeeze %dma_start3A_34 : memref<1x1x1x100xi32, #tpu.memory_space<hbm>> -> memref<1x100xi32, #tpu.memory_space<hbm>>
    %dma_start3A_36 = arith.constant 0 : i32
    %dma_start3A_37 = arith.constant 0 : i32
    %dma_start3A_38 = tpu.memref_slice %arg4[%add3A, %dma_start3A_31, %dma_start3A_36, %dma_start3A_37] : memref<32x100x1x100xi32, #tpu.memory_space<hbm>> -> memref<1x1x1x100xi32, #tpu.memory_space<hbm>>
    %dma_start3A_39 = tpu.memref_squeeze %dma_start3A_38 : memref<1x1x1x100xi32, #tpu.memory_space<hbm>> -> memref<1x100xi32, #tpu.memory_space<hbm>>
    tpu.enqueue_dma source(%dma_start3A_39 : memref<1x100xi32, #tpu.memory_space<hbm>>) target(%arg10 : memref<1x100xi32, #tpu.memory_space<vmem>>) target_semaphore(%arg19 : memref<!tpu.dma_semaphore, #tpu.memory_space<semaphore_mem>>)
    %dma_wait3A = arith.constant 0 : i32
    %dma_wait3A_40 = arith.constant 0 : i32
    %dma_wait3A_41 = arith.constant 0 : i32
    %dma_wait3A_42 = tpu.memref_slice %arg3[%add3A, %dma_wait3A, %dma_wait3A_40, %dma_wait3A_41] : memref<32x100x1x100xi32, #tpu.memory_space<hbm>> -> memref<1x1x1x100xi32, #tpu.memory_space<hbm>>
    %dma_wait3A_43 = tpu.memref_squeeze %dma_wait3A_42 : memref<1x1x1x100xi32, #tpu.memory_space<hbm>> -> memref<1x100xi32, #tpu.memory_space<hbm>>
    %dma_wait3A_44 = arith.constant 0 : i32
    %dma_wait3A_45 = arith.constant 0 : i32
    %dma_wait3A_46 = tpu.memref_slice %arg3[%add3A, %dma_wait3A, %dma_wait3A_44, %dma_wait3A_45] : memref<32x100x1x100xi32, #tpu.memory_space<hbm>> -> memref<1x1x1x100xi32, #tpu.memory_space<hbm>>
    %dma_wait3A_47 = tpu.memref_squeeze %dma_wait3A_46 : memref<1x1x1x100xi32, #tpu.memory_space<hbm>> -> memref<1x100xi32, #tpu.memory_space<hbm>>
    tpu.wait_dma2 semaphore(%arg16 : memref<!tpu.dma_semaphore, #tpu.memory_space<semaphore_mem>>) src(%dma_wait3A_47 : memref<1x100xi32, #tpu.memory_space<hbm>>) dst(%arg7 : memref<1x100xi32, #tpu.memory_space<vmem>>)
    %dma_start3A_48 = arith.constant 0 : i32
    %dma_start3A_49 = arith.constant 0 : i32
    %dma_start3A_50 = tpu.memref_slice %arg7[%dma_start3A_48, %dma_start3A_49] : memref<1x100xi32, #tpu.memory_space<vmem>> -> memref<1x100xi32, #tpu.memory_space<vmem>>
    %dma_start3A_51 = tpu.memref_squeeze %dma_start3A_50 : memref<1x100xi32, #tpu.memory_space<vmem>> -> memref<100xi32, #tpu.memory_space<vmem>>
    %dma_start3A_52 = arith.constant 0 : i32
    %dma_start3A_53 = arith.constant 0 : i32
    %dma_start3A_54 = tpu.memref_slice %arg2[%dma_start3A_52, %dma_start3A_53] : memref<10000x128xf32, #tpu.memory_space<hbm>> -> memref<10000x128xf32, #tpu.memory_space<hbm>>
    tpu.enqueue_indirect_dma source(%dma_start3A_54 : memref<10000x128xf32, #tpu.memory_space<hbm>>) target(%arg11 : memref<100x128xf32, #tpu.memory_space<vmem>>) offsets(%dma_start3A_51 : memref<100xi32, #tpu.memory_space<vmem>>) semaphore(%arg14 : memref<!tpu.dma_semaphore, #tpu.memory_space<semaphore_mem>>)
    %scan3A = arith.constant 0 : i32
    %scan3A_55 = arith.constant 0 : i32
    %scan3A_56 = arith.constant 50 : i32
    %scan3A_57 = arith.addi %scan3A_55, %scan3A_56 : i32
    %scan3A_58 = arith.constant 1 : i32
    scf.for %scan3A_65 = %scan3A_55 to %scan3A_57 step %scan3A_58  : i32 {
      %mul3A_66 = arith.constant 2 : i32
      %mul3A_67 = arith.muli %mul3A_66, %scan3A_65 : i32
      %add3A_68 = arith.constant 1 : i32
      %add3A_69 = arith.addi %mul3A_67, %add3A_68 : i32
      %dma_wait3A_70 = arith.constant 0 : i32
      %dma_wait3A_71 = arith.constant 0 : i32
      %dma_wait3A_72 = tpu.memref_slice %arg7[%dma_wait3A_70, %dma_wait3A_71] : memref<1x100xi32, #tpu.memory_space<vmem>> -> memref<1x100xi32, #tpu.memory_space<vmem>>
      %dma_wait3A_73 = tpu.memref_squeeze %dma_wait3A_72 : memref<1x100xi32, #tpu.memory_space<vmem>> -> memref<100xi32, #tpu.memory_space<vmem>>
      %dma_wait3A_74 = arith.constant 0 : i32
      %dma_wait3A_75 = arith.constant 0 : i32
      %dma_wait3A_76 = tpu.memref_slice %arg2[%dma_wait3A_74, %dma_wait3A_75] : memref<10000x128xf32, #tpu.memory_space<hbm>> -> memref<10000x128xf32, #tpu.memory_space<hbm>>
      tpu.wait_indirect_dma semaphore(%arg14 : memref<!tpu.dma_semaphore, #tpu.memory_space<semaphore_mem>>) src(%dma_wait3A_76 : memref<10000x128xf32, #tpu.memory_space<hbm>>) dst(%arg11 : memref<100x128xf32, #tpu.memory_space<vmem>>)
      %dma_wait3A_77 = arith.constant 0 : i32
      %dma_wait3A_78 = arith.constant 0 : i32
      %dma_wait3A_79 = tpu.memref_slice %arg3[%add3A, %add3A_69, %dma_wait3A_77, %dma_wait3A_78] : memref<32x100x1x100xi32, #tpu.memory_space<hbm>> -> memref<1x1x1x100xi32, #tpu.memory_space<hbm>>
      %dma_wait3A_80 = tpu.memref_squeeze %dma_wait3A_79 : memref<1x1x1x100xi32, #tpu.memory_space<hbm>> -> memref<1x100xi32, #tpu.memory_space<hbm>>
      %dma_wait3A_81 = arith.constant 0 : i32
      %dma_wait3A_82 = arith.constant 0 : i32
      %dma_wait3A_83 = tpu.memref_slice %arg3[%add3A, %add3A_69, %dma_wait3A_81, %dma_wait3A_82] : memref<32x100x1x100xi32, #tpu.memory_space<hbm>> -> memref<1x1x1x100xi32, #tpu.memory_space<hbm>>
      %dma_wait3A_84 = tpu.memref_squeeze %dma_wait3A_83 : memref<1x1x1x100xi32, #tpu.memory_space<hbm>> -> memref<1x100xi32, #tpu.memory_space<hbm>>
      tpu.wait_dma2 semaphore(%arg17 : memref<!tpu.dma_semaphore, #tpu.memory_space<semaphore_mem>>) src(%dma_wait3A_84 : memref<1x100xi32, #tpu.memory_space<hbm>>) dst(%arg8 : memref<1x100xi32, #tpu.memory_space<vmem>>)
      %dma_start3A_85 = arith.constant 0 : i32
      %dma_start3A_86 = arith.constant 0 : i32
      %dma_start3A_87 = tpu.memref_slice %arg8[%dma_start3A_85, %dma_start3A_86] : memref<1x100xi32, #tpu.memory_space<vmem>> -> memref<1x100xi32, #tpu.memory_space<vmem>>
      %dma_start3A_88 = tpu.memref_squeeze %dma_start3A_87 : memref<1x100xi32, #tpu.memory_space<vmem>> -> memref<100xi32, #tpu.memory_space<vmem>>
      %dma_start3A_89 = arith.constant 0 : i32
      %dma_start3A_90 = arith.constant 0 : i32
      %dma_start3A_91 = tpu.memref_slice %arg2[%dma_start3A_89, %dma_start3A_90] : memref<10000x128xf32, #tpu.memory_space<hbm>> -> memref<10000x128xf32, #tpu.memory_space<hbm>>
      tpu.enqueue_indirect_dma source(%dma_start3A_91 : memref<10000x128xf32, #tpu.memory_space<hbm>>) target(%arg12 : memref<100x128xf32, #tpu.memory_space<vmem>>) offsets(%dma_start3A_88 : memref<100xi32, #tpu.memory_space<vmem>>) semaphore(%arg15 : memref<!tpu.dma_semaphore, #tpu.memory_space<semaphore_mem>>)
      %dma_wait3A_92 = arith.constant 0 : i32
      %dma_wait3A_93 = arith.constant 0 : i32
      %dma_wait3A_94 = tpu.memref_slice %arg4[%add3A, %mul3A_67, %dma_wait3A_92, %dma_wait3A_93] : memref<32x100x1x100xi32, #tpu.memory_space<hbm>> -> memref<1x1x1x100xi32, #tpu.memory_space<hbm>>
      %dma_wait3A_95 = tpu.memref_squeeze %dma_wait3A_94 : memref<1x1x1x100xi32, #tpu.memory_space<hbm>> -> memref<1x100xi32, #tpu.memory_space<hbm>>
      %dma_wait3A_96 = arith.constant 0 : i32
      %dma_wait3A_97 = arith.constant 0 : i32
      %dma_wait3A_98 = tpu.memref_slice %arg4[%add3A, %mul3A_67, %dma_wait3A_96, %dma_wait3A_97] : memref<32x100x1x100xi32, #tpu.memory_space<hbm>> -> memref<1x1x1x100xi32, #tpu.memory_space<hbm>>
      %dma_wait3A_99 = tpu.memref_squeeze %dma_wait3A_98 : memref<1x1x1x100xi32, #tpu.memory_space<hbm>> -> memref<1x100xi32, #tpu.memory_space<hbm>>
      tpu.wait_dma2 semaphore(%arg18 : memref<!tpu.dma_semaphore, #tpu.memory_space<semaphore_mem>>) src(%dma_wait3A_99 : memref<1x100xi32, #tpu.memory_space<hbm>>) dst(%arg9 : memref<1x100xi32, #tpu.memory_space<vmem>>)
      %run_scoped3A = arith.constant 0 : i32
      "tpu.region"() ({
        %run_scoped3A_127 = tpu.sem_alloc : memref<!tpu.dma_semaphore, #tpu.memory_space<semaphore_mem>>
        %dma_start3A_128 = arith.constant 0 : i32
        %dma_start3A_129 = tpu.memref_slice %arg9[%run_scoped3A, %dma_start3A_128] : memref<1x100xi32, #tpu.memory_space<vmem>> -> memref<1x100xi32, #tpu.memory_space<vmem>>
        %dma_start3A_130 = tpu.memref_squeeze %dma_start3A_129 : memref<1x100xi32, #tpu.memory_space<vmem>> -> memref<100xi32, #tpu.memory_space<vmem>>
        %dma_start3A_131 = arith.constant 0 : i32
        %dma_start3A_132 = arith.constant 0 : i32
        %dma_start3A_133 = tpu.memref_slice %arg13[%dma_start3A_131, %dma_start3A_132] : memref<10240x128xf32, #tpu.memory_space<vmem_shared>> -> memref<10240x128xf32, #tpu.memory_space<vmem_shared>>
        tpu.enqueue_indirect_dma source(%arg11 : memref<100x128xf32, #tpu.memory_space<vmem>>) target(%dma_start3A_133 : memref<10240x128xf32, #tpu.memory_space<vmem_shared>>) offsets(%dma_start3A_130 : memref<100xi32, #tpu.memory_space<vmem>>) semaphore(%run_scoped3A_127 : memref<!tpu.dma_semaphore, #tpu.memory_space<semaphore_mem>>) {add = true}
        %dma_wait3A_134 = arith.constant 0 : i32
        %dma_wait3A_135 = tpu.memref_slice %arg9[%run_scoped3A, %dma_wait3A_134] : memref<1x100xi32, #tpu.memory_space<vmem>> -> memref<1x100xi32, #tpu.memory_space<vmem>>
        %dma_wait3A_136 = tpu.memref_squeeze %dma_wait3A_135 : memref<1x100xi32, #tpu.memory_space<vmem>> -> memref<100xi32, #tpu.memory_space<vmem>>
        %dma_wait3A_137 = arith.constant 0 : i32
        %dma_wait3A_138 = arith.constant 0 : i32
        %dma_wait3A_139 = tpu.memref_slice %arg13[%dma_wait3A_137, %dma_wait3A_138] : memref<10240x128xf32, #tpu.memory_space<vmem_shared>> -> memref<10240x128xf32, #tpu.memory_space<vmem_shared>>
        tpu.wait_indirect_dma semaphore(%run_scoped3A_127 : memref<!tpu.dma_semaphore, #tpu.memory_space<semaphore_mem>>) src(%arg11 : memref<100x128xf32, #tpu.memory_space<vmem>>) dst(%dma_wait3A_139 : memref<10240x128xf32, #tpu.memory_space<vmem_shared>>)
        tpu.yield
      }) : () -> ()
      %add3A_100 = arith.constant 1 : i32
      %add3A_101 = arith.addi %scan3A_65, %add3A_100 : i32
      %lt3A = arith.constant 50 : i32
      %lt3A_102 = arith.cmpi slt, %add3A_101, %lt3A : i32
      %convert_element_type3A = arith.extui %lt3A_102 : i1 to i32
      %cond3A = arith.constant 0 : i32
      %cond3A_103 = arith.cmpi ne, %convert_element_type3A, %cond3A : i32
      scf.if %cond3A_103 {
        %add3A_127 = arith.constant 2 : i32
        %add3A_128 = arith.addi %mul3A_67, %add3A_127 : i32
        %dma_start3A_129 = arith.constant 0 : i32
        %dma_start3A_130 = arith.constant 0 : i32
        %dma_start3A_131 = tpu.memref_slice %arg3[%add3A, %add3A_128, %dma_start3A_129, %dma_start3A_130] : memref<32x100x1x100xi32, #tpu.memory_space<hbm>> -> memref<1x1x1x100xi32, #tpu.memory_space<hbm>>
        %dma_start3A_132 = tpu.memref_squeeze %dma_start3A_131 : memref<1x1x1x100xi32, #tpu.memory_space<hbm>> -> memref<1x100xi32, #tpu.memory_space<hbm>>
        %dma_start3A_133 = arith.constant 0 : i32
        %dma_start3A_134 = arith.constant 0 : i32
        %dma_start3A_135 = tpu.memref_slice %arg3[%add3A, %add3A_128, %dma_start3A_133, %dma_start3A_134] : memref<32x100x1x100xi32, #tpu.memory_space<hbm>> -> memref<1x1x1x100xi32, #tpu.memory_space<hbm>>
        %dma_start3A_136 = tpu.memref_squeeze %dma_start3A_135 : memref<1x1x1x100xi32, #tpu.memory_space<hbm>> -> memref<1x100xi32, #tpu.memory_space<hbm>>
        tpu.enqueue_dma source(%dma_start3A_136 : memref<1x100xi32, #tpu.memory_space<hbm>>) target(%arg7 : memref<1x100xi32, #tpu.memory_space<vmem>>) target_semaphore(%arg16 : memref<!tpu.dma_semaphore, #tpu.memory_space<semaphore_mem>>)
        %add3A_137 = arith.constant 2 : i32
        %add3A_138 = arith.addi %mul3A_67, %add3A_137 : i32
        %dma_start3A_139 = arith.constant 0 : i32
        %dma_start3A_140 = arith.constant 0 : i32
        %dma_start3A_141 = tpu.memref_slice %arg4[%add3A, %add3A_138, %dma_start3A_139, %dma_start3A_140] : memref<32x100x1x100xi32, #tpu.memory_space<hbm>> -> memref<1x1x1x100xi32, #tpu.memory_space<hbm>>
        %dma_start3A_142 = tpu.memref_squeeze %dma_start3A_141 : memref<1x1x1x100xi32, #tpu.memory_space<hbm>> -> memref<1x100xi32, #tpu.memory_space<hbm>>
        %dma_start3A_143 = arith.constant 0 : i32
        %dma_start3A_144 = arith.constant 0 : i32
        %dma_start3A_145 = tpu.memref_slice %arg4[%add3A, %add3A_138, %dma_start3A_143, %dma_start3A_144] : memref<32x100x1x100xi32, #tpu.memory_space<hbm>> -> memref<1x1x1x100xi32, #tpu.memory_space<hbm>>
        %dma_start3A_146 = tpu.memref_squeeze %dma_start3A_145 : memref<1x1x1x100xi32, #tpu.memory_space<hbm>> -> memref<1x100xi32, #tpu.memory_space<hbm>>
        tpu.enqueue_dma source(%dma_start3A_146 : memref<1x100xi32, #tpu.memory_space<hbm>>) target(%arg9 : memref<1x100xi32, #tpu.memory_space<vmem>>) target_semaphore(%arg18 : memref<!tpu.dma_semaphore, #tpu.memory_space<semaphore_mem>>)
      } else {
      }
      %dma_wait3A_104 = arith.constant 0 : i32
      %dma_wait3A_105 = arith.constant 0 : i32
      %dma_wait3A_106 = tpu.memref_slice %arg8[%dma_wait3A_104, %dma_wait3A_105] : memref<1x100xi32, #tpu.memory_space<vmem>> -> memref<1x100xi32, #tpu.memory_space<vmem>>
      %dma_wait3A_107 = tpu.memref_squeeze %dma_wait3A_106 : memref<1x100xi32, #tpu.memory_space<vmem>> -> memref<100xi32, #tpu.memory_space<vmem>>
      %dma_wait3A_108 = arith.constant 0 : i32
      %dma_wait3A_109 = arith.constant 0 : i32
      %dma_wait3A_110 = tpu.memref_slice %arg2[%dma_wait3A_108, %dma_wait3A_109] : memref<10000x128xf32, #tpu.memory_space<hbm>> -> memref<10000x128xf32, #tpu.memory_space<hbm>>
      tpu.wait_indirect_dma semaphore(%arg15 : memref<!tpu.dma_semaphore, #tpu.memory_space<semaphore_mem>>) src(%dma_wait3A_110 : memref<10000x128xf32, #tpu.memory_space<hbm>>) dst(%arg12 : memref<100x128xf32, #tpu.memory_space<vmem>>)
      %dma_wait3A_111 = arith.constant 0 : i32
      %dma_wait3A_112 = arith.constant 0 : i32
      %dma_wait3A_113 = tpu.memref_slice %arg4[%add3A, %add3A_69, %dma_wait3A_111, %dma_wait3A_112] : memref<32x100x1x100xi32, #tpu.memory_space<hbm>> -> memref<1x1x1x100xi32, #tpu.memory_space<hbm>>
      %dma_wait3A_114 = tpu.memref_squeeze %dma_wait3A_113 : memref<1x1x1x100xi32, #tpu.memory_space<hbm>> -> memref<1x100xi32, #tpu.memory_space<hbm>>
      %dma_wait3A_115 = arith.constant 0 : i32
      %dma_wait3A_116 = arith.constant 0 : i32
      %dma_wait3A_117 = tpu.memref_slice %arg4[%add3A, %add3A_69, %dma_wait3A_115, %dma_wait3A_116] : memref<32x100x1x100xi32, #tpu.memory_space<hbm>> -> memref<1x1x1x100xi32, #tpu.memory_space<hbm>>
      %dma_wait3A_118 = tpu.memref_squeeze %dma_wait3A_117 : memref<1x1x1x100xi32, #tpu.memory_space<hbm>> -> memref<1x100xi32, #tpu.memory_space<hbm>>
      tpu.wait_dma2 semaphore(%arg19 : memref<!tpu.dma_semaphore, #tpu.memory_space<semaphore_mem>>) src(%dma_wait3A_118 : memref<1x100xi32, #tpu.memory_space<hbm>>) dst(%arg10 : memref<1x100xi32, #tpu.memory_space<vmem>>)
      %run_scoped3A_119 = arith.constant 0 : i32
      "tpu.region"() ({
        %run_scoped3A_127 = tpu.sem_alloc : memref<!tpu.dma_semaphore, #tpu.memory_space<semaphore_mem>>
        %dma_start3A_128 = arith.constant 0 : i32
        %dma_start3A_129 = tpu.memref_slice %arg10[%run_scoped3A_119, %dma_start3A_128] : memref<1x100xi32, #tpu.memory_space<vmem>> -> memref<1x100xi32, #tpu.memory_space<vmem>>
        %dma_start3A_130 = tpu.memref_squeeze %dma_start3A_129 : memref<1x100xi32, #tpu.memory_space<vmem>> -> memref<100xi32, #tpu.memory_space<vmem>>
        %dma_start3A_131 = arith.constant 0 : i32
        %dma_start3A_132 = arith.constant 0 : i32
        %dma_start3A_133 = tpu.memref_slice %arg13[%dma_start3A_131, %dma_start3A_132] : memref<10240x128xf32, #tpu.memory_space<vmem_shared>> -> memref<10240x128xf32, #tpu.memory_space<vmem_shared>>
        tpu.enqueue_indirect_dma source(%arg12 : memref<100x128xf32, #tpu.memory_space<vmem>>) target(%dma_start3A_133 : memref<10240x128xf32, #tpu.memory_space<vmem_shared>>) offsets(%dma_start3A_130 : memref<100xi32, #tpu.memory_space<vmem>>) semaphore(%run_scoped3A_127 : memref<!tpu.dma_semaphore, #tpu.memory_space<semaphore_mem>>) {add = true}
        %dma_wait3A_134 = arith.constant 0 : i32
        %dma_wait3A_135 = tpu.memref_slice %arg10[%run_scoped3A_119, %dma_wait3A_134] : memref<1x100xi32, #tpu.memory_space<vmem>> -> memref<1x100xi32, #tpu.memory_space<vmem>>
        %dma_wait3A_136 = tpu.memref_squeeze %dma_wait3A_135 : memref<1x100xi32, #tpu.memory_space<vmem>> -> memref<100xi32, #tpu.memory_space<vmem>>
        %dma_wait3A_137 = arith.constant 0 : i32
        %dma_wait3A_138 = arith.constant 0 : i32
        %dma_wait3A_139 = tpu.memref_slice %arg13[%dma_wait3A_137, %dma_wait3A_138] : memref<10240x128xf32, #tpu.memory_space<vmem_shared>> -> memref<10240x128xf32, #tpu.memory_space<vmem_shared>>
        tpu.wait_indirect_dma semaphore(%run_scoped3A_127 : memref<!tpu.dma_semaphore, #tpu.memory_space<semaphore_mem>>) src(%arg12 : memref<100x128xf32, #tpu.memory_space<vmem>>) dst(%dma_wait3A_139 : memref<10240x128xf32, #tpu.memory_space<vmem_shared>>)
        tpu.yield
      }) : () -> ()
      %add3A_120 = arith.constant 1 : i32
      %add3A_121 = arith.addi %scan3A_65, %add3A_120 : i32
      %lt3A_122 = arith.constant 50 : i32
      %lt3A_123 = arith.cmpi slt, %add3A_121, %lt3A_122 : i32
      %convert_element_type3A_124 = arith.extui %lt3A_123 : i1 to i32
      %cond3A_125 = arith.constant 0 : i32
      %cond3A_126 = arith.cmpi ne, %convert_element_type3A_124, %cond3A_125 : i32
      scf.if %cond3A_126 {
        %add3A_127 = arith.constant 2 : i32
        %add3A_128 = arith.addi %mul3A_67, %add3A_127 : i32
        %dma_wait3A_129 = arith.constant 0 : i32
        %dma_wait3A_130 = arith.constant 0 : i32
        %dma_wait3A_131 = tpu.memref_slice %arg3[%add3A, %add3A_128, %dma_wait3A_129, %dma_wait3A_130] : memref<32x100x1x100xi32, #tpu.memory_space<hbm>> -> memref<1x1x1x100xi32, #tpu.memory_space<hbm>>
        %dma_wait3A_132 = tpu.memref_squeeze %dma_wait3A_131 : memref<1x1x1x100xi32, #tpu.memory_space<hbm>> -> memref<1x100xi32, #tpu.memory_space<hbm>>
        %dma_wait3A_133 = arith.constant 0 : i32
        %dma_wait3A_134 = arith.constant 0 : i32
        %dma_wait3A_135 = tpu.memref_slice %arg3[%add3A, %add3A_128, %dma_wait3A_133, %dma_wait3A_134] : memref<32x100x1x100xi32, #tpu.memory_space<hbm>> -> memref<1x1x1x100xi32, #tpu.memory_space<hbm>>
        %dma_wait3A_136 = tpu.memref_squeeze %dma_wait3A_135 : memref<1x1x1x100xi32, #tpu.memory_space<hbm>> -> memref<1x100xi32, #tpu.memory_space<hbm>>
        tpu.wait_dma2 semaphore(%arg16 : memref<!tpu.dma_semaphore, #tpu.memory_space<semaphore_mem>>) src(%dma_wait3A_136 : memref<1x100xi32, #tpu.memory_space<hbm>>) dst(%arg7 : memref<1x100xi32, #tpu.memory_space<vmem>>)
        %dma_start3A_137 = arith.constant 0 : i32
        %dma_start3A_138 = arith.constant 0 : i32
        %dma_start3A_139 = tpu.memref_slice %arg7[%dma_start3A_137, %dma_start3A_138] : memref<1x100xi32, #tpu.memory_space<vmem>> -> memref<1x100xi32, #tpu.memory_space<vmem>>
        %dma_start3A_140 = tpu.memref_squeeze %dma_start3A_139 : memref<1x100xi32, #tpu.memory_space<vmem>> -> memref<100xi32, #tpu.memory_space<vmem>>
        %dma_start3A_141 = arith.constant 0 : i32
        %dma_start3A_142 = arith.constant 0 : i32
        %dma_start3A_143 = tpu.memref_slice %arg2[%dma_start3A_141, %dma_start3A_142] : memref<10000x128xf32, #tpu.memory_space<hbm>> -> memref<10000x128xf32, #tpu.memory_space<hbm>>
        tpu.enqueue_indirect_dma source(%dma_start3A_143 : memref<10000x128xf32, #tpu.memory_space<hbm>>) target(%arg11 : memref<100x128xf32, #tpu.memory_space<vmem>>) offsets(%dma_start3A_140 : memref<100xi32, #tpu.memory_space<vmem>>) semaphore(%arg14 : memref<!tpu.dma_semaphore, #tpu.memory_space<semaphore_mem>>)
        %add3A_144 = arith.constant 3 : i32
        %add3A_145 = arith.addi %mul3A_67, %add3A_144 : i32
        %dma_start3A_146 = arith.constant 0 : i32
        %dma_start3A_147 = arith.constant 0 : i32
        %dma_start3A_148 = tpu.memref_slice %arg3[%add3A, %add3A_145, %dma_start3A_146, %dma_start3A_147] : memref<32x100x1x100xi32, #tpu.memory_space<hbm>> -> memref<1x1x1x100xi32, #tpu.memory_space<hbm>>
        %dma_start3A_149 = tpu.memref_squeeze %dma_start3A_148 : memref<1x1x1x100xi32, #tpu.memory_space<hbm>> -> memref<1x100xi32, #tpu.memory_space<hbm>>
        %dma_start3A_150 = arith.constant 0 : i32
        %dma_start3A_151 = arith.constant 0 : i32
        %dma_start3A_152 = tpu.memref_slice %arg3[%add3A, %add3A_145, %dma_start3A_150, %dma_start3A_151] : memref<32x100x1x100xi32, #tpu.memory_space<hbm>> -> memref<1x1x1x100xi32, #tpu.memory_space<hbm>>
        %dma_start3A_153 = tpu.memref_squeeze %dma_start3A_152 : memref<1x1x1x100xi32, #tpu.memory_space<hbm>> -> memref<1x100xi32, #tpu.memory_space<hbm>>
        tpu.enqueue_dma source(%dma_start3A_153 : memref<1x100xi32, #tpu.memory_space<hbm>>) target(%arg8 : memref<1x100xi32, #tpu.memory_space<vmem>>) target_semaphore(%arg17 : memref<!tpu.dma_semaphore, #tpu.memory_space<semaphore_mem>>)
        %add3A_154 = arith.constant 3 : i32
        %add3A_155 = arith.addi %mul3A_67, %add3A_154 : i32
        %dma_start3A_156 = arith.constant 0 : i32
        %dma_start3A_157 = arith.constant 0 : i32
        %dma_start3A_158 = tpu.memref_slice %arg4[%add3A, %add3A_155, %dma_start3A_156, %dma_start3A_157] : memref<32x100x1x100xi32, #tpu.memory_space<hbm>> -> memref<1x1x1x100xi32, #tpu.memory_space<hbm>>
        %dma_start3A_159 = tpu.memref_squeeze %dma_start3A_158 : memref<1x1x1x100xi32, #tpu.memory_space<hbm>> -> memref<1x100xi32, #tpu.memory_space<hbm>>
        %dma_start3A_160 = arith.constant 0 : i32
        %dma_start3A_161 = arith.constant 0 : i32
        %dma_start3A_162 = tpu.memref_slice %arg4[%add3A, %add3A_155, %dma_start3A_160, %dma_start3A_161] : memref<32x100x1x100xi32, #tpu.memory_space<hbm>> -> memref<1x1x1x100xi32, #tpu.memory_space<hbm>>
        %dma_start3A_163 = tpu.memref_squeeze %dma_start3A_162 : memref<1x1x1x100xi32, #tpu.memory_space<hbm>> -> memref<1x100xi32, #tpu.memory_space<hbm>>
        tpu.enqueue_dma source(%dma_start3A_163 : memref<1x100xi32, #tpu.memory_space<hbm>>) target(%arg10 : memref<1x100xi32, #tpu.memory_space<vmem>>) target_semaphore(%arg19 : memref<!tpu.dma_semaphore, #tpu.memory_space<semaphore_mem>>)
      } else {
      }
    }
    %scan3A_59 = arith.constant 50 : i32
    %barrier3A_60 = arith.constant 0 : index
    tpu.barrier barrier_id(%barrier3A_60)
    %mul3A_61 = arith.constant 640 : i32
    %mul3A_62 = arith.muli %arg1, %mul3A_61 : i32
    %mul3A_63 = arith.constant 640 : i32
    %mul3A_64 = arith.muli %arg1, %mul3A_63 : i32
    "tpu.region"() ({
      %run_scoped3A = tpu.sem_alloc : memref<!tpu.dma_semaphore, #tpu.memory_space<semaphore_mem>>
      %dma_start3A_65 = arith.constant 0 : i32
      %dma_start3A_66 = tpu.memref_slice %arg6[%arg0, %mul3A_64, %dma_start3A_65] : memref<2x10240x128xf32, #tpu.memory_space<hbm>> -> memref<1x640x128xf32, #tpu.memory_space<hbm>>
      %dma_start3A_67 = tpu.memref_squeeze %dma_start3A_66 : memref<1x640x128xf32, #tpu.memory_space<hbm>> -> memref<640x128xf32, #tpu.memory_space<hbm>>
      %dma_start3A_68 = arith.constant 0 : i32
      %dma_start3A_69 = tpu.memref_slice %arg13[%mul3A_62, %dma_start3A_68] : memref<10240x128xf32, #tpu.memory_space<vmem_shared>> -> memref<640x128xf32, #tpu.memory_space<vmem_shared>>
      tpu.enqueue_dma source(%dma_start3A_69 : memref<640x128xf32, #tpu.memory_space<vmem_shared>>) target(%dma_start3A_67 : memref<640x128xf32, #tpu.memory_space<hbm>>) target_semaphore(%run_scoped3A : memref<!tpu.dma_semaphore, #tpu.memory_space<semaphore_mem>>)
      %dma_wait3A_70 = arith.constant 0 : i32
      %dma_wait3A_71 = tpu.memref_slice %arg6[%arg0, %mul3A_64, %dma_wait3A_70] : memref<2x10240x128xf32, #tpu.memory_space<hbm>> -> memref<1x640x128xf32, #tpu.memory_space<hbm>>
      %dma_wait3A_72 = tpu.memref_squeeze %dma_wait3A_71 : memref<1x640x128xf32, #tpu.memory_space<hbm>> -> memref<640x128xf32, #tpu.memory_space<hbm>>
      %dma_wait3A_73 = arith.constant 0 : i32
      %dma_wait3A_74 = tpu.memref_slice %arg13[%mul3A_62, %dma_wait3A_73] : memref<10240x128xf32, #tpu.memory_space<vmem_shared>> -> memref<640x128xf32, #tpu.memory_space<vmem_shared>>
      tpu.wait_dma2 semaphore(%run_scoped3A : memref<!tpu.dma_semaphore, #tpu.memory_space<semaphore_mem>>) src(%dma_wait3A_74 : memref<640x128xf32, #tpu.memory_space<vmem_shared>>) dst(%dma_wait3A_72 : memref<640x128xf32, #tpu.memory_space<hbm>>)
      tpu.yield
    }) : () -> ()
    return
  }
}

#map = affine_map<(d0, d1) -> (0, 0, 0, 0)>
#map1 = affine_map<(d0, d1) -> (0, 0)>
#map2 = affine_map<(d0, d1) -> (0, 0, 0)>
module attributes {stable_mosaic.version = 14 : i64} {
  func.func @_deg_body(%arg0: i32, %arg1: i32, %arg2: memref<32x100x1x100xi32, #tpu.memory_space<hbm>>, %arg3: memref<100x128xf32, #tpu.memory_space<hbm>>, %arg4: memref<10240x128xf32, #tpu.memory_space<hbm>>, %arg5: memref<2x10240x128xf32, #tpu.memory_space<hbm>>, %arg6: memref<1x100xi32, #tpu.memory_space<vmem>>, %arg7: memref<1x100xi32, #tpu.memory_space<vmem>>, %arg8: memref<100x128xf32, #tpu.memory_space<vmem>>, %arg9: memref<10240x128xf32, #tpu.memory_space<vmem_shared>>, %arg10: memref<!tpu.dma_semaphore, #tpu.memory_space<semaphore_mem>>, %arg11: memref<!tpu.dma_semaphore, #tpu.memory_space<semaphore_mem>>) attributes {dimension_semantics = [#tpu.dimension_semantics<core_parallel>, #tpu.dimension_semantics<subcore_parallel>], iteration_bounds = array<i64: 2, 16>, scalar_prefetch = 0 : i64, scratch_operands = 6 : i64, tpu.core_type = #tpu.core_type<sc_vector_subcore>, window_params = [{transform_indices = #map}, {transform_indices = #map1}, {transform_indices = #map1}, {transform_indices = #map2}]} {
    %mul3A = arith.constant 16 : i32
    %mul3A_0 = arith.muli %arg0, %mul3A : i32
    %add3A = arith.addi %mul3A_0, %arg1 : i32
    %mul3A_1 = arith.constant 640 : i32
    %mul3A_2 = arith.muli %arg1, %mul3A_1 : i32
    %mul3A_3 = arith.constant 640 : i32
    %mul3A_4 = arith.muli %arg1, %mul3A_3 : i32
    "tpu.region"() ({
      %run_scoped3A = tpu.sem_alloc : memref<!tpu.dma_semaphore, #tpu.memory_space<semaphore_mem>>
      %dma_start3A_32 = arith.constant 0 : i32
      %dma_start3A_33 = tpu.memref_slice %arg9[%mul3A_4, %dma_start3A_32] : memref<10240x128xf32, #tpu.memory_space<vmem_shared>> -> memref<640x128xf32, #tpu.memory_space<vmem_shared>>
      %dma_start3A_34 = arith.constant 0 : i32
      %dma_start3A_35 = tpu.memref_slice %arg4[%mul3A_2, %dma_start3A_34] : memref<10240x128xf32, #tpu.memory_space<hbm>> -> memref<640x128xf32, #tpu.memory_space<hbm>>
      tpu.enqueue_dma source(%dma_start3A_35 : memref<640x128xf32, #tpu.memory_space<hbm>>) target(%dma_start3A_33 : memref<640x128xf32, #tpu.memory_space<vmem_shared>>) target_semaphore(%run_scoped3A : memref<!tpu.dma_semaphore, #tpu.memory_space<semaphore_mem>>)
      %dma_wait3A = arith.constant 0 : i32
      %dma_wait3A_36 = tpu.memref_slice %arg9[%mul3A_4, %dma_wait3A] : memref<10240x128xf32, #tpu.memory_space<vmem_shared>> -> memref<640x128xf32, #tpu.memory_space<vmem_shared>>
      %dma_wait3A_37 = arith.constant 0 : i32
      %dma_wait3A_38 = tpu.memref_slice %arg4[%mul3A_2, %dma_wait3A_37] : memref<10240x128xf32, #tpu.memory_space<hbm>> -> memref<640x128xf32, #tpu.memory_space<hbm>>
      tpu.wait_dma2 semaphore(%run_scoped3A : memref<!tpu.dma_semaphore, #tpu.memory_space<semaphore_mem>>) src(%dma_wait3A_38 : memref<640x128xf32, #tpu.memory_space<hbm>>) dst(%dma_wait3A_36 : memref<640x128xf32, #tpu.memory_space<vmem_shared>>)
      tpu.yield
    }) : () -> ()
    "tpu.region"() ({
      %run_scoped3A = tpu.sem_alloc : memref<!tpu.dma_semaphore, #tpu.memory_space<semaphore_mem>>
      tpu.enqueue_dma source(%arg3 : memref<100x128xf32, #tpu.memory_space<hbm>>) target(%arg8 : memref<100x128xf32, #tpu.memory_space<vmem>>) target_semaphore(%run_scoped3A : memref<!tpu.dma_semaphore, #tpu.memory_space<semaphore_mem>>)
      tpu.wait_dma2 semaphore(%run_scoped3A : memref<!tpu.dma_semaphore, #tpu.memory_space<semaphore_mem>>) src(%arg3 : memref<100x128xf32, #tpu.memory_space<hbm>>) dst(%arg8 : memref<100x128xf32, #tpu.memory_space<vmem>>)
      tpu.yield
    }) : () -> ()
    %barrier3A = arith.constant 0 : index
    tpu.barrier barrier_id(%barrier3A)
    %dma_start3A = arith.constant 0 : i32
    %dma_start3A_5 = arith.constant 0 : i32
    %dma_start3A_6 = arith.constant 0 : i32
    %dma_start3A_7 = tpu.memref_slice %arg2[%add3A, %dma_start3A, %dma_start3A_5, %dma_start3A_6] : memref<32x100x1x100xi32, #tpu.memory_space<hbm>> -> memref<1x1x1x100xi32, #tpu.memory_space<hbm>>
    %dma_start3A_8 = tpu.memref_squeeze %dma_start3A_7 : memref<1x1x1x100xi32, #tpu.memory_space<hbm>> -> memref<1x100xi32, #tpu.memory_space<hbm>>
    %dma_start3A_9 = arith.constant 0 : i32
    %dma_start3A_10 = arith.constant 0 : i32
    %dma_start3A_11 = tpu.memref_slice %arg2[%add3A, %dma_start3A, %dma_start3A_9, %dma_start3A_10] : memref<32x100x1x100xi32, #tpu.memory_space<hbm>> -> memref<1x1x1x100xi32, #tpu.memory_space<hbm>>
    %dma_start3A_12 = tpu.memref_squeeze %dma_start3A_11 : memref<1x1x1x100xi32, #tpu.memory_space<hbm>> -> memref<1x100xi32, #tpu.memory_space<hbm>>
    tpu.enqueue_dma source(%dma_start3A_12 : memref<1x100xi32, #tpu.memory_space<hbm>>) target(%arg6 : memref<1x100xi32, #tpu.memory_space<vmem>>) target_semaphore(%arg10 : memref<!tpu.dma_semaphore, #tpu.memory_space<semaphore_mem>>)
    %dma_start3A_13 = arith.constant 1 : i32
    %dma_start3A_14 = arith.constant 0 : i32
    %dma_start3A_15 = arith.constant 0 : i32
    %dma_start3A_16 = tpu.memref_slice %arg2[%add3A, %dma_start3A_13, %dma_start3A_14, %dma_start3A_15] : memref<32x100x1x100xi32, #tpu.memory_space<hbm>> -> memref<1x1x1x100xi32, #tpu.memory_space<hbm>>
    %dma_start3A_17 = tpu.memref_squeeze %dma_start3A_16 : memref<1x1x1x100xi32, #tpu.memory_space<hbm>> -> memref<1x100xi32, #tpu.memory_space<hbm>>
    %dma_start3A_18 = arith.constant 0 : i32
    %dma_start3A_19 = arith.constant 0 : i32
    %dma_start3A_20 = tpu.memref_slice %arg2[%add3A, %dma_start3A_13, %dma_start3A_18, %dma_start3A_19] : memref<32x100x1x100xi32, #tpu.memory_space<hbm>> -> memref<1x1x1x100xi32, #tpu.memory_space<hbm>>
    %dma_start3A_21 = tpu.memref_squeeze %dma_start3A_20 : memref<1x1x1x100xi32, #tpu.memory_space<hbm>> -> memref<1x100xi32, #tpu.memory_space<hbm>>
    tpu.enqueue_dma source(%dma_start3A_21 : memref<1x100xi32, #tpu.memory_space<hbm>>) target(%arg7 : memref<1x100xi32, #tpu.memory_space<vmem>>) target_semaphore(%arg11 : memref<!tpu.dma_semaphore, #tpu.memory_space<semaphore_mem>>)
    %scan3A = arith.constant 0 : i32
    %scan3A_22 = arith.constant 0 : i32
    %scan3A_23 = arith.constant 50 : i32
    %scan3A_24 = arith.addi %scan3A_22, %scan3A_23 : i32
    %scan3A_25 = arith.constant 1 : i32
    scf.for %scan3A_32 = %scan3A_22 to %scan3A_24 step %scan3A_25  : i32 {
      %mul3A_33 = arith.constant 2 : i32
      %mul3A_34 = arith.muli %mul3A_33, %scan3A_32 : i32
      %add3A_35 = arith.constant 1 : i32
      %add3A_36 = arith.addi %mul3A_34, %add3A_35 : i32
      %dma_wait3A = arith.constant 0 : i32
      %dma_wait3A_37 = arith.constant 0 : i32
      %dma_wait3A_38 = tpu.memref_slice %arg2[%add3A, %mul3A_34, %dma_wait3A, %dma_wait3A_37] : memref<32x100x1x100xi32, #tpu.memory_space<hbm>> -> memref<1x1x1x100xi32, #tpu.memory_space<hbm>>
      %dma_wait3A_39 = tpu.memref_squeeze %dma_wait3A_38 : memref<1x1x1x100xi32, #tpu.memory_space<hbm>> -> memref<1x100xi32, #tpu.memory_space<hbm>>
      %dma_wait3A_40 = arith.constant 0 : i32
      %dma_wait3A_41 = arith.constant 0 : i32
      %dma_wait3A_42 = tpu.memref_slice %arg2[%add3A, %mul3A_34, %dma_wait3A_40, %dma_wait3A_41] : memref<32x100x1x100xi32, #tpu.memory_space<hbm>> -> memref<1x1x1x100xi32, #tpu.memory_space<hbm>>
      %dma_wait3A_43 = tpu.memref_squeeze %dma_wait3A_42 : memref<1x1x1x100xi32, #tpu.memory_space<hbm>> -> memref<1x100xi32, #tpu.memory_space<hbm>>
      tpu.wait_dma2 semaphore(%arg10 : memref<!tpu.dma_semaphore, #tpu.memory_space<semaphore_mem>>) src(%dma_wait3A_43 : memref<1x100xi32, #tpu.memory_space<hbm>>) dst(%arg6 : memref<1x100xi32, #tpu.memory_space<vmem>>)
      %run_scoped3A = arith.constant 0 : i32
      "tpu.region"() ({
        %run_scoped3A_64 = tpu.sem_alloc : memref<!tpu.dma_semaphore, #tpu.memory_space<semaphore_mem>>
        %dma_start3A_65 = arith.constant 0 : i32
        %dma_start3A_66 = tpu.memref_slice %arg6[%run_scoped3A, %dma_start3A_65] : memref<1x100xi32, #tpu.memory_space<vmem>> -> memref<1x100xi32, #tpu.memory_space<vmem>>
        %dma_start3A_67 = tpu.memref_squeeze %dma_start3A_66 : memref<1x100xi32, #tpu.memory_space<vmem>> -> memref<100xi32, #tpu.memory_space<vmem>>
        %dma_start3A_68 = arith.constant 0 : i32
        %dma_start3A_69 = arith.constant 0 : i32
        %dma_start3A_70 = tpu.memref_slice %arg9[%dma_start3A_68, %dma_start3A_69] : memref<10240x128xf32, #tpu.memory_space<vmem_shared>> -> memref<10240x128xf32, #tpu.memory_space<vmem_shared>>
        tpu.enqueue_indirect_dma source(%arg8 : memref<100x128xf32, #tpu.memory_space<vmem>>) target(%dma_start3A_70 : memref<10240x128xf32, #tpu.memory_space<vmem_shared>>) offsets(%dma_start3A_67 : memref<100xi32, #tpu.memory_space<vmem>>) semaphore(%run_scoped3A_64 : memref<!tpu.dma_semaphore, #tpu.memory_space<semaphore_mem>>) {add = true}
        %dma_wait3A_71 = arith.constant 0 : i32
        %dma_wait3A_72 = tpu.memref_slice %arg6[%run_scoped3A, %dma_wait3A_71] : memref<1x100xi32, #tpu.memory_space<vmem>> -> memref<1x100xi32, #tpu.memory_space<vmem>>
        %dma_wait3A_73 = tpu.memref_squeeze %dma_wait3A_72 : memref<1x100xi32, #tpu.memory_space<vmem>> -> memref<100xi32, #tpu.memory_space<vmem>>
        %dma_wait3A_74 = arith.constant 0 : i32
        %dma_wait3A_75 = arith.constant 0 : i32
        %dma_wait3A_76 = tpu.memref_slice %arg9[%dma_wait3A_74, %dma_wait3A_75] : memref<10240x128xf32, #tpu.memory_space<vmem_shared>> -> memref<10240x128xf32, #tpu.memory_space<vmem_shared>>
        tpu.wait_indirect_dma semaphore(%run_scoped3A_64 : memref<!tpu.dma_semaphore, #tpu.memory_space<semaphore_mem>>) src(%arg8 : memref<100x128xf32, #tpu.memory_space<vmem>>) dst(%dma_wait3A_76 : memref<10240x128xf32, #tpu.memory_space<vmem_shared>>)
        tpu.yield
      }) : () -> ()
      %add3A_44 = arith.constant 1 : i32
      %add3A_45 = arith.addi %scan3A_32, %add3A_44 : i32
      %lt3A = arith.constant 50 : i32
      %lt3A_46 = arith.cmpi slt, %add3A_45, %lt3A : i32
      %convert_element_type3A = arith.extui %lt3A_46 : i1 to i32
      %cond3A = arith.constant 0 : i32
      %cond3A_47 = arith.cmpi ne, %convert_element_type3A, %cond3A : i32
      scf.if %cond3A_47 {
        %add3A_64 = arith.constant 2 : i32
        %add3A_65 = arith.addi %mul3A_34, %add3A_64 : i32
        %dma_start3A_66 = arith.constant 0 : i32
        %dma_start3A_67 = arith.constant 0 : i32
        %dma_start3A_68 = tpu.memref_slice %arg2[%add3A, %add3A_65, %dma_start3A_66, %dma_start3A_67] : memref<32x100x1x100xi32, #tpu.memory_space<hbm>> -> memref<1x1x1x100xi32, #tpu.memory_space<hbm>>
        %dma_start3A_69 = tpu.memref_squeeze %dma_start3A_68 : memref<1x1x1x100xi32, #tpu.memory_space<hbm>> -> memref<1x100xi32, #tpu.memory_space<hbm>>
        %dma_start3A_70 = arith.constant 0 : i32
        %dma_start3A_71 = arith.constant 0 : i32
        %dma_start3A_72 = tpu.memref_slice %arg2[%add3A, %add3A_65, %dma_start3A_70, %dma_start3A_71] : memref<32x100x1x100xi32, #tpu.memory_space<hbm>> -> memref<1x1x1x100xi32, #tpu.memory_space<hbm>>
        %dma_start3A_73 = tpu.memref_squeeze %dma_start3A_72 : memref<1x1x1x100xi32, #tpu.memory_space<hbm>> -> memref<1x100xi32, #tpu.memory_space<hbm>>
        tpu.enqueue_dma source(%dma_start3A_73 : memref<1x100xi32, #tpu.memory_space<hbm>>) target(%arg6 : memref<1x100xi32, #tpu.memory_space<vmem>>) target_semaphore(%arg10 : memref<!tpu.dma_semaphore, #tpu.memory_space<semaphore_mem>>)
      } else {
      }
      %dma_wait3A_48 = arith.constant 0 : i32
      %dma_wait3A_49 = arith.constant 0 : i32
      %dma_wait3A_50 = tpu.memref_slice %arg2[%add3A, %add3A_36, %dma_wait3A_48, %dma_wait3A_49] : memref<32x100x1x100xi32, #tpu.memory_space<hbm>> -> memref<1x1x1x100xi32, #tpu.memory_space<hbm>>
      %dma_wait3A_51 = tpu.memref_squeeze %dma_wait3A_50 : memref<1x1x1x100xi32, #tpu.memory_space<hbm>> -> memref<1x100xi32, #tpu.memory_space<hbm>>
      %dma_wait3A_52 = arith.constant 0 : i32
      %dma_wait3A_53 = arith.constant 0 : i32
      %dma_wait3A_54 = tpu.memref_slice %arg2[%add3A, %add3A_36, %dma_wait3A_52, %dma_wait3A_53] : memref<32x100x1x100xi32, #tpu.memory_space<hbm>> -> memref<1x1x1x100xi32, #tpu.memory_space<hbm>>
      %dma_wait3A_55 = tpu.memref_squeeze %dma_wait3A_54 : memref<1x1x1x100xi32, #tpu.memory_space<hbm>> -> memref<1x100xi32, #tpu.memory_space<hbm>>
      tpu.wait_dma2 semaphore(%arg11 : memref<!tpu.dma_semaphore, #tpu.memory_space<semaphore_mem>>) src(%dma_wait3A_55 : memref<1x100xi32, #tpu.memory_space<hbm>>) dst(%arg7 : memref<1x100xi32, #tpu.memory_space<vmem>>)
      %run_scoped3A_56 = arith.constant 0 : i32
      "tpu.region"() ({
        %run_scoped3A_64 = tpu.sem_alloc : memref<!tpu.dma_semaphore, #tpu.memory_space<semaphore_mem>>
        %dma_start3A_65 = arith.constant 0 : i32
        %dma_start3A_66 = tpu.memref_slice %arg7[%run_scoped3A_56, %dma_start3A_65] : memref<1x100xi32, #tpu.memory_space<vmem>> -> memref<1x100xi32, #tpu.memory_space<vmem>>
        %dma_start3A_67 = tpu.memref_squeeze %dma_start3A_66 : memref<1x100xi32, #tpu.memory_space<vmem>> -> memref<100xi32, #tpu.memory_space<vmem>>
        %dma_start3A_68 = arith.constant 0 : i32
        %dma_start3A_69 = arith.constant 0 : i32
        %dma_start3A_70 = tpu.memref_slice %arg9[%dma_start3A_68, %dma_start3A_69] : memref<10240x128xf32, #tpu.memory_space<vmem_shared>> -> memref<10240x128xf32, #tpu.memory_space<vmem_shared>>
        tpu.enqueue_indirect_dma source(%arg8 : memref<100x128xf32, #tpu.memory_space<vmem>>) target(%dma_start3A_70 : memref<10240x128xf32, #tpu.memory_space<vmem_shared>>) offsets(%dma_start3A_67 : memref<100xi32, #tpu.memory_space<vmem>>) semaphore(%run_scoped3A_64 : memref<!tpu.dma_semaphore, #tpu.memory_space<semaphore_mem>>) {add = true}
        %dma_wait3A_71 = arith.constant 0 : i32
        %dma_wait3A_72 = tpu.memref_slice %arg7[%run_scoped3A_56, %dma_wait3A_71] : memref<1x100xi32, #tpu.memory_space<vmem>> -> memref<1x100xi32, #tpu.memory_space<vmem>>
        %dma_wait3A_73 = tpu.memref_squeeze %dma_wait3A_72 : memref<1x100xi32, #tpu.memory_space<vmem>> -> memref<100xi32, #tpu.memory_space<vmem>>
        %dma_wait3A_74 = arith.constant 0 : i32
        %dma_wait3A_75 = arith.constant 0 : i32
        %dma_wait3A_76 = tpu.memref_slice %arg9[%dma_wait3A_74, %dma_wait3A_75] : memref<10240x128xf32, #tpu.memory_space<vmem_shared>> -> memref<10240x128xf32, #tpu.memory_space<vmem_shared>>
        tpu.wait_indirect_dma semaphore(%run_scoped3A_64 : memref<!tpu.dma_semaphore, #tpu.memory_space<semaphore_mem>>) src(%arg8 : memref<100x128xf32, #tpu.memory_space<vmem>>) dst(%dma_wait3A_76 : memref<10240x128xf32, #tpu.memory_space<vmem_shared>>)
        tpu.yield
      }) : () -> ()
      %add3A_57 = arith.constant 1 : i32
      %add3A_58 = arith.addi %scan3A_32, %add3A_57 : i32
      %lt3A_59 = arith.constant 50 : i32
      %lt3A_60 = arith.cmpi slt, %add3A_58, %lt3A_59 : i32
      %convert_element_type3A_61 = arith.extui %lt3A_60 : i1 to i32
      %cond3A_62 = arith.constant 0 : i32
      %cond3A_63 = arith.cmpi ne, %convert_element_type3A_61, %cond3A_62 : i32
      scf.if %cond3A_63 {
        %add3A_64 = arith.constant 2 : i32
        %add3A_65 = arith.addi %add3A_36, %add3A_64 : i32
        %dma_start3A_66 = arith.constant 0 : i32
        %dma_start3A_67 = arith.constant 0 : i32
        %dma_start3A_68 = tpu.memref_slice %arg2[%add3A, %add3A_65, %dma_start3A_66, %dma_start3A_67] : memref<32x100x1x100xi32, #tpu.memory_space<hbm>> -> memref<1x1x1x100xi32, #tpu.memory_space<hbm>>
        %dma_start3A_69 = tpu.memref_squeeze %dma_start3A_68 : memref<1x1x1x100xi32, #tpu.memory_space<hbm>> -> memref<1x100xi32, #tpu.memory_space<hbm>>
        %dma_start3A_70 = arith.constant 0 : i32
        %dma_start3A_71 = arith.constant 0 : i32
        %dma_start3A_72 = tpu.memref_slice %arg2[%add3A, %add3A_65, %dma_start3A_70, %dma_start3A_71] : memref<32x100x1x100xi32, #tpu.memory_space<hbm>> -> memref<1x1x1x100xi32, #tpu.memory_space<hbm>>
        %dma_start3A_73 = tpu.memref_squeeze %dma_start3A_72 : memref<1x1x1x100xi32, #tpu.memory_space<hbm>> -> memref<1x100xi32, #tpu.memory_space<hbm>>
        tpu.enqueue_dma source(%dma_start3A_73 : memref<1x100xi32, #tpu.memory_space<hbm>>) target(%arg7 : memref<1x100xi32, #tpu.memory_space<vmem>>) target_semaphore(%arg11 : memref<!tpu.dma_semaphore, #tpu.memory_space<semaphore_mem>>)
      } else {
      }
    }
    %scan3A_26 = arith.constant 50 : i32
    %barrier3A_27 = arith.constant 0 : index
    tpu.barrier barrier_id(%barrier3A_27)
    %mul3A_28 = arith.constant 640 : i32
    %mul3A_29 = arith.muli %arg1, %mul3A_28 : i32
    %mul3A_30 = arith.constant 640 : i32
    %mul3A_31 = arith.muli %arg1, %mul3A_30 : i32
    "tpu.region"() ({
      %run_scoped3A = tpu.sem_alloc : memref<!tpu.dma_semaphore, #tpu.memory_space<semaphore_mem>>
      %dma_start3A_32 = arith.constant 0 : i32
      %dma_start3A_33 = tpu.memref_slice %arg5[%arg0, %mul3A_31, %dma_start3A_32] : memref<2x10240x128xf32, #tpu.memory_space<hbm>> -> memref<1x640x128xf32, #tpu.memory_space<hbm>>
      %dma_start3A_34 = tpu.memref_squeeze %dma_start3A_33 : memref<1x640x128xf32, #tpu.memory_space<hbm>> -> memref<640x128xf32, #tpu.memory_space<hbm>>
      %dma_start3A_35 = arith.constant 0 : i32
      %dma_start3A_36 = tpu.memref_slice %arg9[%mul3A_29, %dma_start3A_35] : memref<10240x128xf32, #tpu.memory_space<vmem_shared>> -> memref<640x128xf32, #tpu.memory_space<vmem_shared>>
      tpu.enqueue_dma source(%dma_start3A_36 : memref<640x128xf32, #tpu.memory_space<vmem_shared>>) target(%dma_start3A_34 : memref<640x128xf32, #tpu.memory_space<hbm>>) target_semaphore(%run_scoped3A : memref<!tpu.dma_semaphore, #tpu.memory_space<semaphore_mem>>)
      %dma_wait3A = arith.constant 0 : i32
      %dma_wait3A_37 = tpu.memref_slice %arg5[%arg0, %mul3A_31, %dma_wait3A] : memref<2x10240x128xf32, #tpu.memory_space<hbm>> -> memref<1x640x128xf32, #tpu.memory_space<hbm>>
      %dma_wait3A_38 = tpu.memref_squeeze %dma_wait3A_37 : memref<1x640x128xf32, #tpu.memory_space<hbm>> -> memref<640x128xf32, #tpu.memory_space<hbm>>
      %dma_wait3A_39 = arith.constant 0 : i32
      %dma_wait3A_40 = tpu.memref_slice %arg9[%mul3A_29, %dma_wait3A_39] : memref<10240x128xf32, #tpu.memory_space<vmem_shared>> -> memref<640x128xf32, #tpu.memory_space<vmem_shared>>
      tpu.wait_dma2 semaphore(%run_scoped3A : memref<!tpu.dma_semaphore, #tpu.memory_space<semaphore_mem>>) src(%dma_wait3A_40 : memref<640x128xf32, #tpu.memory_space<vmem_shared>>) dst(%dma_wait3A_38 : memref<640x128xf32, #tpu.memory_space<hbm>>)
      tpu.yield
    }) : () -> ()
    return
  }
}

#map = affine_map<(d0, d1) -> (0, 0)>
#map1 = affine_map<(d0, d1) -> (0, 0, 0, 0)>
#map2 = affine_map<(d0, d1) -> (0, 0, 0)>
module attributes {stable_mosaic.version = 14 : i64} {
  func.func @_spmm_body(%arg0: i32, %arg1: i32, %arg2: memref<10000x128xf32, #tpu.memory_space<hbm>>, %arg3: memref<32x100x1x100xi32, #tpu.memory_space<hbm>>, %arg4: memref<32x100x1x100xi32, #tpu.memory_space<hbm>>, %arg5: memref<10240x128xf32, #tpu.memory_space<hbm>>, %arg6: memref<2x10240x128xf32, #tpu.memory_space<hbm>>, %arg7: memref<1x100xi32, #tpu.memory_space<vmem>>, %arg8: memref<1x100xi32, #tpu.memory_space<vmem>>, %arg9: memref<1x100xi32, #tpu.memory_space<vmem>>, %arg10: memref<1x100xi32, #tpu.memory_space<vmem>>, %arg11: memref<100x128xf32, #tpu.memory_space<vmem>>, %arg12: memref<100x128xf32, #tpu.memory_space<vmem>>, %arg13: memref<10240x128xf32, #tpu.memory_space<vmem_shared>>, %arg14: memref<!tpu.dma_semaphore, #tpu.memory_space<semaphore_mem>>, %arg15: memref<!tpu.dma_semaphore, #tpu.memory_space<semaphore_mem>>, %arg16: memref<!tpu.dma_semaphore, #tpu.memory_space<semaphore_mem>>, %arg17: memref<!tpu.dma_semaphore, #tpu.memory_space<semaphore_mem>>, %arg18: memref<!tpu.dma_semaphore, #tpu.memory_space<semaphore_mem>>, %arg19: memref<!tpu.dma_semaphore, #tpu.memory_space<semaphore_mem>>) attributes {dimension_semantics = [#tpu.dimension_semantics<core_parallel>, #tpu.dimension_semantics<subcore_parallel>], iteration_bounds = array<i64: 2, 16>, scalar_prefetch = 0 : i64, scratch_operands = 13 : i64, tpu.core_type = #tpu.core_type<sc_vector_subcore>, window_params = [{transform_indices = #map}, {transform_indices = #map1}, {transform_indices = #map1}, {transform_indices = #map}, {transform_indices = #map2}]} {
    %mul3A = arith.constant 16 : i32
    %mul3A_0 = arith.muli %arg0, %mul3A : i32
    %add3A = arith.addi %mul3A_0, %arg1 : i32
    %mul3A_1 = arith.constant 640 : i32
    %mul3A_2 = arith.muli %arg1, %mul3A_1 : i32
    %mul3A_3 = arith.constant 640 : i32
    %mul3A_4 = arith.muli %arg1, %mul3A_3 : i32
    "tpu.region"() ({
      %run_scoped3A = tpu.sem_alloc : memref<!tpu.dma_semaphore, #tpu.memory_space<semaphore_mem>>
      %dma_start3A_65 = arith.constant 0 : i32
      %dma_start3A_66 = tpu.memref_slice %arg13[%mul3A_4, %dma_start3A_65] : memref<10240x128xf32, #tpu.memory_space<vmem_shared>> -> memref<640x128xf32, #tpu.memory_space<vmem_shared>>
      %dma_start3A_67 = arith.constant 0 : i32
      %dma_start3A_68 = tpu.memref_slice %arg5[%mul3A_2, %dma_start3A_67] : memref<10240x128xf32, #tpu.memory_space<hbm>> -> memref<640x128xf32, #tpu.memory_space<hbm>>
      tpu.enqueue_dma source(%dma_start3A_68 : memref<640x128xf32, #tpu.memory_space<hbm>>) target(%dma_start3A_66 : memref<640x128xf32, #tpu.memory_space<vmem_shared>>) target_semaphore(%run_scoped3A : memref<!tpu.dma_semaphore, #tpu.memory_space<semaphore_mem>>)
      %dma_wait3A_69 = arith.constant 0 : i32
      %dma_wait3A_70 = tpu.memref_slice %arg13[%mul3A_4, %dma_wait3A_69] : memref<10240x128xf32, #tpu.memory_space<vmem_shared>> -> memref<640x128xf32, #tpu.memory_space<vmem_shared>>
      %dma_wait3A_71 = arith.constant 0 : i32
      %dma_wait3A_72 = tpu.memref_slice %arg5[%mul3A_2, %dma_wait3A_71] : memref<10240x128xf32, #tpu.memory_space<hbm>> -> memref<640x128xf32, #tpu.memory_space<hbm>>
      tpu.wait_dma2 semaphore(%run_scoped3A : memref<!tpu.dma_semaphore, #tpu.memory_space<semaphore_mem>>) src(%dma_wait3A_72 : memref<640x128xf32, #tpu.memory_space<hbm>>) dst(%dma_wait3A_70 : memref<640x128xf32, #tpu.memory_space<vmem_shared>>)
      tpu.yield
    }) : () -> ()
    %barrier3A = arith.constant 0 : index
    tpu.barrier barrier_id(%barrier3A)
    %dma_start3A = arith.constant 0 : i32
    %dma_start3A_5 = arith.constant 0 : i32
    %dma_start3A_6 = arith.constant 0 : i32
    %dma_start3A_7 = tpu.memref_slice %arg3[%add3A, %dma_start3A, %dma_start3A_5, %dma_start3A_6] : memref<32x100x1x100xi32, #tpu.memory_space<hbm>> -> memref<1x1x1x100xi32, #tpu.memory_space<hbm>>
    %dma_start3A_8 = tpu.memref_squeeze %dma_start3A_7 : memref<1x1x1x100xi32, #tpu.memory_space<hbm>> -> memref<1x100xi32, #tpu.memory_space<hbm>>
    %dma_start3A_9 = arith.constant 0 : i32
    %dma_start3A_10 = arith.constant 0 : i32
    %dma_start3A_11 = tpu.memref_slice %arg3[%add3A, %dma_start3A, %dma_start3A_9, %dma_start3A_10] : memref<32x100x1x100xi32, #tpu.memory_space<hbm>> -> memref<1x1x1x100xi32, #tpu.memory_space<hbm>>
    %dma_start3A_12 = tpu.memref_squeeze %dma_start3A_11 : memref<1x1x1x100xi32, #tpu.memory_space<hbm>> -> memref<1x100xi32, #tpu.memory_space<hbm>>
    tpu.enqueue_dma source(%dma_start3A_12 : memref<1x100xi32, #tpu.memory_space<hbm>>) target(%arg7 : memref<1x100xi32, #tpu.memory_space<vmem>>) target_semaphore(%arg16 : memref<!tpu.dma_semaphore, #tpu.memory_space<semaphore_mem>>)
    %dma_start3A_13 = arith.constant 0 : i32
    %dma_start3A_14 = arith.constant 0 : i32
    %dma_start3A_15 = arith.constant 0 : i32
    %dma_start3A_16 = tpu.memref_slice %arg4[%add3A, %dma_start3A_13, %dma_start3A_14, %dma_start3A_15] : memref<32x100x1x100xi32, #tpu.memory_space<hbm>> -> memref<1x1x1x100xi32, #tpu.memory_space<hbm>>
    %dma_start3A_17 = tpu.memref_squeeze %dma_start3A_16 : memref<1x1x1x100xi32, #tpu.memory_space<hbm>> -> memref<1x100xi32, #tpu.memory_space<hbm>>
    %dma_start3A_18 = arith.constant 0 : i32
    %dma_start3A_19 = arith.constant 0 : i32
    %dma_start3A_20 = tpu.memref_slice %arg4[%add3A, %dma_start3A_13, %dma_start3A_18, %dma_start3A_19] : memref<32x100x1x100xi32, #tpu.memory_space<hbm>> -> memref<1x1x1x100xi32, #tpu.memory_space<hbm>>
    %dma_start3A_21 = tpu.memref_squeeze %dma_start3A_20 : memref<1x1x1x100xi32, #tpu.memory_space<hbm>> -> memref<1x100xi32, #tpu.memory_space<hbm>>
    tpu.enqueue_dma source(%dma_start3A_21 : memref<1x100xi32, #tpu.memory_space<hbm>>) target(%arg9 : memref<1x100xi32, #tpu.memory_space<vmem>>) target_semaphore(%arg18 : memref<!tpu.dma_semaphore, #tpu.memory_space<semaphore_mem>>)
    %dma_start3A_22 = arith.constant 1 : i32
    %dma_start3A_23 = arith.constant 0 : i32
    %dma_start3A_24 = arith.constant 0 : i32
    %dma_start3A_25 = tpu.memref_slice %arg3[%add3A, %dma_start3A_22, %dma_start3A_23, %dma_start3A_24] : memref<32x100x1x100xi32, #tpu.memory_space<hbm>> -> memref<1x1x1x100xi32, #tpu.memory_space<hbm>>
    %dma_start3A_26 = tpu.memref_squeeze %dma_start3A_25 : memref<1x1x1x100xi32, #tpu.memory_space<hbm>> -> memref<1x100xi32, #tpu.memory_space<hbm>>
    %dma_start3A_27 = arith.constant 0 : i32
    %dma_start3A_28 = arith.constant 0 : i32
    %dma_start3A_29 = tpu.memref_slice %arg3[%add3A, %dma_start3A_22, %dma_start3A_27, %dma_start3A_28] : memref<32x100x1x100xi32, #tpu.memory_space<hbm>> -> memref<1x1x1x100xi32, #tpu.memory_space<hbm>>
    %dma_start3A_30 = tpu.memref_squeeze %dma_start3A_29 : memref<1x1x1x100xi32, #tpu.memory_space<hbm>> -> memref<1x100xi32, #tpu.memory_space<hbm>>
    tpu.enqueue_dma source(%dma_start3A_30 : memref<1x100xi32, #tpu.memory_space<hbm>>) target(%arg8 : memref<1x100xi32, #tpu.memory_space<vmem>>) target_semaphore(%arg17 : memref<!tpu.dma_semaphore, #tpu.memory_space<semaphore_mem>>)
    %dma_start3A_31 = arith.constant 1 : i32
    %dma_start3A_32 = arith.constant 0 : i32
    %dma_start3A_33 = arith.constant 0 : i32
    %dma_start3A_34 = tpu.memref_slice %arg4[%add3A, %dma_start3A_31, %dma_start3A_32, %dma_start3A_33] : memref<32x100x1x100xi32, #tpu.memory_space<hbm>> -> memref<1x1x1x100xi32, #tpu.memory_space<hbm>>
    %dma_start3A_35 = tpu.memref_squeeze %dma_start3A_34 : memref<1x1x1x100xi32, #tpu.memory_space<hbm>> -> memref<1x100xi32, #tpu.memory_space<hbm>>
    %dma_start3A_36 = arith.constant 0 : i32
    %dma_start3A_37 = arith.constant 0 : i32
    %dma_start3A_38 = tpu.memref_slice %arg4[%add3A, %dma_start3A_31, %dma_start3A_36, %dma_start3A_37] : memref<32x100x1x100xi32, #tpu.memory_space<hbm>> -> memref<1x1x1x100xi32, #tpu.memory_space<hbm>>
    %dma_start3A_39 = tpu.memref_squeeze %dma_start3A_38 : memref<1x1x1x100xi32, #tpu.memory_space<hbm>> -> memref<1x100xi32, #tpu.memory_space<hbm>>
    tpu.enqueue_dma source(%dma_start3A_39 : memref<1x100xi32, #tpu.memory_space<hbm>>) target(%arg10 : memref<1x100xi32, #tpu.memory_space<vmem>>) target_semaphore(%arg19 : memref<!tpu.dma_semaphore, #tpu.memory_space<semaphore_mem>>)
    %dma_wait3A = arith.constant 0 : i32
    %dma_wait3A_40 = arith.constant 0 : i32
    %dma_wait3A_41 = arith.constant 0 : i32
    %dma_wait3A_42 = tpu.memref_slice %arg3[%add3A, %dma_wait3A, %dma_wait3A_40, %dma_wait3A_41] : memref<32x100x1x100xi32, #tpu.memory_space<hbm>> -> memref<1x1x1x100xi32, #tpu.memory_space<hbm>>
    %dma_wait3A_43 = tpu.memref_squeeze %dma_wait3A_42 : memref<1x1x1x100xi32, #tpu.memory_space<hbm>> -> memref<1x100xi32, #tpu.memory_space<hbm>>
    %dma_wait3A_44 = arith.constant 0 : i32
    %dma_wait3A_45 = arith.constant 0 : i32
    %dma_wait3A_46 = tpu.memref_slice %arg3[%add3A, %dma_wait3A, %dma_wait3A_44, %dma_wait3A_45] : memref<32x100x1x100xi32, #tpu.memory_space<hbm>> -> memref<1x1x1x100xi32, #tpu.memory_space<hbm>>
    %dma_wait3A_47 = tpu.memref_squeeze %dma_wait3A_46 : memref<1x1x1x100xi32, #tpu.memory_space<hbm>> -> memref<1x100xi32, #tpu.memory_space<hbm>>
    tpu.wait_dma2 semaphore(%arg16 : memref<!tpu.dma_semaphore, #tpu.memory_space<semaphore_mem>>) src(%dma_wait3A_47 : memref<1x100xi32, #tpu.memory_space<hbm>>) dst(%arg7 : memref<1x100xi32, #tpu.memory_space<vmem>>)
    %dma_start3A_48 = arith.constant 0 : i32
    %dma_start3A_49 = arith.constant 0 : i32
    %dma_start3A_50 = tpu.memref_slice %arg7[%dma_start3A_48, %dma_start3A_49] : memref<1x100xi32, #tpu.memory_space<vmem>> -> memref<1x100xi32, #tpu.memory_space<vmem>>
    %dma_start3A_51 = tpu.memref_squeeze %dma_start3A_50 : memref<1x100xi32, #tpu.memory_space<vmem>> -> memref<100xi32, #tpu.memory_space<vmem>>
    %dma_start3A_52 = arith.constant 0 : i32
    %dma_start3A_53 = arith.constant 0 : i32
    %dma_start3A_54 = tpu.memref_slice %arg2[%dma_start3A_52, %dma_start3A_53] : memref<10000x128xf32, #tpu.memory_space<hbm>> -> memref<10000x128xf32, #tpu.memory_space<hbm>>
    tpu.enqueue_indirect_dma source(%dma_start3A_54 : memref<10000x128xf32, #tpu.memory_space<hbm>>) target(%arg11 : memref<100x128xf32, #tpu.memory_space<vmem>>) offsets(%dma_start3A_51 : memref<100xi32, #tpu.memory_space<vmem>>) semaphore(%arg14 : memref<!tpu.dma_semaphore, #tpu.memory_space<semaphore_mem>>)
    %scan3A = arith.constant 0 : i32
    %scan3A_55 = arith.constant 0 : i32
    %scan3A_56 = arith.constant 50 : i32
    %scan3A_57 = arith.addi %scan3A_55, %scan3A_56 : i32
    %scan3A_58 = arith.constant 1 : i32
    scf.for %scan3A_65 = %scan3A_55 to %scan3A_57 step %scan3A_58  : i32 {
      %mul3A_66 = arith.constant 2 : i32
      %mul3A_67 = arith.muli %mul3A_66, %scan3A_65 : i32
      %add3A_68 = arith.constant 1 : i32
      %add3A_69 = arith.addi %mul3A_67, %add3A_68 : i32
      %dma_wait3A_70 = arith.constant 0 : i32
      %dma_wait3A_71 = arith.constant 0 : i32
      %dma_wait3A_72 = tpu.memref_slice %arg7[%dma_wait3A_70, %dma_wait3A_71] : memref<1x100xi32, #tpu.memory_space<vmem>> -> memref<1x100xi32, #tpu.memory_space<vmem>>
      %dma_wait3A_73 = tpu.memref_squeeze %dma_wait3A_72 : memref<1x100xi32, #tpu.memory_space<vmem>> -> memref<100xi32, #tpu.memory_space<vmem>>
      %dma_wait3A_74 = arith.constant 0 : i32
      %dma_wait3A_75 = arith.constant 0 : i32
      %dma_wait3A_76 = tpu.memref_slice %arg2[%dma_wait3A_74, %dma_wait3A_75] : memref<10000x128xf32, #tpu.memory_space<hbm>> -> memref<10000x128xf32, #tpu.memory_space<hbm>>
      tpu.wait_indirect_dma semaphore(%arg14 : memref<!tpu.dma_semaphore, #tpu.memory_space<semaphore_mem>>) src(%dma_wait3A_76 : memref<10000x128xf32, #tpu.memory_space<hbm>>) dst(%arg11 : memref<100x128xf32, #tpu.memory_space<vmem>>)
      %dma_wait3A_77 = arith.constant 0 : i32
      %dma_wait3A_78 = arith.constant 0 : i32
      %dma_wait3A_79 = tpu.memref_slice %arg3[%add3A, %add3A_69, %dma_wait3A_77, %dma_wait3A_78] : memref<32x100x1x100xi32, #tpu.memory_space<hbm>> -> memref<1x1x1x100xi32, #tpu.memory_space<hbm>>
      %dma_wait3A_80 = tpu.memref_squeeze %dma_wait3A_79 : memref<1x1x1x100xi32, #tpu.memory_space<hbm>> -> memref<1x100xi32, #tpu.memory_space<hbm>>
      %dma_wait3A_81 = arith.constant 0 : i32
      %dma_wait3A_82 = arith.constant 0 : i32
      %dma_wait3A_83 = tpu.memref_slice %arg3[%add3A, %add3A_69, %dma_wait3A_81, %dma_wait3A_82] : memref<32x100x1x100xi32, #tpu.memory_space<hbm>> -> memref<1x1x1x100xi32, #tpu.memory_space<hbm>>
      %dma_wait3A_84 = tpu.memref_squeeze %dma_wait3A_83 : memref<1x1x1x100xi32, #tpu.memory_space<hbm>> -> memref<1x100xi32, #tpu.memory_space<hbm>>
      tpu.wait_dma2 semaphore(%arg17 : memref<!tpu.dma_semaphore, #tpu.memory_space<semaphore_mem>>) src(%dma_wait3A_84 : memref<1x100xi32, #tpu.memory_space<hbm>>) dst(%arg8 : memref<1x100xi32, #tpu.memory_space<vmem>>)
      %dma_start3A_85 = arith.constant 0 : i32
      %dma_start3A_86 = arith.constant 0 : i32
      %dma_start3A_87 = tpu.memref_slice %arg8[%dma_start3A_85, %dma_start3A_86] : memref<1x100xi32, #tpu.memory_space<vmem>> -> memref<1x100xi32, #tpu.memory_space<vmem>>
      %dma_start3A_88 = tpu.memref_squeeze %dma_start3A_87 : memref<1x100xi32, #tpu.memory_space<vmem>> -> memref<100xi32, #tpu.memory_space<vmem>>
      %dma_start3A_89 = arith.constant 0 : i32
      %dma_start3A_90 = arith.constant 0 : i32
      %dma_start3A_91 = tpu.memref_slice %arg2[%dma_start3A_89, %dma_start3A_90] : memref<10000x128xf32, #tpu.memory_space<hbm>> -> memref<10000x128xf32, #tpu.memory_space<hbm>>
      tpu.enqueue_indirect_dma source(%dma_start3A_91 : memref<10000x128xf32, #tpu.memory_space<hbm>>) target(%arg12 : memref<100x128xf32, #tpu.memory_space<vmem>>) offsets(%dma_start3A_88 : memref<100xi32, #tpu.memory_space<vmem>>) semaphore(%arg15 : memref<!tpu.dma_semaphore, #tpu.memory_space<semaphore_mem>>)
      %dma_wait3A_92 = arith.constant 0 : i32
      %dma_wait3A_93 = arith.constant 0 : i32
      %dma_wait3A_94 = tpu.memref_slice %arg4[%add3A, %mul3A_67, %dma_wait3A_92, %dma_wait3A_93] : memref<32x100x1x100xi32, #tpu.memory_space<hbm>> -> memref<1x1x1x100xi32, #tpu.memory_space<hbm>>
      %dma_wait3A_95 = tpu.memref_squeeze %dma_wait3A_94 : memref<1x1x1x100xi32, #tpu.memory_space<hbm>> -> memref<1x100xi32, #tpu.memory_space<hbm>>
      %dma_wait3A_96 = arith.constant 0 : i32
      %dma_wait3A_97 = arith.constant 0 : i32
      %dma_wait3A_98 = tpu.memref_slice %arg4[%add3A, %mul3A_67, %dma_wait3A_96, %dma_wait3A_97] : memref<32x100x1x100xi32, #tpu.memory_space<hbm>> -> memref<1x1x1x100xi32, #tpu.memory_space<hbm>>
      %dma_wait3A_99 = tpu.memref_squeeze %dma_wait3A_98 : memref<1x1x1x100xi32, #tpu.memory_space<hbm>> -> memref<1x100xi32, #tpu.memory_space<hbm>>
      tpu.wait_dma2 semaphore(%arg18 : memref<!tpu.dma_semaphore, #tpu.memory_space<semaphore_mem>>) src(%dma_wait3A_99 : memref<1x100xi32, #tpu.memory_space<hbm>>) dst(%arg9 : memref<1x100xi32, #tpu.memory_space<vmem>>)
      %run_scoped3A = arith.constant 0 : i32
      "tpu.region"() ({
        %run_scoped3A_127 = tpu.sem_alloc : memref<!tpu.dma_semaphore, #tpu.memory_space<semaphore_mem>>
        %dma_start3A_128 = arith.constant 0 : i32
        %dma_start3A_129 = tpu.memref_slice %arg9[%run_scoped3A, %dma_start3A_128] : memref<1x100xi32, #tpu.memory_space<vmem>> -> memref<1x100xi32, #tpu.memory_space<vmem>>
        %dma_start3A_130 = tpu.memref_squeeze %dma_start3A_129 : memref<1x100xi32, #tpu.memory_space<vmem>> -> memref<100xi32, #tpu.memory_space<vmem>>
        %dma_start3A_131 = arith.constant 0 : i32
        %dma_start3A_132 = arith.constant 0 : i32
        %dma_start3A_133 = tpu.memref_slice %arg13[%dma_start3A_131, %dma_start3A_132] : memref<10240x128xf32, #tpu.memory_space<vmem_shared>> -> memref<10240x128xf32, #tpu.memory_space<vmem_shared>>
        tpu.enqueue_indirect_dma source(%arg11 : memref<100x128xf32, #tpu.memory_space<vmem>>) target(%dma_start3A_133 : memref<10240x128xf32, #tpu.memory_space<vmem_shared>>) offsets(%dma_start3A_130 : memref<100xi32, #tpu.memory_space<vmem>>) semaphore(%run_scoped3A_127 : memref<!tpu.dma_semaphore, #tpu.memory_space<semaphore_mem>>) {add = true}
        %dma_wait3A_134 = arith.constant 0 : i32
        %dma_wait3A_135 = tpu.memref_slice %arg9[%run_scoped3A, %dma_wait3A_134] : memref<1x100xi32, #tpu.memory_space<vmem>> -> memref<1x100xi32, #tpu.memory_space<vmem>>
        %dma_wait3A_136 = tpu.memref_squeeze %dma_wait3A_135 : memref<1x100xi32, #tpu.memory_space<vmem>> -> memref<100xi32, #tpu.memory_space<vmem>>
        %dma_wait3A_137 = arith.constant 0 : i32
        %dma_wait3A_138 = arith.constant 0 : i32
        %dma_wait3A_139 = tpu.memref_slice %arg13[%dma_wait3A_137, %dma_wait3A_138] : memref<10240x128xf32, #tpu.memory_space<vmem_shared>> -> memref<10240x128xf32, #tpu.memory_space<vmem_shared>>
        tpu.wait_indirect_dma semaphore(%run_scoped3A_127 : memref<!tpu.dma_semaphore, #tpu.memory_space<semaphore_mem>>) src(%arg11 : memref<100x128xf32, #tpu.memory_space<vmem>>) dst(%dma_wait3A_139 : memref<10240x128xf32, #tpu.memory_space<vmem_shared>>)
        tpu.yield
      }) : () -> ()
      %add3A_100 = arith.constant 1 : i32
      %add3A_101 = arith.addi %scan3A_65, %add3A_100 : i32
      %lt3A = arith.constant 50 : i32
      %lt3A_102 = arith.cmpi slt, %add3A_101, %lt3A : i32
      %convert_element_type3A = arith.extui %lt3A_102 : i1 to i32
      %cond3A = arith.constant 0 : i32
      %cond3A_103 = arith.cmpi ne, %convert_element_type3A, %cond3A : i32
      scf.if %cond3A_103 {
        %add3A_127 = arith.constant 2 : i32
        %add3A_128 = arith.addi %mul3A_67, %add3A_127 : i32
        %dma_start3A_129 = arith.constant 0 : i32
        %dma_start3A_130 = arith.constant 0 : i32
        %dma_start3A_131 = tpu.memref_slice %arg3[%add3A, %add3A_128, %dma_start3A_129, %dma_start3A_130] : memref<32x100x1x100xi32, #tpu.memory_space<hbm>> -> memref<1x1x1x100xi32, #tpu.memory_space<hbm>>
        %dma_start3A_132 = tpu.memref_squeeze %dma_start3A_131 : memref<1x1x1x100xi32, #tpu.memory_space<hbm>> -> memref<1x100xi32, #tpu.memory_space<hbm>>
        %dma_start3A_133 = arith.constant 0 : i32
        %dma_start3A_134 = arith.constant 0 : i32
        %dma_start3A_135 = tpu.memref_slice %arg3[%add3A, %add3A_128, %dma_start3A_133, %dma_start3A_134] : memref<32x100x1x100xi32, #tpu.memory_space<hbm>> -> memref<1x1x1x100xi32, #tpu.memory_space<hbm>>
        %dma_start3A_136 = tpu.memref_squeeze %dma_start3A_135 : memref<1x1x1x100xi32, #tpu.memory_space<hbm>> -> memref<1x100xi32, #tpu.memory_space<hbm>>
        tpu.enqueue_dma source(%dma_start3A_136 : memref<1x100xi32, #tpu.memory_space<hbm>>) target(%arg7 : memref<1x100xi32, #tpu.memory_space<vmem>>) target_semaphore(%arg16 : memref<!tpu.dma_semaphore, #tpu.memory_space<semaphore_mem>>)
        %add3A_137 = arith.constant 2 : i32
        %add3A_138 = arith.addi %mul3A_67, %add3A_137 : i32
        %dma_start3A_139 = arith.constant 0 : i32
        %dma_start3A_140 = arith.constant 0 : i32
        %dma_start3A_141 = tpu.memref_slice %arg4[%add3A, %add3A_138, %dma_start3A_139, %dma_start3A_140] : memref<32x100x1x100xi32, #tpu.memory_space<hbm>> -> memref<1x1x1x100xi32, #tpu.memory_space<hbm>>
        %dma_start3A_142 = tpu.memref_squeeze %dma_start3A_141 : memref<1x1x1x100xi32, #tpu.memory_space<hbm>> -> memref<1x100xi32, #tpu.memory_space<hbm>>
        %dma_start3A_143 = arith.constant 0 : i32
        %dma_start3A_144 = arith.constant 0 : i32
        %dma_start3A_145 = tpu.memref_slice %arg4[%add3A, %add3A_138, %dma_start3A_143, %dma_start3A_144] : memref<32x100x1x100xi32, #tpu.memory_space<hbm>> -> memref<1x1x1x100xi32, #tpu.memory_space<hbm>>
        %dma_start3A_146 = tpu.memref_squeeze %dma_start3A_145 : memref<1x1x1x100xi32, #tpu.memory_space<hbm>> -> memref<1x100xi32, #tpu.memory_space<hbm>>
        tpu.enqueue_dma source(%dma_start3A_146 : memref<1x100xi32, #tpu.memory_space<hbm>>) target(%arg9 : memref<1x100xi32, #tpu.memory_space<vmem>>) target_semaphore(%arg18 : memref<!tpu.dma_semaphore, #tpu.memory_space<semaphore_mem>>)
      } else {
      }
      %dma_wait3A_104 = arith.constant 0 : i32
      %dma_wait3A_105 = arith.constant 0 : i32
      %dma_wait3A_106 = tpu.memref_slice %arg8[%dma_wait3A_104, %dma_wait3A_105] : memref<1x100xi32, #tpu.memory_space<vmem>> -> memref<1x100xi32, #tpu.memory_space<vmem>>
      %dma_wait3A_107 = tpu.memref_squeeze %dma_wait3A_106 : memref<1x100xi32, #tpu.memory_space<vmem>> -> memref<100xi32, #tpu.memory_space<vmem>>
      %dma_wait3A_108 = arith.constant 0 : i32
      %dma_wait3A_109 = arith.constant 0 : i32
      %dma_wait3A_110 = tpu.memref_slice %arg2[%dma_wait3A_108, %dma_wait3A_109] : memref<10000x128xf32, #tpu.memory_space<hbm>> -> memref<10000x128xf32, #tpu.memory_space<hbm>>
      tpu.wait_indirect_dma semaphore(%arg15 : memref<!tpu.dma_semaphore, #tpu.memory_space<semaphore_mem>>) src(%dma_wait3A_110 : memref<10000x128xf32, #tpu.memory_space<hbm>>) dst(%arg12 : memref<100x128xf32, #tpu.memory_space<vmem>>)
      %dma_wait3A_111 = arith.constant 0 : i32
      %dma_wait3A_112 = arith.constant 0 : i32
      %dma_wait3A_113 = tpu.memref_slice %arg4[%add3A, %add3A_69, %dma_wait3A_111, %dma_wait3A_112] : memref<32x100x1x100xi32, #tpu.memory_space<hbm>> -> memref<1x1x1x100xi32, #tpu.memory_space<hbm>>
      %dma_wait3A_114 = tpu.memref_squeeze %dma_wait3A_113 : memref<1x1x1x100xi32, #tpu.memory_space<hbm>> -> memref<1x100xi32, #tpu.memory_space<hbm>>
      %dma_wait3A_115 = arith.constant 0 : i32
      %dma_wait3A_116 = arith.constant 0 : i32
      %dma_wait3A_117 = tpu.memref_slice %arg4[%add3A, %add3A_69, %dma_wait3A_115, %dma_wait3A_116] : memref<32x100x1x100xi32, #tpu.memory_space<hbm>> -> memref<1x1x1x100xi32, #tpu.memory_space<hbm>>
      %dma_wait3A_118 = tpu.memref_squeeze %dma_wait3A_117 : memref<1x1x1x100xi32, #tpu.memory_space<hbm>> -> memref<1x100xi32, #tpu.memory_space<hbm>>
      tpu.wait_dma2 semaphore(%arg19 : memref<!tpu.dma_semaphore, #tpu.memory_space<semaphore_mem>>) src(%dma_wait3A_118 : memref<1x100xi32, #tpu.memory_space<hbm>>) dst(%arg10 : memref<1x100xi32, #tpu.memory_space<vmem>>)
      %run_scoped3A_119 = arith.constant 0 : i32
      "tpu.region"() ({
        %run_scoped3A_127 = tpu.sem_alloc : memref<!tpu.dma_semaphore, #tpu.memory_space<semaphore_mem>>
        %dma_start3A_128 = arith.constant 0 : i32
        %dma_start3A_129 = tpu.memref_slice %arg10[%run_scoped3A_119, %dma_start3A_128] : memref<1x100xi32, #tpu.memory_space<vmem>> -> memref<1x100xi32, #tpu.memory_space<vmem>>
        %dma_start3A_130 = tpu.memref_squeeze %dma_start3A_129 : memref<1x100xi32, #tpu.memory_space<vmem>> -> memref<100xi32, #tpu.memory_space<vmem>>
        %dma_start3A_131 = arith.constant 0 : i32
        %dma_start3A_132 = arith.constant 0 : i32
        %dma_start3A_133 = tpu.memref_slice %arg13[%dma_start3A_131, %dma_start3A_132] : memref<10240x128xf32, #tpu.memory_space<vmem_shared>> -> memref<10240x128xf32, #tpu.memory_space<vmem_shared>>
        tpu.enqueue_indirect_dma source(%arg12 : memref<100x128xf32, #tpu.memory_space<vmem>>) target(%dma_start3A_133 : memref<10240x128xf32, #tpu.memory_space<vmem_shared>>) offsets(%dma_start3A_130 : memref<100xi32, #tpu.memory_space<vmem>>) semaphore(%run_scoped3A_127 : memref<!tpu.dma_semaphore, #tpu.memory_space<semaphore_mem>>) {add = true}
        %dma_wait3A_134 = arith.constant 0 : i32
        %dma_wait3A_135 = tpu.memref_slice %arg10[%run_scoped3A_119, %dma_wait3A_134] : memref<1x100xi32, #tpu.memory_space<vmem>> -> memref<1x100xi32, #tpu.memory_space<vmem>>
        %dma_wait3A_136 = tpu.memref_squeeze %dma_wait3A_135 : memref<1x100xi32, #tpu.memory_space<vmem>> -> memref<100xi32, #tpu.memory_space<vmem>>
        %dma_wait3A_137 = arith.constant 0 : i32
        %dma_wait3A_138 = arith.constant 0 : i32
        %dma_wait3A_139 = tpu.memref_slice %arg13[%dma_wait3A_137, %dma_wait3A_138] : memref<10240x128xf32, #tpu.memory_space<vmem_shared>> -> memref<10240x128xf32, #tpu.memory_space<vmem_shared>>
        tpu.wait_indirect_dma semaphore(%run_scoped3A_127 : memref<!tpu.dma_semaphore, #tpu.memory_space<semaphore_mem>>) src(%arg12 : memref<100x128xf32, #tpu.memory_space<vmem>>) dst(%dma_wait3A_139 : memref<10240x128xf32, #tpu.memory_space<vmem_shared>>)
        tpu.yield
      }) : () -> ()
      %add3A_120 = arith.constant 1 : i32
      %add3A_121 = arith.addi %scan3A_65, %add3A_120 : i32
      %lt3A_122 = arith.constant 50 : i32
      %lt3A_123 = arith.cmpi slt, %add3A_121, %lt3A_122 : i32
      %convert_element_type3A_124 = arith.extui %lt3A_123 : i1 to i32
      %cond3A_125 = arith.constant 0 : i32
      %cond3A_126 = arith.cmpi ne, %convert_element_type3A_124, %cond3A_125 : i32
      scf.if %cond3A_126 {
        %add3A_127 = arith.constant 2 : i32
        %add3A_128 = arith.addi %mul3A_67, %add3A_127 : i32
        %dma_wait3A_129 = arith.constant 0 : i32
        %dma_wait3A_130 = arith.constant 0 : i32
        %dma_wait3A_131 = tpu.memref_slice %arg3[%add3A, %add3A_128, %dma_wait3A_129, %dma_wait3A_130] : memref<32x100x1x100xi32, #tpu.memory_space<hbm>> -> memref<1x1x1x100xi32, #tpu.memory_space<hbm>>
        %dma_wait3A_132 = tpu.memref_squeeze %dma_wait3A_131 : memref<1x1x1x100xi32, #tpu.memory_space<hbm>> -> memref<1x100xi32, #tpu.memory_space<hbm>>
        %dma_wait3A_133 = arith.constant 0 : i32
        %dma_wait3A_134 = arith.constant 0 : i32
        %dma_wait3A_135 = tpu.memref_slice %arg3[%add3A, %add3A_128, %dma_wait3A_133, %dma_wait3A_134] : memref<32x100x1x100xi32, #tpu.memory_space<hbm>> -> memref<1x1x1x100xi32, #tpu.memory_space<hbm>>
        %dma_wait3A_136 = tpu.memref_squeeze %dma_wait3A_135 : memref<1x1x1x100xi32, #tpu.memory_space<hbm>> -> memref<1x100xi32, #tpu.memory_space<hbm>>
        tpu.wait_dma2 semaphore(%arg16 : memref<!tpu.dma_semaphore, #tpu.memory_space<semaphore_mem>>) src(%dma_wait3A_136 : memref<1x100xi32, #tpu.memory_space<hbm>>) dst(%arg7 : memref<1x100xi32, #tpu.memory_space<vmem>>)
        %dma_start3A_137 = arith.constant 0 : i32
        %dma_start3A_138 = arith.constant 0 : i32
        %dma_start3A_139 = tpu.memref_slice %arg7[%dma_start3A_137, %dma_start3A_138] : memref<1x100xi32, #tpu.memory_space<vmem>> -> memref<1x100xi32, #tpu.memory_space<vmem>>
        %dma_start3A_140 = tpu.memref_squeeze %dma_start3A_139 : memref<1x100xi32, #tpu.memory_space<vmem>> -> memref<100xi32, #tpu.memory_space<vmem>>
        %dma_start3A_141 = arith.constant 0 : i32
        %dma_start3A_142 = arith.constant 0 : i32
        %dma_start3A_143 = tpu.memref_slice %arg2[%dma_start3A_141, %dma_start3A_142] : memref<10000x128xf32, #tpu.memory_space<hbm>> -> memref<10000x128xf32, #tpu.memory_space<hbm>>
        tpu.enqueue_indirect_dma source(%dma_start3A_143 : memref<10000x128xf32, #tpu.memory_space<hbm>>) target(%arg11 : memref<100x128xf32, #tpu.memory_space<vmem>>) offsets(%dma_start3A_140 : memref<100xi32, #tpu.memory_space<vmem>>) semaphore(%arg14 : memref<!tpu.dma_semaphore, #tpu.memory_space<semaphore_mem>>)
        %add3A_144 = arith.constant 3 : i32
        %add3A_145 = arith.addi %mul3A_67, %add3A_144 : i32
        %dma_start3A_146 = arith.constant 0 : i32
        %dma_start3A_147 = arith.constant 0 : i32
        %dma_start3A_148 = tpu.memref_slice %arg3[%add3A, %add3A_145, %dma_start3A_146, %dma_start3A_147] : memref<32x100x1x100xi32, #tpu.memory_space<hbm>> -> memref<1x1x1x100xi32, #tpu.memory_space<hbm>>
        %dma_start3A_149 = tpu.memref_squeeze %dma_start3A_148 : memref<1x1x1x100xi32, #tpu.memory_space<hbm>> -> memref<1x100xi32, #tpu.memory_space<hbm>>
        %dma_start3A_150 = arith.constant 0 : i32
        %dma_start3A_151 = arith.constant 0 : i32
        %dma_start3A_152 = tpu.memref_slice %arg3[%add3A, %add3A_145, %dma_start3A_150, %dma_start3A_151] : memref<32x100x1x100xi32, #tpu.memory_space<hbm>> -> memref<1x1x1x100xi32, #tpu.memory_space<hbm>>
        %dma_start3A_153 = tpu.memref_squeeze %dma_start3A_152 : memref<1x1x1x100xi32, #tpu.memory_space<hbm>> -> memref<1x100xi32, #tpu.memory_space<hbm>>
        tpu.enqueue_dma source(%dma_start3A_153 : memref<1x100xi32, #tpu.memory_space<hbm>>) target(%arg8 : memref<1x100xi32, #tpu.memory_space<vmem>>) target_semaphore(%arg17 : memref<!tpu.dma_semaphore, #tpu.memory_space<semaphore_mem>>)
        %add3A_154 = arith.constant 3 : i32
        %add3A_155 = arith.addi %mul3A_67, %add3A_154 : i32
        %dma_start3A_156 = arith.constant 0 : i32
        %dma_start3A_157 = arith.constant 0 : i32
        %dma_start3A_158 = tpu.memref_slice %arg4[%add3A, %add3A_155, %dma_start3A_156, %dma_start3A_157] : memref<32x100x1x100xi32, #tpu.memory_space<hbm>> -> memref<1x1x1x100xi32, #tpu.memory_space<hbm>>
        %dma_start3A_159 = tpu.memref_squeeze %dma_start3A_158 : memref<1x1x1x100xi32, #tpu.memory_space<hbm>> -> memref<1x100xi32, #tpu.memory_space<hbm>>
        %dma_start3A_160 = arith.constant 0 : i32
        %dma_start3A_161 = arith.constant 0 : i32
        %dma_start3A_162 = tpu.memref_slice %arg4[%add3A, %add3A_155, %dma_start3A_160, %dma_start3A_161] : memref<32x100x1x100xi32, #tpu.memory_space<hbm>> -> memref<1x1x1x100xi32, #tpu.memory_space<hbm>>
        %dma_start3A_163 = tpu.memref_squeeze %dma_start3A_162 : memref<1x1x1x100xi32, #tpu.memory_space<hbm>> -> memref<1x100xi32, #tpu.memory_space<hbm>>
        tpu.enqueue_dma source(%dma_start3A_163 : memref<1x100xi32, #tpu.memory_space<hbm>>) target(%arg10 : memref<1x100xi32, #tpu.memory_space<vmem>>) target_semaphore(%arg19 : memref<!tpu.dma_semaphore, #tpu.memory_space<semaphore_mem>>)
      } else {
      }
    }
    %scan3A_59 = arith.constant 50 : i32
    %barrier3A_60 = arith.constant 0 : index
    tpu.barrier barrier_id(%barrier3A_60)
    %mul3A_61 = arith.constant 640 : i32
    %mul3A_62 = arith.muli %arg1, %mul3A_61 : i32
    %mul3A_63 = arith.constant 640 : i32
    %mul3A_64 = arith.muli %arg1, %mul3A_63 : i32
    "tpu.region"() ({
      %run_scoped3A = tpu.sem_alloc : memref<!tpu.dma_semaphore, #tpu.memory_space<semaphore_mem>>
      %dma_start3A_65 = arith.constant 0 : i32
      %dma_start3A_66 = tpu.memref_slice %arg6[%arg0, %mul3A_64, %dma_start3A_65] : memref<2x10240x128xf32, #tpu.memory_space<hbm>> -> memref<1x640x128xf32, #tpu.memory_space<hbm>>
      %dma_start3A_67 = tpu.memref_squeeze %dma_start3A_66 : memref<1x640x128xf32, #tpu.memory_space<hbm>> -> memref<640x128xf32, #tpu.memory_space<hbm>>
      %dma_start3A_68 = arith.constant 0 : i32
      %dma_start3A_69 = tpu.memref_slice %arg13[%mul3A_62, %dma_start3A_68] : memref<10240x128xf32, #tpu.memory_space<vmem_shared>> -> memref<640x128xf32, #tpu.memory_space<vmem_shared>>
      tpu.enqueue_dma source(%dma_start3A_69 : memref<640x128xf32, #tpu.memory_space<vmem_shared>>) target(%dma_start3A_67 : memref<640x128xf32, #tpu.memory_space<hbm>>) target_semaphore(%run_scoped3A : memref<!tpu.dma_semaphore, #tpu.memory_space<semaphore_mem>>)
      %dma_wait3A_70 = arith.constant 0 : i32
      %dma_wait3A_71 = tpu.memref_slice %arg6[%arg0, %mul3A_64, %dma_wait3A_70] : memref<2x10240x128xf32, #tpu.memory_space<hbm>> -> memref<1x640x128xf32, #tpu.memory_space<hbm>>
      %dma_wait3A_72 = tpu.memref_squeeze %dma_wait3A_71 : memref<1x640x128xf32, #tpu.memory_space<hbm>> -> memref<640x128xf32, #tpu.memory_space<hbm>>
      %dma_wait3A_73 = arith.constant 0 : i32
      %dma_wait3A_74 = tpu.memref_slice %arg13[%mul3A_62, %dma_wait3A_73] : memref<10240x128xf32, #tpu.memory_space<vmem_shared>> -> memref<640x128xf32, #tpu.memory_space<vmem_shared>>
      tpu.wait_dma2 semaphore(%run_scoped3A : memref<!tpu.dma_semaphore, #tpu.memory_space<semaphore_mem>>) src(%dma_wait3A_74 : memref<640x128xf32, #tpu.memory_space<vmem_shared>>) dst(%dma_wait3A_72 : memref<640x128xf32, #tpu.memory_space<hbm>>)
      tpu.yield
    }) : () -> ()
    return
  }
}

#map = affine_map<(d0, d1) -> (0, 0)>
#map1 = affine_map<(d0, d1) -> (0, 0, 0, 0)>
#map2 = affine_map<(d0, d1) -> (0, 0, 0)>
module attributes {stable_mosaic.version = 14 : i64} {
  func.func @_spmm_body(%arg0: i32, %arg1: i32, %arg2: memref<10000x128xf32, #tpu.memory_space<hbm>>, %arg3: memref<32x100x1x100xi32, #tpu.memory_space<hbm>>, %arg4: memref<32x100x1x100xi32, #tpu.memory_space<hbm>>, %arg5: memref<10240x128xf32, #tpu.memory_space<hbm>>, %arg6: memref<2x10240x128xf32, #tpu.memory_space<hbm>>, %arg7: memref<1x100xi32, #tpu.memory_space<vmem>>, %arg8: memref<1x100xi32, #tpu.memory_space<vmem>>, %arg9: memref<1x100xi32, #tpu.memory_space<vmem>>, %arg10: memref<1x100xi32, #tpu.memory_space<vmem>>, %arg11: memref<100x128xf32, #tpu.memory_space<vmem>>, %arg12: memref<100x128xf32, #tpu.memory_space<vmem>>, %arg13: memref<10240x128xf32, #tpu.memory_space<vmem_shared>>, %arg14: memref<!tpu.dma_semaphore, #tpu.memory_space<semaphore_mem>>, %arg15: memref<!tpu.dma_semaphore, #tpu.memory_space<semaphore_mem>>, %arg16: memref<!tpu.dma_semaphore, #tpu.memory_space<semaphore_mem>>, %arg17: memref<!tpu.dma_semaphore, #tpu.memory_space<semaphore_mem>>, %arg18: memref<!tpu.dma_semaphore, #tpu.memory_space<semaphore_mem>>, %arg19: memref<!tpu.dma_semaphore, #tpu.memory_space<semaphore_mem>>) attributes {dimension_semantics = [#tpu.dimension_semantics<core_parallel>, #tpu.dimension_semantics<subcore_parallel>], iteration_bounds = array<i64: 2, 16>, scalar_prefetch = 0 : i64, scratch_operands = 13 : i64, tpu.core_type = #tpu.core_type<sc_vector_subcore>, window_params = [{transform_indices = #map}, {transform_indices = #map1}, {transform_indices = #map1}, {transform_indices = #map}, {transform_indices = #map2}]} {
    %mul3A = arith.constant 16 : i32
    %mul3A_0 = arith.muli %arg0, %mul3A : i32
    %add3A = arith.addi %mul3A_0, %arg1 : i32
    %mul3A_1 = arith.constant 640 : i32
    %mul3A_2 = arith.muli %arg1, %mul3A_1 : i32
    %mul3A_3 = arith.constant 640 : i32
    %mul3A_4 = arith.muli %arg1, %mul3A_3 : i32
    "tpu.region"() ({
      %run_scoped3A = tpu.sem_alloc : memref<!tpu.dma_semaphore, #tpu.memory_space<semaphore_mem>>
      %dma_start3A_65 = arith.constant 0 : i32
      %dma_start3A_66 = tpu.memref_slice %arg13[%mul3A_4, %dma_start3A_65] : memref<10240x128xf32, #tpu.memory_space<vmem_shared>> -> memref<640x128xf32, #tpu.memory_space<vmem_shared>>
      %dma_start3A_67 = arith.constant 0 : i32
      %dma_start3A_68 = tpu.memref_slice %arg5[%mul3A_2, %dma_start3A_67] : memref<10240x128xf32, #tpu.memory_space<hbm>> -> memref<640x128xf32, #tpu.memory_space<hbm>>
      tpu.enqueue_dma source(%dma_start3A_68 : memref<640x128xf32, #tpu.memory_space<hbm>>) target(%dma_start3A_66 : memref<640x128xf32, #tpu.memory_space<vmem_shared>>) target_semaphore(%run_scoped3A : memref<!tpu.dma_semaphore, #tpu.memory_space<semaphore_mem>>)
      %dma_wait3A_69 = arith.constant 0 : i32
      %dma_wait3A_70 = tpu.memref_slice %arg13[%mul3A_4, %dma_wait3A_69] : memref<10240x128xf32, #tpu.memory_space<vmem_shared>> -> memref<640x128xf32, #tpu.memory_space<vmem_shared>>
      %dma_wait3A_71 = arith.constant 0 : i32
      %dma_wait3A_72 = tpu.memref_slice %arg5[%mul3A_2, %dma_wait3A_71] : memref<10240x128xf32, #tpu.memory_space<hbm>> -> memref<640x128xf32, #tpu.memory_space<hbm>>
      tpu.wait_dma2 semaphore(%run_scoped3A : memref<!tpu.dma_semaphore, #tpu.memory_space<semaphore_mem>>) src(%dma_wait3A_72 : memref<640x128xf32, #tpu.memory_space<hbm>>) dst(%dma_wait3A_70 : memref<640x128xf32, #tpu.memory_space<vmem_shared>>)
      tpu.yield
    }) : () -> ()
    %barrier3A = arith.constant 0 : index
    tpu.barrier barrier_id(%barrier3A)
    %dma_start3A = arith.constant 0 : i32
    %dma_start3A_5 = arith.constant 0 : i32
    %dma_start3A_6 = arith.constant 0 : i32
    %dma_start3A_7 = tpu.memref_slice %arg3[%add3A, %dma_start3A, %dma_start3A_5, %dma_start3A_6] : memref<32x100x1x100xi32, #tpu.memory_space<hbm>> -> memref<1x1x1x100xi32, #tpu.memory_space<hbm>>
    %dma_start3A_8 = tpu.memref_squeeze %dma_start3A_7 : memref<1x1x1x100xi32, #tpu.memory_space<hbm>> -> memref<1x100xi32, #tpu.memory_space<hbm>>
    %dma_start3A_9 = arith.constant 0 : i32
    %dma_start3A_10 = arith.constant 0 : i32
    %dma_start3A_11 = tpu.memref_slice %arg3[%add3A, %dma_start3A, %dma_start3A_9, %dma_start3A_10] : memref<32x100x1x100xi32, #tpu.memory_space<hbm>> -> memref<1x1x1x100xi32, #tpu.memory_space<hbm>>
    %dma_start3A_12 = tpu.memref_squeeze %dma_start3A_11 : memref<1x1x1x100xi32, #tpu.memory_space<hbm>> -> memref<1x100xi32, #tpu.memory_space<hbm>>
    tpu.enqueue_dma source(%dma_start3A_12 : memref<1x100xi32, #tpu.memory_space<hbm>>) target(%arg7 : memref<1x100xi32, #tpu.memory_space<vmem>>) target_semaphore(%arg16 : memref<!tpu.dma_semaphore, #tpu.memory_space<semaphore_mem>>)
    %dma_start3A_13 = arith.constant 0 : i32
    %dma_start3A_14 = arith.constant 0 : i32
    %dma_start3A_15 = arith.constant 0 : i32
    %dma_start3A_16 = tpu.memref_slice %arg4[%add3A, %dma_start3A_13, %dma_start3A_14, %dma_start3A_15] : memref<32x100x1x100xi32, #tpu.memory_space<hbm>> -> memref<1x1x1x100xi32, #tpu.memory_space<hbm>>
    %dma_start3A_17 = tpu.memref_squeeze %dma_start3A_16 : memref<1x1x1x100xi32, #tpu.memory_space<hbm>> -> memref<1x100xi32, #tpu.memory_space<hbm>>
    %dma_start3A_18 = arith.constant 0 : i32
    %dma_start3A_19 = arith.constant 0 : i32
    %dma_start3A_20 = tpu.memref_slice %arg4[%add3A, %dma_start3A_13, %dma_start3A_18, %dma_start3A_19] : memref<32x100x1x100xi32, #tpu.memory_space<hbm>> -> memref<1x1x1x100xi32, #tpu.memory_space<hbm>>
    %dma_start3A_21 = tpu.memref_squeeze %dma_start3A_20 : memref<1x1x1x100xi32, #tpu.memory_space<hbm>> -> memref<1x100xi32, #tpu.memory_space<hbm>>
    tpu.enqueue_dma source(%dma_start3A_21 : memref<1x100xi32, #tpu.memory_space<hbm>>) target(%arg9 : memref<1x100xi32, #tpu.memory_space<vmem>>) target_semaphore(%arg18 : memref<!tpu.dma_semaphore, #tpu.memory_space<semaphore_mem>>)
    %dma_start3A_22 = arith.constant 1 : i32
    %dma_start3A_23 = arith.constant 0 : i32
    %dma_start3A_24 = arith.constant 0 : i32
    %dma_start3A_25 = tpu.memref_slice %arg3[%add3A, %dma_start3A_22, %dma_start3A_23, %dma_start3A_24] : memref<32x100x1x100xi32, #tpu.memory_space<hbm>> -> memref<1x1x1x100xi32, #tpu.memory_space<hbm>>
    %dma_start3A_26 = tpu.memref_squeeze %dma_start3A_25 : memref<1x1x1x100xi32, #tpu.memory_space<hbm>> -> memref<1x100xi32, #tpu.memory_space<hbm>>
    %dma_start3A_27 = arith.constant 0 : i32
    %dma_start3A_28 = arith.constant 0 : i32
    %dma_start3A_29 = tpu.memref_slice %arg3[%add3A, %dma_start3A_22, %dma_start3A_27, %dma_start3A_28] : memref<32x100x1x100xi32, #tpu.memory_space<hbm>> -> memref<1x1x1x100xi32, #tpu.memory_space<hbm>>
    %dma_start3A_30 = tpu.memref_squeeze %dma_start3A_29 : memref<1x1x1x100xi32, #tpu.memory_space<hbm>> -> memref<1x100xi32, #tpu.memory_space<hbm>>
    tpu.enqueue_dma source(%dma_start3A_30 : memref<1x100xi32, #tpu.memory_space<hbm>>) target(%arg8 : memref<1x100xi32, #tpu.memory_space<vmem>>) target_semaphore(%arg17 : memref<!tpu.dma_semaphore, #tpu.memory_space<semaphore_mem>>)
    %dma_start3A_31 = arith.constant 1 : i32
    %dma_start3A_32 = arith.constant 0 : i32
    %dma_start3A_33 = arith.constant 0 : i32
    %dma_start3A_34 = tpu.memref_slice %arg4[%add3A, %dma_start3A_31, %dma_start3A_32, %dma_start3A_33] : memref<32x100x1x100xi32, #tpu.memory_space<hbm>> -> memref<1x1x1x100xi32, #tpu.memory_space<hbm>>
    %dma_start3A_35 = tpu.memref_squeeze %dma_start3A_34 : memref<1x1x1x100xi32, #tpu.memory_space<hbm>> -> memref<1x100xi32, #tpu.memory_space<hbm>>
    %dma_start3A_36 = arith.constant 0 : i32
    %dma_start3A_37 = arith.constant 0 : i32
    %dma_start3A_38 = tpu.memref_slice %arg4[%add3A, %dma_start3A_31, %dma_start3A_36, %dma_start3A_37] : memref<32x100x1x100xi32, #tpu.memory_space<hbm>> -> memref<1x1x1x100xi32, #tpu.memory_space<hbm>>
    %dma_start3A_39 = tpu.memref_squeeze %dma_start3A_38 : memref<1x1x1x100xi32, #tpu.memory_space<hbm>> -> memref<1x100xi32, #tpu.memory_space<hbm>>
    tpu.enqueue_dma source(%dma_start3A_39 : memref<1x100xi32, #tpu.memory_space<hbm>>) target(%arg10 : memref<1x100xi32, #tpu.memory_space<vmem>>) target_semaphore(%arg19 : memref<!tpu.dma_semaphore, #tpu.memory_space<semaphore_mem>>)
    %dma_wait3A = arith.constant 0 : i32
    %dma_wait3A_40 = arith.constant 0 : i32
    %dma_wait3A_41 = arith.constant 0 : i32
    %dma_wait3A_42 = tpu.memref_slice %arg3[%add3A, %dma_wait3A, %dma_wait3A_40, %dma_wait3A_41] : memref<32x100x1x100xi32, #tpu.memory_space<hbm>> -> memref<1x1x1x100xi32, #tpu.memory_space<hbm>>
    %dma_wait3A_43 = tpu.memref_squeeze %dma_wait3A_42 : memref<1x1x1x100xi32, #tpu.memory_space<hbm>> -> memref<1x100xi32, #tpu.memory_space<hbm>>
    %dma_wait3A_44 = arith.constant 0 : i32
    %dma_wait3A_45 = arith.constant 0 : i32
    %dma_wait3A_46 = tpu.memref_slice %arg3[%add3A, %dma_wait3A, %dma_wait3A_44, %dma_wait3A_45] : memref<32x100x1x100xi32, #tpu.memory_space<hbm>> -> memref<1x1x1x100xi32, #tpu.memory_space<hbm>>
    %dma_wait3A_47 = tpu.memref_squeeze %dma_wait3A_46 : memref<1x1x1x100xi32, #tpu.memory_space<hbm>> -> memref<1x100xi32, #tpu.memory_space<hbm>>
    tpu.wait_dma2 semaphore(%arg16 : memref<!tpu.dma_semaphore, #tpu.memory_space<semaphore_mem>>) src(%dma_wait3A_47 : memref<1x100xi32, #tpu.memory_space<hbm>>) dst(%arg7 : memref<1x100xi32, #tpu.memory_space<vmem>>)
    %dma_start3A_48 = arith.constant 0 : i32
    %dma_start3A_49 = arith.constant 0 : i32
    %dma_start3A_50 = tpu.memref_slice %arg7[%dma_start3A_48, %dma_start3A_49] : memref<1x100xi32, #tpu.memory_space<vmem>> -> memref<1x100xi32, #tpu.memory_space<vmem>>
    %dma_start3A_51 = tpu.memref_squeeze %dma_start3A_50 : memref<1x100xi32, #tpu.memory_space<vmem>> -> memref<100xi32, #tpu.memory_space<vmem>>
    %dma_start3A_52 = arith.constant 0 : i32
    %dma_start3A_53 = arith.constant 0 : i32
    %dma_start3A_54 = tpu.memref_slice %arg2[%dma_start3A_52, %dma_start3A_53] : memref<10000x128xf32, #tpu.memory_space<hbm>> -> memref<10000x128xf32, #tpu.memory_space<hbm>>
    tpu.enqueue_indirect_dma source(%dma_start3A_54 : memref<10000x128xf32, #tpu.memory_space<hbm>>) target(%arg11 : memref<100x128xf32, #tpu.memory_space<vmem>>) offsets(%dma_start3A_51 : memref<100xi32, #tpu.memory_space<vmem>>) semaphore(%arg14 : memref<!tpu.dma_semaphore, #tpu.memory_space<semaphore_mem>>)
    %scan3A = arith.constant 0 : i32
    %scan3A_55 = arith.constant 0 : i32
    %scan3A_56 = arith.constant 50 : i32
    %scan3A_57 = arith.addi %scan3A_55, %scan3A_56 : i32
    %scan3A_58 = arith.constant 1 : i32
    scf.for %scan3A_65 = %scan3A_55 to %scan3A_57 step %scan3A_58  : i32 {
      %mul3A_66 = arith.constant 2 : i32
      %mul3A_67 = arith.muli %mul3A_66, %scan3A_65 : i32
      %add3A_68 = arith.constant 1 : i32
      %add3A_69 = arith.addi %mul3A_67, %add3A_68 : i32
      %dma_wait3A_70 = arith.constant 0 : i32
      %dma_wait3A_71 = arith.constant 0 : i32
      %dma_wait3A_72 = tpu.memref_slice %arg7[%dma_wait3A_70, %dma_wait3A_71] : memref<1x100xi32, #tpu.memory_space<vmem>> -> memref<1x100xi32, #tpu.memory_space<vmem>>
      %dma_wait3A_73 = tpu.memref_squeeze %dma_wait3A_72 : memref<1x100xi32, #tpu.memory_space<vmem>> -> memref<100xi32, #tpu.memory_space<vmem>>
      %dma_wait3A_74 = arith.constant 0 : i32
      %dma_wait3A_75 = arith.constant 0 : i32
      %dma_wait3A_76 = tpu.memref_slice %arg2[%dma_wait3A_74, %dma_wait3A_75] : memref<10000x128xf32, #tpu.memory_space<hbm>> -> memref<10000x128xf32, #tpu.memory_space<hbm>>
      tpu.wait_indirect_dma semaphore(%arg14 : memref<!tpu.dma_semaphore, #tpu.memory_space<semaphore_mem>>) src(%dma_wait3A_76 : memref<10000x128xf32, #tpu.memory_space<hbm>>) dst(%arg11 : memref<100x128xf32, #tpu.memory_space<vmem>>)
      %dma_wait3A_77 = arith.constant 0 : i32
      %dma_wait3A_78 = arith.constant 0 : i32
      %dma_wait3A_79 = tpu.memref_slice %arg3[%add3A, %add3A_69, %dma_wait3A_77, %dma_wait3A_78] : memref<32x100x1x100xi32, #tpu.memory_space<hbm>> -> memref<1x1x1x100xi32, #tpu.memory_space<hbm>>
      %dma_wait3A_80 = tpu.memref_squeeze %dma_wait3A_79 : memref<1x1x1x100xi32, #tpu.memory_space<hbm>> -> memref<1x100xi32, #tpu.memory_space<hbm>>
      %dma_wait3A_81 = arith.constant 0 : i32
      %dma_wait3A_82 = arith.constant 0 : i32
      %dma_wait3A_83 = tpu.memref_slice %arg3[%add3A, %add3A_69, %dma_wait3A_81, %dma_wait3A_82] : memref<32x100x1x100xi32, #tpu.memory_space<hbm>> -> memref<1x1x1x100xi32, #tpu.memory_space<hbm>>
      %dma_wait3A_84 = tpu.memref_squeeze %dma_wait3A_83 : memref<1x1x1x100xi32, #tpu.memory_space<hbm>> -> memref<1x100xi32, #tpu.memory_space<hbm>>
      tpu.wait_dma2 semaphore(%arg17 : memref<!tpu.dma_semaphore, #tpu.memory_space<semaphore_mem>>) src(%dma_wait3A_84 : memref<1x100xi32, #tpu.memory_space<hbm>>) dst(%arg8 : memref<1x100xi32, #tpu.memory_space<vmem>>)
      %dma_start3A_85 = arith.constant 0 : i32
      %dma_start3A_86 = arith.constant 0 : i32
      %dma_start3A_87 = tpu.memref_slice %arg8[%dma_start3A_85, %dma_start3A_86] : memref<1x100xi32, #tpu.memory_space<vmem>> -> memref<1x100xi32, #tpu.memory_space<vmem>>
      %dma_start3A_88 = tpu.memref_squeeze %dma_start3A_87 : memref<1x100xi32, #tpu.memory_space<vmem>> -> memref<100xi32, #tpu.memory_space<vmem>>
      %dma_start3A_89 = arith.constant 0 : i32
      %dma_start3A_90 = arith.constant 0 : i32
      %dma_start3A_91 = tpu.memref_slice %arg2[%dma_start3A_89, %dma_start3A_90] : memref<10000x128xf32, #tpu.memory_space<hbm>> -> memref<10000x128xf32, #tpu.memory_space<hbm>>
      tpu.enqueue_indirect_dma source(%dma_start3A_91 : memref<10000x128xf32, #tpu.memory_space<hbm>>) target(%arg12 : memref<100x128xf32, #tpu.memory_space<vmem>>) offsets(%dma_start3A_88 : memref<100xi32, #tpu.memory_space<vmem>>) semaphore(%arg15 : memref<!tpu.dma_semaphore, #tpu.memory_space<semaphore_mem>>)
      %dma_wait3A_92 = arith.constant 0 : i32
      %dma_wait3A_93 = arith.constant 0 : i32
      %dma_wait3A_94 = tpu.memref_slice %arg4[%add3A, %mul3A_67, %dma_wait3A_92, %dma_wait3A_93] : memref<32x100x1x100xi32, #tpu.memory_space<hbm>> -> memref<1x1x1x100xi32, #tpu.memory_space<hbm>>
      %dma_wait3A_95 = tpu.memref_squeeze %dma_wait3A_94 : memref<1x1x1x100xi32, #tpu.memory_space<hbm>> -> memref<1x100xi32, #tpu.memory_space<hbm>>
      %dma_wait3A_96 = arith.constant 0 : i32
      %dma_wait3A_97 = arith.constant 0 : i32
      %dma_wait3A_98 = tpu.memref_slice %arg4[%add3A, %mul3A_67, %dma_wait3A_96, %dma_wait3A_97] : memref<32x100x1x100xi32, #tpu.memory_space<hbm>> -> memref<1x1x1x100xi32, #tpu.memory_space<hbm>>
      %dma_wait3A_99 = tpu.memref_squeeze %dma_wait3A_98 : memref<1x1x1x100xi32, #tpu.memory_space<hbm>> -> memref<1x100xi32, #tpu.memory_space<hbm>>
      tpu.wait_dma2 semaphore(%arg18 : memref<!tpu.dma_semaphore, #tpu.memory_space<semaphore_mem>>) src(%dma_wait3A_99 : memref<1x100xi32, #tpu.memory_space<hbm>>) dst(%arg9 : memref<1x100xi32, #tpu.memory_space<vmem>>)
      %run_scoped3A = arith.constant 0 : i32
      "tpu.region"() ({
        %run_scoped3A_127 = tpu.sem_alloc : memref<!tpu.dma_semaphore, #tpu.memory_space<semaphore_mem>>
        %dma_start3A_128 = arith.constant 0 : i32
        %dma_start3A_129 = tpu.memref_slice %arg9[%run_scoped3A, %dma_start3A_128] : memref<1x100xi32, #tpu.memory_space<vmem>> -> memref<1x100xi32, #tpu.memory_space<vmem>>
        %dma_start3A_130 = tpu.memref_squeeze %dma_start3A_129 : memref<1x100xi32, #tpu.memory_space<vmem>> -> memref<100xi32, #tpu.memory_space<vmem>>
        %dma_start3A_131 = arith.constant 0 : i32
        %dma_start3A_132 = arith.constant 0 : i32
        %dma_start3A_133 = tpu.memref_slice %arg13[%dma_start3A_131, %dma_start3A_132] : memref<10240x128xf32, #tpu.memory_space<vmem_shared>> -> memref<10240x128xf32, #tpu.memory_space<vmem_shared>>
        tpu.enqueue_indirect_dma source(%arg11 : memref<100x128xf32, #tpu.memory_space<vmem>>) target(%dma_start3A_133 : memref<10240x128xf32, #tpu.memory_space<vmem_shared>>) offsets(%dma_start3A_130 : memref<100xi32, #tpu.memory_space<vmem>>) semaphore(%run_scoped3A_127 : memref<!tpu.dma_semaphore, #tpu.memory_space<semaphore_mem>>) {add = true}
        %dma_wait3A_134 = arith.constant 0 : i32
        %dma_wait3A_135 = tpu.memref_slice %arg9[%run_scoped3A, %dma_wait3A_134] : memref<1x100xi32, #tpu.memory_space<vmem>> -> memref<1x100xi32, #tpu.memory_space<vmem>>
        %dma_wait3A_136 = tpu.memref_squeeze %dma_wait3A_135 : memref<1x100xi32, #tpu.memory_space<vmem>> -> memref<100xi32, #tpu.memory_space<vmem>>
        %dma_wait3A_137 = arith.constant 0 : i32
        %dma_wait3A_138 = arith.constant 0 : i32
        %dma_wait3A_139 = tpu.memref_slice %arg13[%dma_wait3A_137, %dma_wait3A_138] : memref<10240x128xf32, #tpu.memory_space<vmem_shared>> -> memref<10240x128xf32, #tpu.memory_space<vmem_shared>>
        tpu.wait_indirect_dma semaphore(%run_scoped3A_127 : memref<!tpu.dma_semaphore, #tpu.memory_space<semaphore_mem>>) src(%arg11 : memref<100x128xf32, #tpu.memory_space<vmem>>) dst(%dma_wait3A_139 : memref<10240x128xf32, #tpu.memory_space<vmem_shared>>)
        tpu.yield
      }) : () -> ()
      %add3A_100 = arith.constant 1 : i32
      %add3A_101 = arith.addi %scan3A_65, %add3A_100 : i32
      %lt3A = arith.constant 50 : i32
      %lt3A_102 = arith.cmpi slt, %add3A_101, %lt3A : i32
      %convert_element_type3A = arith.extui %lt3A_102 : i1 to i32
      %cond3A = arith.constant 0 : i32
      %cond3A_103 = arith.cmpi ne, %convert_element_type3A, %cond3A : i32
      scf.if %cond3A_103 {
        %add3A_127 = arith.constant 2 : i32
        %add3A_128 = arith.addi %mul3A_67, %add3A_127 : i32
        %dma_start3A_129 = arith.constant 0 : i32
        %dma_start3A_130 = arith.constant 0 : i32
        %dma_start3A_131 = tpu.memref_slice %arg3[%add3A, %add3A_128, %dma_start3A_129, %dma_start3A_130] : memref<32x100x1x100xi32, #tpu.memory_space<hbm>> -> memref<1x1x1x100xi32, #tpu.memory_space<hbm>>
        %dma_start3A_132 = tpu.memref_squeeze %dma_start3A_131 : memref<1x1x1x100xi32, #tpu.memory_space<hbm>> -> memref<1x100xi32, #tpu.memory_space<hbm>>
        %dma_start3A_133 = arith.constant 0 : i32
        %dma_start3A_134 = arith.constant 0 : i32
        %dma_start3A_135 = tpu.memref_slice %arg3[%add3A, %add3A_128, %dma_start3A_133, %dma_start3A_134] : memref<32x100x1x100xi32, #tpu.memory_space<hbm>> -> memref<1x1x1x100xi32, #tpu.memory_space<hbm>>
        %dma_start3A_136 = tpu.memref_squeeze %dma_start3A_135 : memref<1x1x1x100xi32, #tpu.memory_space<hbm>> -> memref<1x100xi32, #tpu.memory_space<hbm>>
        tpu.enqueue_dma source(%dma_start3A_136 : memref<1x100xi32, #tpu.memory_space<hbm>>) target(%arg7 : memref<1x100xi32, #tpu.memory_space<vmem>>) target_semaphore(%arg16 : memref<!tpu.dma_semaphore, #tpu.memory_space<semaphore_mem>>)
        %add3A_137 = arith.constant 2 : i32
        %add3A_138 = arith.addi %mul3A_67, %add3A_137 : i32
        %dma_start3A_139 = arith.constant 0 : i32
        %dma_start3A_140 = arith.constant 0 : i32
        %dma_start3A_141 = tpu.memref_slice %arg4[%add3A, %add3A_138, %dma_start3A_139, %dma_start3A_140] : memref<32x100x1x100xi32, #tpu.memory_space<hbm>> -> memref<1x1x1x100xi32, #tpu.memory_space<hbm>>
        %dma_start3A_142 = tpu.memref_squeeze %dma_start3A_141 : memref<1x1x1x100xi32, #tpu.memory_space<hbm>> -> memref<1x100xi32, #tpu.memory_space<hbm>>
        %dma_start3A_143 = arith.constant 0 : i32
        %dma_start3A_144 = arith.constant 0 : i32
        %dma_start3A_145 = tpu.memref_slice %arg4[%add3A, %add3A_138, %dma_start3A_143, %dma_start3A_144] : memref<32x100x1x100xi32, #tpu.memory_space<hbm>> -> memref<1x1x1x100xi32, #tpu.memory_space<hbm>>
        %dma_start3A_146 = tpu.memref_squeeze %dma_start3A_145 : memref<1x1x1x100xi32, #tpu.memory_space<hbm>> -> memref<1x100xi32, #tpu.memory_space<hbm>>
        tpu.enqueue_dma source(%dma_start3A_146 : memref<1x100xi32, #tpu.memory_space<hbm>>) target(%arg9 : memref<1x100xi32, #tpu.memory_space<vmem>>) target_semaphore(%arg18 : memref<!tpu.dma_semaphore, #tpu.memory_space<semaphore_mem>>)
      } else {
      }
      %dma_wait3A_104 = arith.constant 0 : i32
      %dma_wait3A_105 = arith.constant 0 : i32
      %dma_wait3A_106 = tpu.memref_slice %arg8[%dma_wait3A_104, %dma_wait3A_105] : memref<1x100xi32, #tpu.memory_space<vmem>> -> memref<1x100xi32, #tpu.memory_space<vmem>>
      %dma_wait3A_107 = tpu.memref_squeeze %dma_wait3A_106 : memref<1x100xi32, #tpu.memory_space<vmem>> -> memref<100xi32, #tpu.memory_space<vmem>>
      %dma_wait3A_108 = arith.constant 0 : i32
      %dma_wait3A_109 = arith.constant 0 : i32
      %dma_wait3A_110 = tpu.memref_slice %arg2[%dma_wait3A_108, %dma_wait3A_109] : memref<10000x128xf32, #tpu.memory_space<hbm>> -> memref<10000x128xf32, #tpu.memory_space<hbm>>
      tpu.wait_indirect_dma semaphore(%arg15 : memref<!tpu.dma_semaphore, #tpu.memory_space<semaphore_mem>>) src(%dma_wait3A_110 : memref<10000x128xf32, #tpu.memory_space<hbm>>) dst(%arg12 : memref<100x128xf32, #tpu.memory_space<vmem>>)
      %dma_wait3A_111 = arith.constant 0 : i32
      %dma_wait3A_112 = arith.constant 0 : i32
      %dma_wait3A_113 = tpu.memref_slice %arg4[%add3A, %add3A_69, %dma_wait3A_111, %dma_wait3A_112] : memref<32x100x1x100xi32, #tpu.memory_space<hbm>> -> memref<1x1x1x100xi32, #tpu.memory_space<hbm>>
      %dma_wait3A_114 = tpu.memref_squeeze %dma_wait3A_113 : memref<1x1x1x100xi32, #tpu.memory_space<hbm>> -> memref<1x100xi32, #tpu.memory_space<hbm>>
      %dma_wait3A_115 = arith.constant 0 : i32
      %dma_wait3A_116 = arith.constant 0 : i32
      %dma_wait3A_117 = tpu.memref_slice %arg4[%add3A, %add3A_69, %dma_wait3A_115, %dma_wait3A_116] : memref<32x100x1x100xi32, #tpu.memory_space<hbm>> -> memref<1x1x1x100xi32, #tpu.memory_space<hbm>>
      %dma_wait3A_118 = tpu.memref_squeeze %dma_wait3A_117 : memref<1x1x1x100xi32, #tpu.memory_space<hbm>> -> memref<1x100xi32, #tpu.memory_space<hbm>>
      tpu.wait_dma2 semaphore(%arg19 : memref<!tpu.dma_semaphore, #tpu.memory_space<semaphore_mem>>) src(%dma_wait3A_118 : memref<1x100xi32, #tpu.memory_space<hbm>>) dst(%arg10 : memref<1x100xi32, #tpu.memory_space<vmem>>)
      %run_scoped3A_119 = arith.constant 0 : i32
      "tpu.region"() ({
        %run_scoped3A_127 = tpu.sem_alloc : memref<!tpu.dma_semaphore, #tpu.memory_space<semaphore_mem>>
        %dma_start3A_128 = arith.constant 0 : i32
        %dma_start3A_129 = tpu.memref_slice %arg10[%run_scoped3A_119, %dma_start3A_128] : memref<1x100xi32, #tpu.memory_space<vmem>> -> memref<1x100xi32, #tpu.memory_space<vmem>>
        %dma_start3A_130 = tpu.memref_squeeze %dma_start3A_129 : memref<1x100xi32, #tpu.memory_space<vmem>> -> memref<100xi32, #tpu.memory_space<vmem>>
        %dma_start3A_131 = arith.constant 0 : i32
        %dma_start3A_132 = arith.constant 0 : i32
        %dma_start3A_133 = tpu.memref_slice %arg13[%dma_start3A_131, %dma_start3A_132] : memref<10240x128xf32, #tpu.memory_space<vmem_shared>> -> memref<10240x128xf32, #tpu.memory_space<vmem_shared>>
        tpu.enqueue_indirect_dma source(%arg12 : memref<100x128xf32, #tpu.memory_space<vmem>>) target(%dma_start3A_133 : memref<10240x128xf32, #tpu.memory_space<vmem_shared>>) offsets(%dma_start3A_130 : memref<100xi32, #tpu.memory_space<vmem>>) semaphore(%run_scoped3A_127 : memref<!tpu.dma_semaphore, #tpu.memory_space<semaphore_mem>>) {add = true}
        %dma_wait3A_134 = arith.constant 0 : i32
        %dma_wait3A_135 = tpu.memref_slice %arg10[%run_scoped3A_119, %dma_wait3A_134] : memref<1x100xi32, #tpu.memory_space<vmem>> -> memref<1x100xi32, #tpu.memory_space<vmem>>
        %dma_wait3A_136 = tpu.memref_squeeze %dma_wait3A_135 : memref<1x100xi32, #tpu.memory_space<vmem>> -> memref<100xi32, #tpu.memory_space<vmem>>
        %dma_wait3A_137 = arith.constant 0 : i32
        %dma_wait3A_138 = arith.constant 0 : i32
        %dma_wait3A_139 = tpu.memref_slice %arg13[%dma_wait3A_137, %dma_wait3A_138] : memref<10240x128xf32, #tpu.memory_space<vmem_shared>> -> memref<10240x128xf32, #tpu.memory_space<vmem_shared>>
        tpu.wait_indirect_dma semaphore(%run_scoped3A_127 : memref<!tpu.dma_semaphore, #tpu.memory_space<semaphore_mem>>) src(%arg12 : memref<100x128xf32, #tpu.memory_space<vmem>>) dst(%dma_wait3A_139 : memref<10240x128xf32, #tpu.memory_space<vmem_shared>>)
        tpu.yield
      }) : () -> ()
      %add3A_120 = arith.constant 1 : i32
      %add3A_121 = arith.addi %scan3A_65, %add3A_120 : i32
      %lt3A_122 = arith.constant 50 : i32
      %lt3A_123 = arith.cmpi slt, %add3A_121, %lt3A_122 : i32
      %convert_element_type3A_124 = arith.extui %lt3A_123 : i1 to i32
      %cond3A_125 = arith.constant 0 : i32
      %cond3A_126 = arith.cmpi ne, %convert_element_type3A_124, %cond3A_125 : i32
      scf.if %cond3A_126 {
        %add3A_127 = arith.constant 2 : i32
        %add3A_128 = arith.addi %mul3A_67, %add3A_127 : i32
        %dma_wait3A_129 = arith.constant 0 : i32
        %dma_wait3A_130 = arith.constant 0 : i32
        %dma_wait3A_131 = tpu.memref_slice %arg3[%add3A, %add3A_128, %dma_wait3A_129, %dma_wait3A_130] : memref<32x100x1x100xi32, #tpu.memory_space<hbm>> -> memref<1x1x1x100xi32, #tpu.memory_space<hbm>>
        %dma_wait3A_132 = tpu.memref_squeeze %dma_wait3A_131 : memref<1x1x1x100xi32, #tpu.memory_space<hbm>> -> memref<1x100xi32, #tpu.memory_space<hbm>>
        %dma_wait3A_133 = arith.constant 0 : i32
        %dma_wait3A_134 = arith.constant 0 : i32
        %dma_wait3A_135 = tpu.memref_slice %arg3[%add3A, %add3A_128, %dma_wait3A_133, %dma_wait3A_134] : memref<32x100x1x100xi32, #tpu.memory_space<hbm>> -> memref<1x1x1x100xi32, #tpu.memory_space<hbm>>
        %dma_wait3A_136 = tpu.memref_squeeze %dma_wait3A_135 : memref<1x1x1x100xi32, #tpu.memory_space<hbm>> -> memref<1x100xi32, #tpu.memory_space<hbm>>
        tpu.wait_dma2 semaphore(%arg16 : memref<!tpu.dma_semaphore, #tpu.memory_space<semaphore_mem>>) src(%dma_wait3A_136 : memref<1x100xi32, #tpu.memory_space<hbm>>) dst(%arg7 : memref<1x100xi32, #tpu.memory_space<vmem>>)
        %dma_start3A_137 = arith.constant 0 : i32
        %dma_start3A_138 = arith.constant 0 : i32
        %dma_start3A_139 = tpu.memref_slice %arg7[%dma_start3A_137, %dma_start3A_138] : memref<1x100xi32, #tpu.memory_space<vmem>> -> memref<1x100xi32, #tpu.memory_space<vmem>>
        %dma_start3A_140 = tpu.memref_squeeze %dma_start3A_139 : memref<1x100xi32, #tpu.memory_space<vmem>> -> memref<100xi32, #tpu.memory_space<vmem>>
        %dma_start3A_141 = arith.constant 0 : i32
        %dma_start3A_142 = arith.constant 0 : i32
        %dma_start3A_143 = tpu.memref_slice %arg2[%dma_start3A_141, %dma_start3A_142] : memref<10000x128xf32, #tpu.memory_space<hbm>> -> memref<10000x128xf32, #tpu.memory_space<hbm>>
        tpu.enqueue_indirect_dma source(%dma_start3A_143 : memref<10000x128xf32, #tpu.memory_space<hbm>>) target(%arg11 : memref<100x128xf32, #tpu.memory_space<vmem>>) offsets(%dma_start3A_140 : memref<100xi32, #tpu.memory_space<vmem>>) semaphore(%arg14 : memref<!tpu.dma_semaphore, #tpu.memory_space<semaphore_mem>>)
        %add3A_144 = arith.constant 3 : i32
        %add3A_145 = arith.addi %mul3A_67, %add3A_144 : i32
        %dma_start3A_146 = arith.constant 0 : i32
        %dma_start3A_147 = arith.constant 0 : i32
        %dma_start3A_148 = tpu.memref_slice %arg3[%add3A, %add3A_145, %dma_start3A_146, %dma_start3A_147] : memref<32x100x1x100xi32, #tpu.memory_space<hbm>> -> memref<1x1x1x100xi32, #tpu.memory_space<hbm>>
        %dma_start3A_149 = tpu.memref_squeeze %dma_start3A_148 : memref<1x1x1x100xi32, #tpu.memory_space<hbm>> -> memref<1x100xi32, #tpu.memory_space<hbm>>
        %dma_start3A_150 = arith.constant 0 : i32
        %dma_start3A_151 = arith.constant 0 : i32
        %dma_start3A_152 = tpu.memref_slice %arg3[%add3A, %add3A_145, %dma_start3A_150, %dma_start3A_151] : memref<32x100x1x100xi32, #tpu.memory_space<hbm>> -> memref<1x1x1x100xi32, #tpu.memory_space<hbm>>
        %dma_start3A_153 = tpu.memref_squeeze %dma_start3A_152 : memref<1x1x1x100xi32, #tpu.memory_space<hbm>> -> memref<1x100xi32, #tpu.memory_space<hbm>>
        tpu.enqueue_dma source(%dma_start3A_153 : memref<1x100xi32, #tpu.memory_space<hbm>>) target(%arg8 : memref<1x100xi32, #tpu.memory_space<vmem>>) target_semaphore(%arg17 : memref<!tpu.dma_semaphore, #tpu.memory_space<semaphore_mem>>)
        %add3A_154 = arith.constant 3 : i32
        %add3A_155 = arith.addi %mul3A_67, %add3A_154 : i32
        %dma_start3A_156 = arith.constant 0 : i32
        %dma_start3A_157 = arith.constant 0 : i32
        %dma_start3A_158 = tpu.memref_slice %arg4[%add3A, %add3A_155, %dma_start3A_156, %dma_start3A_157] : memref<32x100x1x100xi32, #tpu.memory_space<hbm>> -> memref<1x1x1x100xi32, #tpu.memory_space<hbm>>
        %dma_start3A_159 = tpu.memref_squeeze %dma_start3A_158 : memref<1x1x1x100xi32, #tpu.memory_space<hbm>> -> memref<1x100xi32, #tpu.memory_space<hbm>>
        %dma_start3A_160 = arith.constant 0 : i32
        %dma_start3A_161 = arith.constant 0 : i32
        %dma_start3A_162 = tpu.memref_slice %arg4[%add3A, %add3A_155, %dma_start3A_160, %dma_start3A_161] : memref<32x100x1x100xi32, #tpu.memory_space<hbm>> -> memref<1x1x1x100xi32, #tpu.memory_space<hbm>>
        %dma_start3A_163 = tpu.memref_squeeze %dma_start3A_162 : memref<1x1x1x100xi32, #tpu.memory_space<hbm>> -> memref<1x100xi32, #tpu.memory_space<hbm>>
        tpu.enqueue_dma source(%dma_start3A_163 : memref<1x100xi32, #tpu.memory_space<hbm>>) target(%arg10 : memref<1x100xi32, #tpu.memory_space<vmem>>) target_semaphore(%arg19 : memref<!tpu.dma_semaphore, #tpu.memory_space<semaphore_mem>>)
      } else {
      }
    }
    %scan3A_59 = arith.constant 50 : i32
    %barrier3A_60 = arith.constant 0 : index
    tpu.barrier barrier_id(%barrier3A_60)
    %mul3A_61 = arith.constant 640 : i32
    %mul3A_62 = arith.muli %arg1, %mul3A_61 : i32
    %mul3A_63 = arith.constant 640 : i32
    %mul3A_64 = arith.muli %arg1, %mul3A_63 : i32
    "tpu.region"() ({
      %run_scoped3A = tpu.sem_alloc : memref<!tpu.dma_semaphore, #tpu.memory_space<semaphore_mem>>
      %dma_start3A_65 = arith.constant 0 : i32
      %dma_start3A_66 = tpu.memref_slice %arg6[%arg0, %mul3A_64, %dma_start3A_65] : memref<2x10240x128xf32, #tpu.memory_space<hbm>> -> memref<1x640x128xf32, #tpu.memory_space<hbm>>
      %dma_start3A_67 = tpu.memref_squeeze %dma_start3A_66 : memref<1x640x128xf32, #tpu.memory_space<hbm>> -> memref<640x128xf32, #tpu.memory_space<hbm>>
      %dma_start3A_68 = arith.constant 0 : i32
      %dma_start3A_69 = tpu.memref_slice %arg13[%mul3A_62, %dma_start3A_68] : memref<10240x128xf32, #tpu.memory_space<vmem_shared>> -> memref<640x128xf32, #tpu.memory_space<vmem_shared>>
      tpu.enqueue_dma source(%dma_start3A_69 : memref<640x128xf32, #tpu.memory_space<vmem_shared>>) target(%dma_start3A_67 : memref<640x128xf32, #tpu.memory_space<hbm>>) target_semaphore(%run_scoped3A : memref<!tpu.dma_semaphore, #tpu.memory_space<semaphore_mem>>)
      %dma_wait3A_70 = arith.constant 0 : i32
      %dma_wait3A_71 = tpu.memref_slice %arg6[%arg0, %mul3A_64, %dma_wait3A_70] : memref<2x10240x128xf32, #tpu.memory_space<hbm>> -> memref<1x640x128xf32, #tpu.memory_space<hbm>>
      %dma_wait3A_72 = tpu.memref_squeeze %dma_wait3A_71 : memref<1x640x128xf32, #tpu.memory_space<hbm>> -> memref<640x128xf32, #tpu.memory_space<hbm>>
      %dma_wait3A_73 = arith.constant 0 : i32
      %dma_wait3A_74 = tpu.memref_slice %arg13[%mul3A_62, %dma_wait3A_73] : memref<10240x128xf32, #tpu.memory_space<vmem_shared>> -> memref<640x128xf32, #tpu.memory_space<vmem_shared>>
      tpu.wait_dma2 semaphore(%run_scoped3A : memref<!tpu.dma_semaphore, #tpu.memory_space<semaphore_mem>>) src(%dma_wait3A_74 : memref<640x128xf32, #tpu.memory_space<vmem_shared>>) dst(%dma_wait3A_72 : memref<640x128xf32, #tpu.memory_space<hbm>>)
      tpu.yield
    }) : () -> ()
    return
  }
}

module attributes {stable_mosaic.version = 14 : i64} {
  func.func @_tc1_body(%arg0: i32, %arg1: memref<1x1000x128xf32, #tpu.memory_space<vmem>>, %arg2: memref<1x1000x128xf32, #tpu.memory_space<vmem>>, %arg3: memref<1000x128xf32, #tpu.memory_space<vmem>>, %arg4: memref<128x128xf32, #tpu.memory_space<vmem>>, %arg5: memref<1000x128xf32, #tpu.memory_space<vmem>>, %arg6: memref<1000x1xf32, #tpu.memory_space<vmem>>) attributes {dimension_semantics = [#tpu.dimension_semantics<arbitrary>], iteration_bounds = array<i64: 10>, scalar_prefetch = 0 : i64, scratch_operands = 0 : i64, tpu.core_type = #tpu.core_type<tc>, window_params = [{transform_indices = @transform_0, window_bounds = array<i64: 1, 1000, 128>}, {transform_indices = @transform_1, window_bounds = array<i64: 1, 1000, 128>}, {transform_indices = @transform_2, window_bounds = array<i64: 1000, 128>}, {pipeline_mode = #tpu.pipeline_mode<synchronous>, transform_indices = @transform_3, window_bounds = array<i64: 128, 128>}, {transform_indices = @transform_4, window_bounds = array<i64: 1000, 128>}, {transform_indices = @transform_5, window_bounds = array<i64: 1000, 1>}]} {
    %get3A = arith.constant 0 : index
    %get3A_0 = arith.constant 0 : index
    %get3A_1 = arith.constant 0 : index
    %get3A_2 = vector.load %arg1[%get3A, %get3A_0, %get3A_1] : memref<1x1000x128xf32, #tpu.memory_space<vmem>>, vector<1x1000x1xf32>
    %get3A_3 = vector.shape_cast %get3A_2 : vector<1x1000x1xf32> to vector<1000x1xf32>
    %get3A_4 = arith.constant 0 : index
    %get3A_5 = arith.constant 0 : index
    %get3A_6 = arith.constant 0 : index
    %get3A_7 = vector.load %arg2[%get3A_4, %get3A_5, %get3A_6] : memref<1x1000x128xf32, #tpu.memory_space<vmem>>, vector<1x1000x1xf32>
    %get3A_8 = vector.shape_cast %get3A_7 : vector<1x1000x1xf32> to vector<1000x1xf32>
    %add3A = arith.addf %get3A_3, %get3A_8 : vector<1000x1xf32>
    %add3A_9 = arith.constant 1.000000e+00 : f32
    %add3A_10 = vector.broadcast %add3A_9 : f32 to vector<1000x1xf32>
    %add3A_11 = arith.addf %add3A, %add3A_10 : vector<1000x1xf32>
    %sqrt3A = math.sqrt %add3A_11 : vector<1000x1xf32>
    %div3A = arith.constant 1.000000e+00 : f32
    %div3A_12 = vector.broadcast %div3A : f32 to vector<1000x1xf32>
    %div3A_13 = arith.divf %div3A_12, %sqrt3A : vector<1000x1xf32>
    %get3A_14 = arith.constant 0 : index
    %get3A_15 = arith.constant 0 : index
    %get3A_16 = vector.load %arg3[%get3A_14, %get3A_15] : memref<1000x128xf32, #tpu.memory_space<vmem>>, vector<1000x128xf32>
    %get3A_17 = arith.constant 0 : index
    %get3A_18 = arith.constant 0 : index
    %get3A_19 = vector.load %arg4[%get3A_17, %get3A_18] : memref<128x128xf32, #tpu.memory_space<vmem>>, vector<128x128xf32>
    %dot_general3A = arith.constant dense<0.000000e+00> : vector<1000x128xf32>
    %dot_general3A_20 = tpu.matmul %get3A_16, %get3A_19, %dot_general3A {dimension_numbers = #tpu.dot_dimension_numbers<[1], [0], [0], [1], [0, 0, 1, 1], [], []>, precision = #tpu.contract_precision<fp32>, transpose_lhs_hint = false} : vector<1000x128xf32>, vector<128x128xf32>, vector<1000x128xf32> -> vector<1000x128xf32>
    %mul3A = vector.broadcast %div3A_13 : vector<1000x1xf32> to vector<1000x128xf32>
    %mul3A_21 = arith.mulf %dot_general3A_20, %mul3A : vector<1000x128xf32>
    %swap3A = arith.constant 0 : index
    %swap3A_22 = arith.constant 0 : index
    %swap3A_23 = vector.load %arg5[%swap3A, %swap3A_22] : memref<1000x128xf32, #tpu.memory_space<vmem>>, vector<1000x128xf32>
    tpu.vector_store %arg5[%swap3A, %swap3A_22], %mul3A_21 {strides = array<i32>} : memref<1000x128xf32, #tpu.memory_space<vmem>>, vector<1000x128xf32>,
    %swap3A_24 = arith.constant 0 : index
    %swap3A_25 = arith.constant 0 : index
    %swap3A_26 = vector.load %arg6[%swap3A_24, %swap3A_25] : memref<1000x1xf32, #tpu.memory_space<vmem>>, vector<1000x1xf32>
    tpu.vector_store %arg6[%swap3A_24, %swap3A_25], %div3A_13 {strides = array<i32>} : memref<1000x1xf32, #tpu.memory_space<vmem>>, vector<1000x1xf32>,
    return
  }
  func.func @transform_0(%arg0: i32) -> (i32, i32, i32) {
    %c0_i32 = arith.constant 0 : i32
    %c0_i32_0 = arith.constant 0 : i32
    %c0_i32_1 = arith.constant 0 : i32
    return %c0_i32, %arg0, %c0_i32_0 : i32, i32, i32
  }
  func.func @transform_1(%arg0: i32) -> (i32, i32, i32) {
    %c1_i32 = arith.constant 1 : i32
    %c0_i32 = arith.constant 0 : i32
    %c0_i32_0 = arith.constant 0 : i32
    return %c1_i32, %arg0, %c0_i32 : i32, i32, i32
  }
  func.func @transform_2(%arg0: i32) -> (i32, i32) {
    %c0_i32 = arith.constant 0 : i32
    %c0_i32_0 = arith.constant 0 : i32
    return %arg0, %c0_i32 : i32, i32
  }
  func.func @transform_3(%arg0: i32) -> (i32, i32) {
    %c0_i32 = arith.constant 0 : i32
    %c0_i32_0 = arith.constant 0 : i32
    %c0_i32_1 = arith.constant 0 : i32
    return %c0_i32, %c0_i32_0 : i32, i32
  }
  func.func @transform_4(%arg0: i32) -> (i32, i32) {
    %c0_i32 = arith.constant 0 : i32
    %c0_i32_0 = arith.constant 0 : i32
    return %arg0, %c0_i32 : i32, i32
  }
  func.func @transform_5(%arg0: i32) -> (i32, i32) {
    %c0_i32 = arith.constant 0 : i32
    %c0_i32_0 = arith.constant 0 : i32
    return %arg0, %c0_i32 : i32, i32
  }
}

module attributes {stable_mosaic.version = 14 : i64} {
  func.func @_tcmid_body(%arg0: i32, %arg1: memref<1x1000x128xf32, #tpu.memory_space<vmem>>, %arg2: memref<1x1000x128xf32, #tpu.memory_space<vmem>>, %arg3: memref<1000x128xf32, #tpu.memory_space<vmem>>, %arg4: memref<1000x1xf32, #tpu.memory_space<vmem>>, %arg5: memref<1x128xf32, #tpu.memory_space<vmem>>, %arg6: memref<128x128xf32, #tpu.memory_space<vmem>>, %arg7: memref<1000x128xf32, #tpu.memory_space<vmem>>) attributes {dimension_semantics = [#tpu.dimension_semantics<arbitrary>], iteration_bounds = array<i64: 10>, scalar_prefetch = 0 : i64, scratch_operands = 0 : i64, tpu.core_type = #tpu.core_type<tc>, window_params = [{transform_indices = @transform_0, window_bounds = array<i64: 1, 1000, 128>}, {transform_indices = @transform_1, window_bounds = array<i64: 1, 1000, 128>}, {transform_indices = @transform_2, window_bounds = array<i64: 1000, 128>}, {transform_indices = @transform_3, window_bounds = array<i64: 1000, 1>}, {pipeline_mode = #tpu.pipeline_mode<synchronous>, transform_indices = @transform_4, window_bounds = array<i64: 1, 128>}, {pipeline_mode = #tpu.pipeline_mode<synchronous>, transform_indices = @transform_5, window_bounds = array<i64: 128, 128>}, {transform_indices = @transform_6, window_bounds = array<i64: 1000, 128>}]} {
    %get3A = arith.constant 0 : index
    %get3A_0 = arith.constant 0 : index
    %get3A_1 = vector.load %arg4[%get3A, %get3A_0] : memref<1000x1xf32, #tpu.memory_space<vmem>>, vector<1000x1xf32>
    %get3A_2 = arith.constant 0 : index
    %get3A_3 = arith.constant 0 : index
    %get3A_4 = arith.constant 0 : index
    %get3A_5 = vector.load %arg1[%get3A_2, %get3A_3, %get3A_4] : memref<1x1000x128xf32, #tpu.memory_space<vmem>>, vector<1x1000x128xf32>
    %get3A_6 = vector.shape_cast %get3A_5 : vector<1x1000x128xf32> to vector<1000x128xf32>
    %get3A_7 = arith.constant 0 : index
    %get3A_8 = arith.constant 0 : index
    %get3A_9 = arith.constant 0 : index
    %get3A_10 = vector.load %arg2[%get3A_7, %get3A_8, %get3A_9] : memref<1x1000x128xf32, #tpu.memory_space<vmem>>, vector<1x1000x128xf32>
    %get3A_11 = vector.shape_cast %get3A_10 : vector<1x1000x128xf32> to vector<1000x128xf32>
    %add3A = arith.addf %get3A_6, %get3A_11 : vector<1000x128xf32>
    %get3A_12 = arith.constant 0 : index
    %get3A_13 = arith.constant 0 : index
    %get3A_14 = vector.load %arg3[%get3A_12, %get3A_13] : memref<1000x128xf32, #tpu.memory_space<vmem>>, vector<1000x128xf32>
    %add3A_15 = arith.addf %add3A, %get3A_14 : vector<1000x128xf32>
    %mul3A = vector.broadcast %get3A_1 : vector<1000x1xf32> to vector<1000x128xf32>
    %mul3A_16 = arith.mulf %mul3A, %add3A_15 : vector<1000x128xf32>
    %get3A_17 = arith.constant 0 : index
    %get3A_18 = arith.constant 0 : index
    %get3A_19 = vector.load %arg5[%get3A_17, %get3A_18] : memref<1x128xf32, #tpu.memory_space<vmem>>, vector<1x128xf32>
    %add3A_20 = vector.broadcast %get3A_19 : vector<1x128xf32> to vector<1000x128xf32>
    %add3A_21 = arith.addf %mul3A_16, %add3A_20 : vector<1000x128xf32>
    %max3A = arith.constant 0.000000e+00 : f32
    %max3A_22 = vector.broadcast %max3A : f32 to vector<1000x128xf32>
    %max3A_23 = arith.maximumf %add3A_21, %max3A_22 : vector<1000x128xf32>
    %get3A_24 = arith.constant 0 : index
    %get3A_25 = arith.constant 0 : index
    %get3A_26 = vector.load %arg6[%get3A_24, %get3A_25] : memref<128x128xf32, #tpu.memory_space<vmem>>, vector<128x128xf32>
    %dot_general3A = arith.constant dense<0.000000e+00> : vector<1000x128xf32>
    %dot_general3A_27 = tpu.matmul %max3A_23, %get3A_26, %dot_general3A {dimension_numbers = #tpu.dot_dimension_numbers<[1], [0], [0], [1], [0, 0, 1, 1], [], []>, precision = #tpu.contract_precision<fp32>, transpose_lhs_hint = false} : vector<1000x128xf32>, vector<128x128xf32>, vector<1000x128xf32> -> vector<1000x128xf32>
    %mul3A_28 = vector.broadcast %get3A_1 : vector<1000x1xf32> to vector<1000x128xf32>
    %mul3A_29 = arith.mulf %dot_general3A_27, %mul3A_28 : vector<1000x128xf32>
    %swap3A = arith.constant 0 : index
    %swap3A_30 = arith.constant 0 : index
    %swap3A_31 = vector.load %arg7[%swap3A, %swap3A_30] : memref<1000x128xf32, #tpu.memory_space<vmem>>, vector<1000x128xf32>
    tpu.vector_store %arg7[%swap3A, %swap3A_30], %mul3A_29 {strides = array<i32>} : memref<1000x128xf32, #tpu.memory_space<vmem>>, vector<1000x128xf32>,
    return
  }
  func.func @transform_0(%arg0: i32) -> (i32, i32, i32) {
    %c0_i32 = arith.constant 0 : i32
    %c0_i32_0 = arith.constant 0 : i32
    %c0_i32_1 = arith.constant 0 : i32
    return %c0_i32, %arg0, %c0_i32_0 : i32, i32, i32
  }
  func.func @transform_1(%arg0: i32) -> (i32, i32, i32) {
    %c1_i32 = arith.constant 1 : i32
    %c0_i32 = arith.constant 0 : i32
    %c0_i32_0 = arith.constant 0 : i32
    return %c1_i32, %arg0, %c0_i32 : i32, i32, i32
  }
  func.func @transform_2(%arg0: i32) -> (i32, i32) {
    %c0_i32 = arith.constant 0 : i32
    %c0_i32_0 = arith.constant 0 : i32
    return %arg0, %c0_i32 : i32, i32
  }
  func.func @transform_3(%arg0: i32) -> (i32, i32) {
    %c0_i32 = arith.constant 0 : i32
    %c0_i32_0 = arith.constant 0 : i32
    return %arg0, %c0_i32 : i32, i32
  }
  func.func @transform_4(%arg0: i32) -> (i32, i32) {
    %c0_i32 = arith.constant 0 : i32
    %c0_i32_0 = arith.constant 0 : i32
    %c0_i32_1 = arith.constant 0 : i32
    return %c0_i32, %c0_i32_0 : i32, i32
  }
  func.func @transform_5(%arg0: i32) -> (i32, i32) {
    %c0_i32 = arith.constant 0 : i32
    %c0_i32_0 = arith.constant 0 : i32
    %c0_i32_1 = arith.constant 0 : i32
    return %c0_i32, %c0_i32_0 : i32, i32
  }
  func.func @transform_6(%arg0: i32) -> (i32, i32) {
    %c0_i32 = arith.constant 0 : i32
    %c0_i32_0 = arith.constant 0 : i32
    return %arg0, %c0_i32 : i32, i32
  }
}

module attributes {stable_mosaic.version = 14 : i64} {
  func.func @_tcfin_body(%arg0: i32, %arg1: memref<1x1000x128xf32, #tpu.memory_space<vmem>>, %arg2: memref<1x1000x128xf32, #tpu.memory_space<vmem>>, %arg3: memref<1000x128xf32, #tpu.memory_space<vmem>>, %arg4: memref<1000x1xf32, #tpu.memory_space<vmem>>, %arg5: memref<1x128xf32, #tpu.memory_space<vmem>>, %arg6: memref<1x1x1000xi32, #tpu.memory_space<vmem>>, %arg7: memref<1000x1xi32, #tpu.memory_space<vmem>>, %arg8: memref<128x256xf32, #tpu.memory_space<vmem>>, %arg9: memref<128x128xf32, #tpu.memory_space<vmem>>, %arg10: memref<128x1xf32, #tpu.memory_space<vmem>>) attributes {dimension_semantics = [#tpu.dimension_semantics<arbitrary>], iteration_bounds = array<i64: 10>, scalar_prefetch = 0 : i64, scratch_operands = 2 : i64, tpu.core_type = #tpu.core_type<tc>, window_params = [{transform_indices = @transform_0, window_bounds = array<i64: 1, 1000, 128>}, {transform_indices = @transform_1, window_bounds = array<i64: 1, 1000, 128>}, {transform_indices = @transform_2, window_bounds = array<i64: 1000, 128>}, {transform_indices = @transform_3, window_bounds = array<i64: 1000, 1>}, {pipeline_mode = #tpu.pipeline_mode<synchronous>, transform_indices = @transform_4, window_bounds = array<i64: 1, 128>}, {transform_indices = @transform_5, window_bounds = array<i64: 1, 1, 1000>}, {transform_indices = @transform_6, window_bounds = array<i64: 1000, 1>}, {pipeline_mode = #tpu.pipeline_mode<synchronous>, transform_indices = @transform_7, window_bounds = array<i64: 128, 256>}]} {
    %eq3A = arith.constant 0 : i32
    %eq3A_0 = arith.cmpi eq, %arg0, %eq3A : i32
    %convert_element_type3A = arith.extui %eq3A_0 : i1 to i32
    %cond3A = arith.constant 0 : i32
    %cond3A_1 = arith.cmpi ne, %convert_element_type3A, %cond3A : i32
    scf.if %cond3A_1 {
      %broadcast_in_dim3A_232 = arith.constant 0.000000e+00 : f32
      %broadcast_in_dim3A_233 = vector.broadcast %broadcast_in_dim3A_232 : f32 to vector<128x128xf32>
      %swap3A_234 = arith.constant 0 : index
      %swap3A_235 = arith.constant 0 : index
      %swap3A_236 = vector.load %arg9[%swap3A_234, %swap3A_235] : memref<128x128xf32, #tpu.memory_space<vmem>>, vector<128x128xf32>
      tpu.vector_store %arg9[%swap3A_234, %swap3A_235], %broadcast_in_dim3A_233 {strides = array<i32>} : memref<128x128xf32, #tpu.memory_space<vmem>>, vector<128x128xf32>,
      %broadcast_in_dim3A_237 = arith.constant 0.000000e+00 : f32
      %broadcast_in_dim3A_238 = vector.broadcast %broadcast_in_dim3A_237 : f32 to vector<128x1xf32>
      %swap3A_239 = arith.constant 0 : index
      %swap3A_240 = arith.constant 0 : index
      %swap3A_241 = vector.load %arg10[%swap3A_239, %swap3A_240] : memref<128x1xf32, #tpu.memory_space<vmem>>, vector<128x1xf32>
      tpu.vector_store %arg10[%swap3A_239, %swap3A_240], %broadcast_in_dim3A_238 {strides = array<i32>} : memref<128x1xf32, #tpu.memory_space<vmem>>, vector<128x1xf32>,
      %broadcast_in_dim3A_242 = arith.constant 0xFF800000 : f32
      %broadcast_in_dim3A_243 = vector.broadcast %broadcast_in_dim3A_242 : f32 to vector<128x256xf32>
      %swap3A_244 = arith.constant 0 : index
      %swap3A_245 = arith.constant 0 : index
      %swap3A_246 = vector.load %arg8[%swap3A_244, %swap3A_245] : memref<128x256xf32, #tpu.memory_space<vmem>>, vector<128x256xf32>
      tpu.vector_store %arg8[%swap3A_244, %swap3A_245], %broadcast_in_dim3A_243 {strides = array<i32>} : memref<128x256xf32, #tpu.memory_space<vmem>>, vector<128x256xf32>,
    } else {
    }
    %get3A = arith.constant 0 : index
    %get3A_2 = arith.constant 0 : index
    %get3A_3 = vector.load %arg4[%get3A, %get3A_2] : memref<1000x1xf32, #tpu.memory_space<vmem>>, vector<1000x1xf32>
    %get3A_4 = arith.constant 0 : index
    %get3A_5 = arith.constant 0 : index
    %get3A_6 = arith.constant 0 : index
    %get3A_7 = vector.load %arg1[%get3A_4, %get3A_5, %get3A_6] : memref<1x1000x128xf32, #tpu.memory_space<vmem>>, vector<1x1000x128xf32>
    %get3A_8 = vector.shape_cast %get3A_7 : vector<1x1000x128xf32> to vector<1000x128xf32>
    %get3A_9 = arith.constant 0 : index
    %get3A_10 = arith.constant 0 : index
    %get3A_11 = arith.constant 0 : index
    %get3A_12 = vector.load %arg2[%get3A_9, %get3A_10, %get3A_11] : memref<1x1000x128xf32, #tpu.memory_space<vmem>>, vector<1x1000x128xf32>
    %get3A_13 = vector.shape_cast %get3A_12 : vector<1x1000x128xf32> to vector<1000x128xf32>
    %add3A = arith.addf %get3A_8, %get3A_13 : vector<1000x128xf32>
    %get3A_14 = arith.constant 0 : index
    %get3A_15 = arith.constant 0 : index
    %get3A_16 = vector.load %arg3[%get3A_14, %get3A_15] : memref<1000x128xf32, #tpu.memory_space<vmem>>, vector<1000x128xf32>
    %add3A_17 = arith.addf %add3A, %get3A_16 : vector<1000x128xf32>
    %mul3A = vector.broadcast %get3A_3 : vector<1000x1xf32> to vector<1000x128xf32>
    %mul3A_18 = arith.mulf %mul3A, %add3A_17 : vector<1000x128xf32>
    %get3A_19 = arith.constant 0 : index
    %get3A_20 = arith.constant 0 : index
    %get3A_21 = vector.load %arg5[%get3A_19, %get3A_20] : memref<1x128xf32, #tpu.memory_space<vmem>>, vector<1x128xf32>
    %add3A_22 = vector.broadcast %get3A_21 : vector<1x128xf32> to vector<1000x128xf32>
    %add3A_23 = arith.addf %mul3A_18, %add3A_22 : vector<1000x128xf32>
    %max3A = arith.constant 0.000000e+00 : f32
    %max3A_24 = vector.broadcast %max3A : f32 to vector<1000x128xf32>
    %max3A_25 = arith.maximumf %add3A_23, %max3A_24 : vector<1000x128xf32>
    %get3A_26 = arith.constant 0 : index
    %get3A_27 = arith.constant 0 : index
    %get3A_28 = arith.constant 0 : index
    %get3A_29 = vector.load %arg6[%get3A_26, %get3A_27, %get3A_28] : memref<1x1x1000xi32, #tpu.memory_space<vmem>>, vector<1x1x1000xi32>
    %get3A_30 = vector.shape_cast %get3A_29 : vector<1x1x1000xi32> to vector<1x1000xi32>
    %iota3A = tpu.iota {dimensions = array<i32: 0>} : vector<128x1000xi32>
    %eq3A_31 = vector.broadcast %get3A_30 : vector<1x1000xi32> to vector<128x1000xi32>
    %eq3A_32 = arith.cmpi eq, %iota3A, %eq3A_31 : vector<128x1000xi32>
    %convert_element_type3A_33 = arith.extui %eq3A_32 : vector<128x1000xi1> to vector<128x1000xi32>
    %convert_element_type3A_34 = arith.sitofp %convert_element_type3A_33 : vector<128x1000xi32> to vector<128x1000xf32>
    %get3A_35 = arith.constant 0 : index
    %get3A_36 = arith.constant 0 : index
    %get3A_37 = vector.load %arg9[%get3A_35, %get3A_36] : memref<128x128xf32, #tpu.memory_space<vmem>>, vector<128x128xf32>
    %dot_general3A = arith.constant dense<0.000000e+00> : vector<128x128xf32>
    %dot_general3A_38 = tpu.matmul %convert_element_type3A_34, %max3A_25, %dot_general3A {dimension_numbers = #tpu.dot_dimension_numbers<[1], [0], [0], [1], [0, 0, 1, 1], [], []>, precision = #tpu.contract_precision<fp32>, transpose_lhs_hint = false} : vector<128x1000xf32>, vector<1000x128xf32>, vector<128x128xf32> -> vector<128x128xf32>
    %add3A_39 = arith.addf %get3A_37, %dot_general3A_38 : vector<128x128xf32>
    %swap3A = arith.constant 0 : index
    %swap3A_40 = arith.constant 0 : index
    %swap3A_41 = vector.load %arg9[%swap3A, %swap3A_40] : memref<128x128xf32, #tpu.memory_space<vmem>>, vector<128x128xf32>
    tpu.vector_store %arg9[%swap3A, %swap3A_40], %add3A_39 {strides = array<i32>} : memref<128x128xf32, #tpu.memory_space<vmem>>, vector<128x128xf32>,
    %get3A_42 = arith.constant 0 : index
    %get3A_43 = arith.constant 0 : index
    %get3A_44 = vector.load %arg10[%get3A_42, %get3A_43] : memref<128x1xf32, #tpu.memory_space<vmem>>, vector<128x1xf32>
    %reduce_sum3A = arith.constant dense<0.000000e+00> : vector<128xf32>
    %reduce_sum3A_45 = vector.multi_reduction <add>, %convert_element_type3A_34, %reduce_sum3A [1] : vector<128x1000xf32> to vector<128xf32>
    %broadcast_in_dim3A = vector.shape_cast %reduce_sum3A_45 : vector<128xf32> to vector<128x1xf32>
    %add3A_46 = arith.addf %get3A_44, %broadcast_in_dim3A : vector<128x1xf32>
    %swap3A_47 = arith.constant 0 : index
    %swap3A_48 = arith.constant 0 : index
    %swap3A_49 = vector.load %arg10[%swap3A_47, %swap3A_48] : memref<128x1xf32, #tpu.memory_space<vmem>>, vector<128x1xf32>
    tpu.vector_store %arg10[%swap3A_47, %swap3A_48], %add3A_46 {strides = array<i32>} : memref<128x1xf32, #tpu.memory_space<vmem>>, vector<128x1xf32>,
    %get3A_50 = arith.constant 0 : index
    %get3A_51 = arith.constant 0 : index
    %get3A_52 = vector.load %arg7[%get3A_50, %get3A_51] : memref<1000x1xi32, #tpu.memory_space<vmem>>, vector<1000x1xi32>
    %broadcast_in_dim3A_53 = arith.constant -1 : i32
    %broadcast_in_dim3A_54 = vector.broadcast %broadcast_in_dim3A_53 : i32 to vector<1x1xi32>
    %slice3A = vector.extract_strided_slice %get3A_52 {offsets = [0, 0], sizes = [999, 1], strides = [1, 1]} : vector<1000x1xi32> to vector<999x1xi32>
    %concatenate3A = tpu.concatenate %broadcast_in_dim3A_54, %slice3A in 0 : vector<1x1xi32>, vector<999x1xi32> -> vector<1000x1xi32>
    %broadcast_in_dim3A_55 = arith.constant 0xFF800000 : f32
    %broadcast_in_dim3A_56 = vector.broadcast %broadcast_in_dim3A_55 : f32 to vector<1x128xf32>
    %slice3A_57 = vector.extract_strided_slice %max3A_25 {offsets = [0, 0], sizes = [999, 128], strides = [1, 1]} : vector<1000x128xf32> to vector<999x128xf32>
    %concatenate3A_58 = tpu.concatenate %broadcast_in_dim3A_56, %slice3A_57 in 0 : vector<1x128xf32>, vector<999x128xf32> -> vector<1000x128xf32>
    %eq3A_59 = arith.cmpi eq, %get3A_52, %concatenate3A : vector<1000x1xi32>
    %jit3A = arith.constant 0xFF800000 : f32
    %broadcast_in_dim3A_60 = vector.shape_cast %eq3A_59 : vector<1000x1xi1> to vector<1000x1xi1>
    %broadcast_in_dim3A_61 = vector.broadcast %broadcast_in_dim3A_60 : vector<1000x1xi1> to vector<1000x128xi1>
    %broadcast_in_dim3A_62 = vector.broadcast %jit3A : f32 to vector<1000x128xf32>
    %select_n3A = arith.select %broadcast_in_dim3A_61, %concatenate3A_58, %broadcast_in_dim3A_62 : vector<1000x128xi1>, vector<1000x128xf32>
    %max3A_63 = arith.maximumf %max3A_25, %select_n3A : vector<1000x128xf32>
    %broadcast_in_dim3A_64 = arith.constant -1 : i32
    %broadcast_in_dim3A_65 = vector.broadcast %broadcast_in_dim3A_64 : i32 to vector<2x1xi32>
    %slice3A_66 = vector.extract_strided_slice %get3A_52 {offsets = [0, 0], sizes = [998, 1], strides = [1, 1]} : vector<1000x1xi32> to vector<998x1xi32>
    %concatenate3A_67 = tpu.concatenate %broadcast_in_dim3A_65, %slice3A_66 in 0 : vector<2x1xi32>, vector<998x1xi32> -> vector<1000x1xi32>
    %broadcast_in_dim3A_68 = arith.constant 0xFF800000 : f32
    %broadcast_in_dim3A_69 = vector.broadcast %broadcast_in_dim3A_68 : f32 to vector<2x128xf32>
    %slice3A_70 = vector.extract_strided_slice %max3A_63 {offsets = [0, 0], sizes = [998, 128], strides = [1, 1]} : vector<1000x128xf32> to vector<998x128xf32>
    %concatenate3A_71 = tpu.concatenate %broadcast_in_dim3A_69, %slice3A_70 in 0 : vector<2x128xf32>, vector<998x128xf32> -> vector<1000x128xf32>
    %eq3A_72 = arith.cmpi eq, %get3A_52, %concatenate3A_67 : vector<1000x1xi32>
    %jit3A_73 = arith.constant 0xFF800000 : f32
    %broadcast_in_dim3A_74 = vector.shape_cast %eq3A_72 : vector<1000x1xi1> to vector<1000x1xi1>
    %broadcast_in_dim3A_75 = vector.broadcast %broadcast_in_dim3A_74 : vector<1000x1xi1> to vector<1000x128xi1>
    %broadcast_in_dim3A_76 = vector.broadcast %jit3A_73 : f32 to vector<1000x128xf32>
    %select_n3A_77 = arith.select %broadcast_in_dim3A_75, %concatenate3A_71, %broadcast_in_dim3A_76 : vector<1000x128xi1>, vector<1000x128xf32>
    %max3A_78 = arith.maximumf %max3A_63, %select_n3A_77 : vector<1000x128xf32>
    %broadcast_in_dim3A_79 = arith.constant -1 : i32
    %broadcast_in_dim3A_80 = vector.broadcast %broadcast_in_dim3A_79 : i32 to vector<4x1xi32>
    %slice3A_81 = vector.extract_strided_slice %get3A_52 {offsets = [0, 0], sizes = [996, 1], strides = [1, 1]} : vector<1000x1xi32> to vector<996x1xi32>
    %concatenate3A_82 = tpu.concatenate %broadcast_in_dim3A_80, %slice3A_81 in 0 : vector<4x1xi32>, vector<996x1xi32> -> vector<1000x1xi32>
    %broadcast_in_dim3A_83 = arith.constant 0xFF800000 : f32
    %broadcast_in_dim3A_84 = vector.broadcast %broadcast_in_dim3A_83 : f32 to vector<4x128xf32>
    %slice3A_85 = vector.extract_strided_slice %max3A_78 {offsets = [0, 0], sizes = [996, 128], strides = [1, 1]} : vector<1000x128xf32> to vector<996x128xf32>
    %concatenate3A_86 = tpu.concatenate %broadcast_in_dim3A_84, %slice3A_85 in 0 : vector<4x128xf32>, vector<996x128xf32> -> vector<1000x128xf32>
    %eq3A_87 = arith.cmpi eq, %get3A_52, %concatenate3A_82 : vector<1000x1xi32>
    %jit3A_88 = arith.constant 0xFF800000 : f32
    %broadcast_in_dim3A_89 = vector.shape_cast %eq3A_87 : vector<1000x1xi1> to vector<1000x1xi1>
    %broadcast_in_dim3A_90 = vector.broadcast %broadcast_in_dim3A_89 : vector<1000x1xi1> to vector<1000x128xi1>
    %broadcast_in_dim3A_91 = vector.broadcast %jit3A_88 : f32 to vector<1000x128xf32>
    %select_n3A_92 = arith.select %broadcast_in_dim3A_90, %concatenate3A_86, %broadcast_in_dim3A_91 : vector<1000x128xi1>, vector<1000x128xf32>
    %max3A_93 = arith.maximumf %max3A_78, %select_n3A_92 : vector<1000x128xf32>
    %broadcast_in_dim3A_94 = arith.constant -1 : i32
    %broadcast_in_dim3A_95 = vector.broadcast %broadcast_in_dim3A_94 : i32 to vector<8x1xi32>
    %slice3A_96 = vector.extract_strided_slice %get3A_52 {offsets = [0, 0], sizes = [992, 1], strides = [1, 1]} : vector<1000x1xi32> to vector<992x1xi32>
    %concatenate3A_97 = tpu.concatenate %broadcast_in_dim3A_95, %slice3A_96 in 0 : vector<8x1xi32>, vector<992x1xi32> -> vector<1000x1xi32>
    %broadcast_in_dim3A_98 = arith.constant 0xFF800000 : f32
    %broadcast_in_dim3A_99 = vector.broadcast %broadcast_in_dim3A_98 : f32 to vector<8x128xf32>
    %slice3A_100 = vector.extract_strided_slice %max3A_93 {offsets = [0, 0], sizes = [992, 128], strides = [1, 1]} : vector<1000x128xf32> to vector<992x128xf32>
    %concatenate3A_101 = tpu.concatenate %broadcast_in_dim3A_99, %slice3A_100 in 0 : vector<8x128xf32>, vector<992x128xf32> -> vector<1000x128xf32>
    %eq3A_102 = arith.cmpi eq, %get3A_52, %concatenate3A_97 : vector<1000x1xi32>
    %jit3A_103 = arith.constant 0xFF800000 : f32
    %broadcast_in_dim3A_104 = vector.shape_cast %eq3A_102 : vector<1000x1xi1> to vector<1000x1xi1>
    %broadcast_in_dim3A_105 = vector.broadcast %broadcast_in_dim3A_104 : vector<1000x1xi1> to vector<1000x128xi1>
    %broadcast_in_dim3A_106 = vector.broadcast %jit3A_103 : f32 to vector<1000x128xf32>
    %select_n3A_107 = arith.select %broadcast_in_dim3A_105, %concatenate3A_101, %broadcast_in_dim3A_106 : vector<1000x128xi1>, vector<1000x128xf32>
    %max3A_108 = arith.maximumf %max3A_93, %select_n3A_107 : vector<1000x128xf32>
    %broadcast_in_dim3A_109 = arith.constant -1 : i32
    %broadcast_in_dim3A_110 = vector.broadcast %broadcast_in_dim3A_109 : i32 to vector<16x1xi32>
    %slice3A_111 = vector.extract_strided_slice %get3A_52 {offsets = [0, 0], sizes = [984, 1], strides = [1, 1]} : vector<1000x1xi32> to vector<984x1xi32>
    %concatenate3A_112 = tpu.concatenate %broadcast_in_dim3A_110, %slice3A_111 in 0 : vector<16x1xi32>, vector<984x1xi32> -> vector<1000x1xi32>
    %broadcast_in_dim3A_113 = arith.constant 0xFF800000 : f32
    %broadcast_in_dim3A_114 = vector.broadcast %broadcast_in_dim3A_113 : f32 to vector<16x128xf32>
    %slice3A_115 = vector.extract_strided_slice %max3A_108 {offsets = [0, 0], sizes = [984, 128], strides = [1, 1]} : vector<1000x128xf32> to vector<984x128xf32>
    %concatenate3A_116 = tpu.concatenate %broadcast_in_dim3A_114, %slice3A_115 in 0 : vector<16x128xf32>, vector<984x128xf32> -> vector<1000x128xf32>
    %eq3A_117 = arith.cmpi eq, %get3A_52, %concatenate3A_112 : vector<1000x1xi32>
    %jit3A_118 = arith.constant 0xFF800000 : f32
    %broadcast_in_dim3A_119 = vector.shape_cast %eq3A_117 : vector<1000x1xi1> to vector<1000x1xi1>
    %broadcast_in_dim3A_120 = vector.broadcast %broadcast_in_dim3A_119 : vector<1000x1xi1> to vector<1000x128xi1>
    %broadcast_in_dim3A_121 = vector.broadcast %jit3A_118 : f32 to vector<1000x128xf32>
    %select_n3A_122 = arith.select %broadcast_in_dim3A_120, %concatenate3A_116, %broadcast_in_dim3A_121 : vector<1000x128xi1>, vector<1000x128xf32>
    %max3A_123 = arith.maximumf %max3A_108, %select_n3A_122 : vector<1000x128xf32>
    %broadcast_in_dim3A_124 = arith.constant -1 : i32
    %broadcast_in_dim3A_125 = vector.broadcast %broadcast_in_dim3A_124 : i32 to vector<32x1xi32>
    %slice3A_126 = vector.extract_strided_slice %get3A_52 {offsets = [0, 0], sizes = [968, 1], strides = [1, 1]} : vector<1000x1xi32> to vector<968x1xi32>
    %concatenate3A_127 = tpu.concatenate %broadcast_in_dim3A_125, %slice3A_126 in 0 : vector<32x1xi32>, vector<968x1xi32> -> vector<1000x1xi32>
    %broadcast_in_dim3A_128 = arith.constant 0xFF800000 : f32
    %broadcast_in_dim3A_129 = vector.broadcast %broadcast_in_dim3A_128 : f32 to vector<32x128xf32>
    %slice3A_130 = vector.extract_strided_slice %max3A_123 {offsets = [0, 0], sizes = [968, 128], strides = [1, 1]} : vector<1000x128xf32> to vector<968x128xf32>
    %concatenate3A_131 = tpu.concatenate %broadcast_in_dim3A_129, %slice3A_130 in 0 : vector<32x128xf32>, vector<968x128xf32> -> vector<1000x128xf32>
    %eq3A_132 = arith.cmpi eq, %get3A_52, %concatenate3A_127 : vector<1000x1xi32>
    %jit3A_133 = arith.constant 0xFF800000 : f32
    %broadcast_in_dim3A_134 = vector.shape_cast %eq3A_132 : vector<1000x1xi1> to vector<1000x1xi1>
    %broadcast_in_dim3A_135 = vector.broadcast %broadcast_in_dim3A_134 : vector<1000x1xi1> to vector<1000x128xi1>
    %broadcast_in_dim3A_136 = vector.broadcast %jit3A_133 : f32 to vector<1000x128xf32>
    %select_n3A_137 = arith.select %broadcast_in_dim3A_135, %concatenate3A_131, %broadcast_in_dim3A_136 : vector<1000x128xi1>, vector<1000x128xf32>
    %max3A_138 = arith.maximumf %max3A_123, %select_n3A_137 : vector<1000x128xf32>
    %broadcast_in_dim3A_139 = arith.constant -1 : i32
    %broadcast_in_dim3A_140 = vector.broadcast %broadcast_in_dim3A_139 : i32 to vector<64x1xi32>
    %slice3A_141 = vector.extract_strided_slice %get3A_52 {offsets = [0, 0], sizes = [936, 1], strides = [1, 1]} : vector<1000x1xi32> to vector<936x1xi32>
    %concatenate3A_142 = tpu.concatenate %broadcast_in_dim3A_140, %slice3A_141 in 0 : vector<64x1xi32>, vector<936x1xi32> -> vector<1000x1xi32>
    %broadcast_in_dim3A_143 = arith.constant 0xFF800000 : f32
    %broadcast_in_dim3A_144 = vector.broadcast %broadcast_in_dim3A_143 : f32 to vector<64x128xf32>
    %slice3A_145 = vector.extract_strided_slice %max3A_138 {offsets = [0, 0], sizes = [936, 128], strides = [1, 1]} : vector<1000x128xf32> to vector<936x128xf32>
    %concatenate3A_146 = tpu.concatenate %broadcast_in_dim3A_144, %slice3A_145 in 0 : vector<64x128xf32>, vector<936x128xf32> -> vector<1000x128xf32>
    %eq3A_147 = arith.cmpi eq, %get3A_52, %concatenate3A_142 : vector<1000x1xi32>
    %jit3A_148 = arith.constant 0xFF800000 : f32
    %broadcast_in_dim3A_149 = vector.shape_cast %eq3A_147 : vector<1000x1xi1> to vector<1000x1xi1>
    %broadcast_in_dim3A_150 = vector.broadcast %broadcast_in_dim3A_149 : vector<1000x1xi1> to vector<1000x128xi1>
    %broadcast_in_dim3A_151 = vector.broadcast %jit3A_148 : f32 to vector<1000x128xf32>
    %select_n3A_152 = arith.select %broadcast_in_dim3A_150, %concatenate3A_146, %broadcast_in_dim3A_151 : vector<1000x128xi1>, vector<1000x128xf32>
    %max3A_153 = arith.maximumf %max3A_138, %select_n3A_152 : vector<1000x128xf32>
    %broadcast_in_dim3A_154 = arith.constant -1 : i32
    %broadcast_in_dim3A_155 = vector.broadcast %broadcast_in_dim3A_154 : i32 to vector<128x1xi32>
    %slice3A_156 = vector.extract_strided_slice %get3A_52 {offsets = [0, 0], sizes = [872, 1], strides = [1, 1]} : vector<1000x1xi32> to vector<872x1xi32>
    %concatenate3A_157 = tpu.concatenate %broadcast_in_dim3A_155, %slice3A_156 in 0 : vector<128x1xi32>, vector<872x1xi32> -> vector<1000x1xi32>
    %broadcast_in_dim3A_158 = arith.constant 0xFF800000 : f32
    %broadcast_in_dim3A_159 = vector.broadcast %broadcast_in_dim3A_158 : f32 to vector<128x128xf32>
    %slice3A_160 = vector.extract_strided_slice %max3A_153 {offsets = [0, 0], sizes = [872, 128], strides = [1, 1]} : vector<1000x128xf32> to vector<872x128xf32>
    %concatenate3A_161 = tpu.concatenate %broadcast_in_dim3A_159, %slice3A_160 in 0 : vector<128x128xf32>, vector<872x128xf32> -> vector<1000x128xf32>
    %eq3A_162 = arith.cmpi eq, %get3A_52, %concatenate3A_157 : vector<1000x1xi32>
    %jit3A_163 = arith.constant 0xFF800000 : f32
    %broadcast_in_dim3A_164 = vector.shape_cast %eq3A_162 : vector<1000x1xi1> to vector<1000x1xi1>
    %broadcast_in_dim3A_165 = vector.broadcast %broadcast_in_dim3A_164 : vector<1000x1xi1> to vector<1000x128xi1>
    %broadcast_in_dim3A_166 = vector.broadcast %jit3A_163 : f32 to vector<1000x128xf32>
    %select_n3A_167 = arith.select %broadcast_in_dim3A_165, %concatenate3A_161, %broadcast_in_dim3A_166 : vector<1000x128xi1>, vector<1000x128xf32>
    %max3A_168 = arith.maximumf %max3A_153, %select_n3A_167 : vector<1000x128xf32>
    %broadcast_in_dim3A_169 = arith.constant -1 : i32
    %broadcast_in_dim3A_170 = vector.broadcast %broadcast_in_dim3A_169 : i32 to vector<256x1xi32>
    %slice3A_171 = vector.extract_strided_slice %get3A_52 {offsets = [0, 0], sizes = [744, 1], strides = [1, 1]} : vector<1000x1xi32> to vector<744x1xi32>
    %concatenate3A_172 = tpu.concatenate %broadcast_in_dim3A_170, %slice3A_171 in 0 : vector<256x1xi32>, vector<744x1xi32> -> vector<1000x1xi32>
    %broadcast_in_dim3A_173 = arith.constant 0xFF800000 : f32
    %broadcast_in_dim3A_174 = vector.broadcast %broadcast_in_dim3A_173 : f32 to vector<256x128xf32>
    %slice3A_175 = vector.extract_strided_slice %max3A_168 {offsets = [0, 0], sizes = [744, 128], strides = [1, 1]} : vector<1000x128xf32> to vector<744x128xf32>
    %concatenate3A_176 = tpu.concatenate %broadcast_in_dim3A_174, %slice3A_175 in 0 : vector<256x128xf32>, vector<744x128xf32> -> vector<1000x128xf32>
    %eq3A_177 = arith.cmpi eq, %get3A_52, %concatenate3A_172 : vector<1000x1xi32>
    %jit3A_178 = arith.constant 0xFF800000 : f32
    %broadcast_in_dim3A_179 = vector.shape_cast %eq3A_177 : vector<1000x1xi1> to vector<1000x1xi1>
    %broadcast_in_dim3A_180 = vector.broadcast %broadcast_in_dim3A_179 : vector<1000x1xi1> to vector<1000x128xi1>
    %broadcast_in_dim3A_181 = vector.broadcast %jit3A_178 : f32 to vector<1000x128xf32>
    %select_n3A_182 = arith.select %broadcast_in_dim3A_180, %concatenate3A_176, %broadcast_in_dim3A_181 : vector<1000x128xi1>, vector<1000x128xf32>
    %max3A_183 = arith.maximumf %max3A_168, %select_n3A_182 : vector<1000x128xf32>
    %broadcast_in_dim3A_184 = arith.constant -1 : i32
    %broadcast_in_dim3A_185 = vector.broadcast %broadcast_in_dim3A_184 : i32 to vector<512x1xi32>
    %slice3A_186 = vector.extract_strided_slice %get3A_52 {offsets = [0, 0], sizes = [488, 1], strides = [1, 1]} : vector<1000x1xi32> to vector<488x1xi32>
    %concatenate3A_187 = tpu.concatenate %broadcast_in_dim3A_185, %slice3A_186 in 0 : vector<512x1xi32>, vector<488x1xi32> -> vector<1000x1xi32>
    %broadcast_in_dim3A_188 = arith.constant 0xFF800000 : f32
    %broadcast_in_dim3A_189 = vector.broadcast %broadcast_in_dim3A_188 : f32 to vector<512x128xf32>
    %slice3A_190 = vector.extract_strided_slice %max3A_183 {offsets = [0, 0], sizes = [488, 128], strides = [1, 1]} : vector<1000x128xf32> to vector<488x128xf32>
    %concatenate3A_191 = tpu.concatenate %broadcast_in_dim3A_189, %slice3A_190 in 0 : vector<512x128xf32>, vector<488x128xf32> -> vector<1000x128xf32>
    %eq3A_192 = arith.cmpi eq, %get3A_52, %concatenate3A_187 : vector<1000x1xi32>
    %jit3A_193 = arith.constant 0xFF800000 : f32
    %broadcast_in_dim3A_194 = vector.shape_cast %eq3A_192 : vector<1000x1xi1> to vector<1000x1xi1>
    %broadcast_in_dim3A_195 = vector.broadcast %broadcast_in_dim3A_194 : vector<1000x1xi1> to vector<1000x128xi1>
    %broadcast_in_dim3A_196 = vector.broadcast %jit3A_193 : f32 to vector<1000x128xf32>
    %select_n3A_197 = arith.select %broadcast_in_dim3A_195, %concatenate3A_191, %broadcast_in_dim3A_196 : vector<1000x128xi1>, vector<1000x128xf32>
    %max3A_198 = arith.maximumf %max3A_183, %select_n3A_197 : vector<1000x128xf32>
    %slice3A_199 = vector.extract_strided_slice %get3A_30 {offsets = [0, 1], sizes = [1, 999], strides = [1, 1]} : vector<1x1000xi32> to vector<1x999xi32>
    %broadcast_in_dim3A_200 = arith.constant -1 : i32
    %broadcast_in_dim3A_201 = vector.broadcast %broadcast_in_dim3A_200 : i32 to vector<1x1xi32>
    %concatenate3A_202 = tpu.concatenate %slice3A_199, %broadcast_in_dim3A_201 in 1 : vector<1x999xi32>, vector<1x1xi32> -> vector<1x1000xi32>
    %eq3A_203 = vector.broadcast %get3A_30 : vector<1x1000xi32> to vector<128x1000xi32>
    %eq3A_204 = arith.cmpi eq, %iota3A, %eq3A_203 : vector<128x1000xi32>
    %ne3A = arith.cmpi ne, %get3A_30, %concatenate3A_202 : vector<1x1000xi32>
    %and3A = vector.broadcast %ne3A : vector<1x1000xi1> to vector<128x1000xi1>
    %and3A_205 = arith.andi %eq3A_204, %and3A : vector<128x1000xi1>
    %convert_element_type3A_206 = arith.extui %and3A_205 : vector<128x1000xi1> to vector<128x1000xi32>
    %convert_element_type3A_207 = arith.sitofp %convert_element_type3A_206 : vector<128x1000xi32> to vector<128x1000xf32>
    %dot_general3A_208 = arith.constant dense<0.000000e+00> : vector<128x128xf32>
    %dot_general3A_209 = tpu.matmul %convert_element_type3A_207, %max3A_198, %dot_general3A_208 {dimension_numbers = #tpu.dot_dimension_numbers<[1], [0], [0], [1], [0, 0, 1, 1], [], []>, precision = #tpu.contract_precision<fp32>, transpose_lhs_hint = false} : vector<128x1000xf32>, vector<1000x128xf32>, vector<128x128xf32> -> vector<128x128xf32>
    %reduce_sum3A_210 = arith.constant dense<0.000000e+00> : vector<128xf32>
    %reduce_sum3A_211 = vector.multi_reduction <add>, %convert_element_type3A_207, %reduce_sum3A_210 [1] : vector<128x1000xf32> to vector<128xf32>
    %broadcast_in_dim3A_212 = vector.shape_cast %reduce_sum3A_211 : vector<128xf32> to vector<128x1xf32>
    %gt3A = arith.constant 0.000000e+00 : f32
    %gt3A_213 = vector.broadcast %gt3A : f32 to vector<128x1xf32>
    %gt3A_214 = arith.cmpf ogt, %broadcast_in_dim3A_212, %gt3A_213 : vector<128x1xf32>
    %get3A_215 = arith.constant 0 : index
    %get3A_216 = arith.constant 128 : index
    %get3A_217 = vector.load %arg8[%get3A_215, %get3A_216] : memref<128x256xf32, #tpu.memory_space<vmem>>, vector<128x128xf32>
    %jit3A_218 = arith.constant 0xFF800000 : f32
    %broadcast_in_dim3A_219 = vector.shape_cast %gt3A_214 : vector<128x1xi1> to vector<128x1xi1>
    %broadcast_in_dim3A_220 = vector.broadcast %broadcast_in_dim3A_219 : vector<128x1xi1> to vector<128x128xi1>
    %broadcast_in_dim3A_221 = vector.broadcast %jit3A_218 : f32 to vector<128x128xf32>
    %select_n3A_222 = arith.select %broadcast_in_dim3A_220, %dot_general3A_209, %broadcast_in_dim3A_221 : vector<128x128xi1>, vector<128x128xf32>
    %max3A_223 = arith.maximumf %get3A_217, %select_n3A_222 : vector<128x128xf32>
    %swap3A_224 = arith.constant 0 : index
    %swap3A_225 = arith.constant 128 : index
    %swap3A_226 = vector.load %arg8[%swap3A_224, %swap3A_225] : memref<128x256xf32, #tpu.memory_space<vmem>>, vector<128x128xf32>
    tpu.vector_store %arg8[%swap3A_224, %swap3A_225], %max3A_223 {strides = array<i32>} : memref<128x256xf32, #tpu.memory_space<vmem>>, vector<128x128xf32>,
    %eq3A_227 = arith.constant 9 : i32
    %eq3A_228 = arith.cmpi eq, %arg0, %eq3A_227 : i32
    %convert_element_type3A_229 = arith.extui %eq3A_228 : i1 to i32
    %cond3A_230 = arith.constant 0 : i32
    %cond3A_231 = arith.cmpi ne, %convert_element_type3A_229, %cond3A_230 : i32
    scf.if %cond3A_231 {
      %get3A_232 = arith.constant 0 : index
      %get3A_233 = arith.constant 0 : index
      %get3A_234 = vector.load %arg9[%get3A_232, %get3A_233] : memref<128x128xf32, #tpu.memory_space<vmem>>, vector<128x128xf32>
      %get3A_235 = arith.constant 0 : index
      %get3A_236 = arith.constant 0 : index
      %get3A_237 = vector.load %arg10[%get3A_235, %get3A_236] : memref<128x1xf32, #tpu.memory_space<vmem>>, vector<128x1xf32>
      %max3A_238 = arith.constant 1.000000e+00 : f32
      %max3A_239 = vector.broadcast %max3A_238 : f32 to vector<128x1xf32>
      %max3A_240 = arith.maximumf %get3A_237, %max3A_239 : vector<128x1xf32>
      %div3A = vector.broadcast %max3A_240 : vector<128x1xf32> to vector<128x128xf32>
      %div3A_241 = arith.divf %get3A_234, %div3A : vector<128x128xf32>
      %swap3A_242 = arith.constant 0 : index
      %swap3A_243 = arith.constant 0 : index
      %swap3A_244 = vector.load %arg8[%swap3A_242, %swap3A_243] : memref<128x256xf32, #tpu.memory_space<vmem>>, vector<128x128xf32>
      tpu.vector_store %arg8[%swap3A_242, %swap3A_243], %div3A_241 {strides = array<i32>} : memref<128x256xf32, #tpu.memory_space<vmem>>, vector<128x128xf32>,
    } else {
    }
    return
  }
  func.func @transform_0(%arg0: i32) -> (i32, i32, i32) {
    %c0_i32 = arith.constant 0 : i32
    %c0_i32_0 = arith.constant 0 : i32
    %c0_i32_1 = arith.constant 0 : i32
    return %c0_i32, %arg0, %c0_i32_0 : i32, i32, i32
  }
  func.func @transform_1(%arg0: i32) -> (i32, i32, i32) {
    %c1_i32 = arith.constant 1 : i32
    %c0_i32 = arith.constant 0 : i32
    %c0_i32_0 = arith.constant 0 : i32
    return %c1_i32, %arg0, %c0_i32 : i32, i32, i32
  }
  func.func @transform_2(%arg0: i32) -> (i32, i32) {
    %c0_i32 = arith.constant 0 : i32
    %c0_i32_0 = arith.constant 0 : i32
    return %arg0, %c0_i32 : i32, i32
  }
  func.func @transform_3(%arg0: i32) -> (i32, i32) {
    %c0_i32 = arith.constant 0 : i32
    %c0_i32_0 = arith.constant 0 : i32
    return %arg0, %c0_i32 : i32, i32
  }
  func.func @transform_4(%arg0: i32) -> (i32, i32) {
    %c0_i32 = arith.constant 0 : i32
    %c0_i32_0 = arith.constant 0 : i32
    %c0_i32_1 = arith.constant 0 : i32
    return %c0_i32, %c0_i32_0 : i32, i32
  }
  func.func @transform_5(%arg0: i32) -> (i32, i32, i32) {
    %c0_i32 = arith.constant 0 : i32
    %c0_i32_0 = arith.constant 0 : i32
    %c0_i32_1 = arith.constant 0 : i32
    return %arg0, %c0_i32, %c0_i32_0 : i32, i32, i32
  }
  func.func @transform_6(%arg0: i32) -> (i32, i32) {
    %c0_i32 = arith.constant 0 : i32
    %c0_i32_0 = arith.constant 0 : i32
    return %arg0, %c0_i32 : i32, i32
  }
  func.func @transform_7(%arg0: i32) -> (i32, i32) {
    %c0_i32 = arith.constant 0 : i32
    %c0_i32_0 = arith.constant 0 : i32
    %c0_i32_1 = arith.constant 0 : i32
    return %c0_i32, %c0_i32_0 : i32, i32
  }
}

</mosaic_0001>

<sc_bundles>
// kernel: kernel.10.cloned.1.call-start
scs
__scs_entry_jumppad:
0x0: {  	(pc) =	sbr.rel $0x88, $3  }
0x1: {  	(tag) =	ssettag $0x0;
	lr =	simm.s32 $0x1  }
0x2: {  	[smem:$0x3F98] =	sst lr;
	_ =	strace $0xD0000000  }
0x3: {  	_ = 	snop  }
0x4: {  	_ = 	snop  }
0x5: {  	_ = 	snop  }
0x6: {  	_ = 	snop  }
0x7: {  	_ = 	snop  }
__scs_overlays_trampoline_lowered:
0x8: {  	[smem:$0x3FA7] =	sst s0  }
0x9: {  	[smem:$0x3FA8] =	sst s1  }
0xa: {  	[smem:$0x3FA9] =	sst s2  }
0xb: {  	[smem:$0x3FAA] =	sst s3  }
0xc: {  	[smem:$0x3FAB] =	sst s4  }
0xd: {  	[smem:$0x3FAC] =	sst s5  }
0xe: {  	[smem:$0x3FAD] =	sst s6  }
0xf: {  	[smem:$0x3FAE] =	sst s7  }
0x10: {  	[smem:$0x3FAF] =	sst s8  }
0x11: {  	[smem:$0x3FB0] =	sst s9;
	s0 =	simm.s32 @!p0 $0x0  }
0x12: {  	s1 =	sld [smem:$0x3F96];
	s0 =	simm.s32 @p0 $0x1  }
0x13: {  	[smem:$0x3FB1] =	sst s0;
	s0 =	simm.s32 @!p1 $0x0  }
0x14: {  	s2 =	sld [smem:$0x3F95];
	s0 =	simm.s32 @p1 $0x1  }
0x15: {  	[smem:$0x3FB2] =	sst s0;
	s0 =	simm.s32 @!p2 $0x0  }
0x16: {  	s3 =	sld [smem:$0x3FDB];
	s0 =	simm.s32 @p2 $0x1  }
0x17: {  	s4 =	simm.s32 $0x1BF5;
	[smem:$0x3FB4] =	sst s0  }
0x18: {  	s0 =	sld [smem:$0x3F97];
	_ =	swait.ge [sflag:s4], $0x0  }
0x19: {  	s7 =	sld [smem:$0x3F98]  }
0x1a: {  	s8 =	sadd.s32 $0xFFFFE003, lr  }
0x1b: {  	s9 =	sadd.s32 $0xFFFFFEF7, lr;
	s5 =	simm.s32 $0xFFFFFFFF;
	p2 =	slt.u32 s8, $0xFFFFF086  }
0x1c: {  	p1 =	slt.u32 s9, $0xF7A;
	s5 =	simm.s32 @!p2 $0x0  }
0x1d: {  	s5 =	simm.s32 @p1 $0x1;
	p0 =	seq.s32 s7, s2  }
0x1e: {  	s7 =	smul.u32 @!p0 $0xF7A, s2;
	p2 =	seq.s32 @!p0 s5, $0x0  }
0x1f: {  	s9 =	smul.u32 $0xF7A, s1;
	s8 =	simm.s32 @!p0 $0x1BF5;
	p2 =	por !p2, p0  }
0x20: {  	[sflag:s8] =	ssyncset.s32 @!p0 $0xFFFFF086;
	s6 =	sadd.s32 @!p0 s3, s7;
	s7 =	simm.s32 @!p0 $0x108  }
0x21: {  	s3 =	sadd.s32 s3, s9;
	s6 =	sadd.s32 @!p0 $0x88, s6;
	s7 =	simm.s32 @p2 $0x1082  }
0x22: {  	[simem:s7], [sflag:s8] =	dma.local @!p0 [hbm:s6], $0xF7A  }
0x23: {  	s9 =	sor.u32 $0xD0000000, s2;
	s6 =	simm.s32 $0x108;
	_ =	swait.ge @!p0 [sflag:s8], $0x0  }
0x24: {  	s3 =	sadd.s32 $0x88, s3;
	s6 =	simm.s32 @!p1 $0x1082;
	[sflag:s4] =	ssyncset.s32 $0xFFFFF086  }
0x25: {  	[simem:s6], [sflag:s4] =	dma.local [hbm:s3], $0xF7A  }
0x26: {  	[smem:$0x3F98] =	sst s1;
	(tag) =	ssettag s2;
	_ =	strace s9  }
0x27: {  	s1 =	sld [smem:$0x3FA8]  }
0x28: {  	s2 =	sld [smem:$0x3FA9]  }
0x29: {  	s4 =	sld [smem:$0x3FAB]  }
0x2a: {  	p0 =	seq.s32 s5, $0x0;
	s5 =	sld [smem:$0x3FAC]  }
0x2b: {  	s6 =	sld [smem:$0x3FAD]  }
0x2c: {  	s7 =	sld [smem:$0x3FAE]  }
0x2d: {  	s3 =	simm.s32 $0x108;
	s8 =	sld [smem:$0x3FAF]  }
0x2e: {  	s3 =	simm.s32 @!p0 $0x1082;
	s9 =	sld [smem:$0x3FB0]  }
0x2f: {  	lr =	sadd.s32 s0, s3;
	s0 =	sld [smem:$0x3FA7]  }
0x30: {  	s3 =	sld [smem:$0x3FAA]  }
0x31: {  	[smem:$0x3FB3] =	sst s10  }
0x32: {  	s10 =	sld [smem:$0x3FB1];
	_ =	sdelay $0x3  }
0x33: {  	p0 =	seq.s32 s10, $0x1;
	s10 =	sld [smem:$0x3FB3];
	_ =	sdelay $0x3  }
0x34: {  	[smem:$0x3FB3] =	sst s10  }
0x35: {  	s10 =	sld [smem:$0x3FB2];
	_ =	sdelay $0x3  }
0x36: {  	p1 =	seq.s32 s10, $0x1;
	s10 =	sld [smem:$0x3FB3];
	_ =	sdelay $0x3  }
0x37: {  	[smem:$0x3FB3] =	sst s10  }
0x38: {  	s10 =	sld [smem:$0x3FB4]  }
0x39: {  	_ = 	snop;
	(pc) =	sbr.ind lr, $3  }
0x3a: {  	_ = 	snop  }
0x3b: {  	_ = 	snop  }
0x3c: {  	p2 =	seq.s32 s10, $0x1;
	s10 =	sld [smem:$0x3FB3]  }
0x3d: {  	_ =	shalt  }
0x3e: {  	_ =	shalt  }
0x3f: {  	_ =	shalt  }
0x40: {  	_ =	shalt  }
0x41: {  	_ =	shalt  }
0x42: {  	_ =	shalt  }
0x43: {  	_ =	shalt  }
0x44: {  	_ =	shalt  }
0x45: {  	_ =	shalt  }
0x46: {  	_ =	shalt  }
0x47: {  	_ =	shalt  }
0x48: {  	_ =	shalt  }
0x49: {  	_ =	shalt  }
0x4a: {  	_ =	shalt  }
0x4b: {  	_ =	shalt  }
0x4c: {  	_ =	shalt  }
0x4d: {  	_ =	shalt  }
0x4e: {  	_ =	shalt  }
0x4f: {  	_ =	shalt  }
0x50: {  	_ =	shalt  }
0x51: {  	_ =	shalt  }
0x52: {  	_ =	shalt  }
0x53: {  	_ =	shalt  }
0x54: {  	_ =	shalt  }
0x55: {  	_ =	shalt  }
0x56: {  	_ =	shalt  }
0x57: {  	_ =	shalt  }
0x58: {  	_ =	shalt  }
0x59: {  	_ =	shalt  }
0x5a: {  	_ =	shalt  }
0x5b: {  	_ =	shalt  }
0x5c: {  	_ =	shalt  }
0x5d: {  	_ =	shalt  }
0x5e: {  	_ =	shalt  }
0x5f: {  	_ =	shalt  }
0x60: {  	_ =	shalt  }
0x61: {  	_ =	shalt  }
0x62: {  	_ =	shalt  }
0x63: {  	_ =	shalt  }
0x64: {  	_ =	shalt  }
0x65: {  	_ =	shalt  }
0x66: {  	_ =	shalt  }
0x67: {  	_ =	shalt  }
0x68: {  	_ =	shalt  }
0x69: {  	_ =	shalt  }
0x6a: {  	_ =	shalt  }
0x6b: {  	_ =	shalt  }
0x6c: {  	_ =	shalt  }
0x6d: {  	_ =	shalt  }
0x6e: {  	_ =	shalt  }
0x6f: {  	_ =	shalt  }
0x70: {  	_ =	shalt  }
0x71: {  	_ =	shalt  }
0x72: {  	_ =	shalt  }
0x73: {  	_ =	shalt  }
0x74: {  	_ =	shalt  }
0x75: {  	_ =	shalt  }
0x76: {  	_ =	shalt  }
0x77: {  	_ =	shalt  }
0x78: {  	_ =	shalt  }
0x79: {  	_ =	shalt  }
0x7a: {  	_ =	shalt  }
0x7b: {  	_ =	shalt  }
0x7c: {  	_ =	shalt  }
0x7d: {  	_ =	shalt  }
0x7e: {  	_ =	shalt  }
0x7f: {  	_ =	shalt  }
0x80: {  	_ =	shalt  }
0x81: {  	_ =	shalt  }
0x82: {  	_ =	shalt  }
0x83: {  	_ =	shalt  }
0x84: {  	_ =	shalt  }
0x85: {  	_ =	shalt  }
0x86: {  	_ =	shalt  }
0x87: {  	_ =	shalt  }
.Lfunc_end0:
.L_simem_size_0:
called_computation_lowered:
.L_overlay_start_0:
0x88: {  	s2 =	sld [smem:$0x3FD9]  }
0x89: {  	s3 =	sld [smem:$0x3FFE];
	_ =	sdelay $0x1  }
0x8a: {  	s1 =	srdreg.scid  }
0x8b: {  	s0 =	sand.u32 $0x1, s1  }
0x8c: {  	s17 =	sshll.u32 s0, $0xA;
	s2 =	sadd.s32 s3, s2  }
0x8d: {  	s2 =	sadd.s32 s2, s17  }
0x8e: {  	[smem:$0x3FBF] =	sst s2  }
0x8f: {  	_ = 	snop  }
0x90: {  	s2 =	sld [smem:$0x3FD0];
	(tm) =	ssettm $0x1  }
0x91: {  	s18 =	sld [smem:$0x3FFB];
	_ =	sdelay $0x3  }
0x92: {  	_ =	strace s18  }
0x93: {  	s3 =	sld [smem:$0x3FFC];
	_ =	sdelay $0x3  }
0x94: {  	_ =	strace s3  }
0x95: {  	s3 =	sld [smem:$0x3FFD];
	_ =	sdelay $0x3  }
0x96: {  	_ =	strace s3  }
0x97: {  	_ =	strace $0x8FFFFFFF  }
0x98: {  	s19 =	sld [smem:$0x3FDB];
	_ =	sdelay $0x1  }
0x99: {  	s4 =	simm.s32 $_scs_section_size  }
0x9a: {  	s5 =	simm.s32 $_size__tile_overlayer_lowered;
	s6 =	simm.s32 $_tile_overlayer_lowered  }
0x9b: {  	s22 =	simm.s32 $0x1BFF;
	s21 =	sshll.u32 s6, $0x1;
	s3 =	sadd.s32 s4, s19  }
0x9c: {  	s7 =	simm.s32 $0x0;
	s20 =	sshll.u32 s5, $0x1;
	s5 =	sadd.s32 s21, s3  }
0x9d: {  	[timem:s7], [sflag:s22] =	dma.local [hbm:s5], s20  }
0x9e: {  	_ =	swait.ge [sflag:s22], s20  }
0x9f: {  	s4 =	ssub.s32 $0x0, s20;
	[sflag:s22] =	ssyncset.done $0x0  }
0xa0: {  	[sflag:s22] =	ssyncadd.s32 s4;
	_ =	sdelay $0x1  }
0xa1: {  	s23 =	simm.s32 $0x1B8B  }
0xa2: {  	_ =	swait.ge [sflag:s23], $0x1  }
0xa3: {  	[sflag:s23] =	ssyncset.done $0x0  }
0xa4: {  	s25 =	simm.s32 $0x1B8E;
	s24 =	sld [smem:$0x3FFE];
	[sflag:s23] =	ssyncadd.s32 $0xFFFFFFFF  }
0xa5: {  	s26 =	simm.s32 $execute0_lowered;
	[smem:$0x3FD2] =	sst s25  }
0xa6: {  	s5 =	sshll.u32 s26, $0x1;
	_ =	strace $0x80000046;
	[dreg:$0x1] =	wrdreg $0xFFFFFFFF  }
0xa7: {  	s28 =	simm.s32 $_size_execute0_lowered;
	s3 =	sadd.s32 s3, s5;
	[dreg:$0x0] =	wrdreg $0x0  }
0xa8: {  	s5 =	sshll.u32 s28, $0x1;
	[dreg:$0x2] =	wrdreg s3  }
0xa9: {  	[dreg:$0x3] =	wrdreg s5  }
0xaa: {  	[dreg:$0x4] =	wrdreg $0xC0  }
0xab: {  	_ =	task [dreg:s7], $0x5FFFF  }
0xac: {  	[dreg:$0x1] =	wrdreg $0xFFFFFFFF  }
0xad: {  	[dreg:$0x0] =	wrdreg $0x60  }
0xae: {  	[dreg:$0x2] =	wrdreg s24  }
0xaf: {  	[dreg:$0x3] =	wrdreg s2  }
0xb0: {  	[dreg:$0x4] =	wrdreg $0x35000  }
0xb1: {  	[dreg:$0x5] =	wrdreg $0x9  }
0xb2: {  	_ =	task.clear_ibuf [dreg:s7], $0x6FFFF;
	_ =	strace $0x90000046  }
0xb3: {  	s29 =	simm.s32 $0x9;
	_ =	strace $0x80000048  }
0xb4: {  	_ =	swait.ge [sflag:s29], $0x1  }
0xb5: {  	[sflag:s29] =	ssyncadd.s32 $0xFFFFFFFF  }
0xb6: {  	_ =	strace $0x90000048  }
0xb7: {  	_ =	sfence  }
0xb8: {  	s30 =	sld [smem:$0x0];
	_ =	sdelay $0x2  }
0xb9: {  	s31 =	sshll.u32 s1, $0xD;
	s1 =	sshrl.u32 s1, $0x2  }
0xba: {  	s3 =	sand.u32 $0x4000, s31;
	s1 =	sadd.s32 s1, s30  }
0xbb: {  	s0 =	sor.u32 s3, s0;
	s1 =	sshll.u32 s1, $0x11  }
0xbc: {  	s0 =	sor.u32 s1, s0  }
0xbd: {  	s0 =	sadd.s32 $0x8F2B, s0  }
0xbe: {  	[sflag:s0] =	ssyncadd.remote.s32 $0x1  }
0xbf: {  	_ =	sfence.sel $0xFFFF  }
0xc0: {  	[dreg:$0x0] =	wrdreg $0xFFFFFFFF;
	(pc) =	sbr.abs _section_cstart, $3  }
0xc1: {  	[dreg:$0x1] =	wrdreg $0xFFFFFFFF  }
0xc2: {  	_ =	task.clear_ibuf [dreg:s7], $0x2FFFF;
	_ =	strace $0x9FFFFFFF  }
0xc3: {  	(tm) =	ssettm $0x7FFFFFFF  }
tec
execute0_lowered:
.L_overlay_start_1:
0x0: {  	(tag) =	ssettag $0x1  }
0x1: {  	s5 =	rddreg [dreg:$0x0]  }
0x2: {  	s2 =	rddreg [dreg:$0x1]  }
0x3: {  	s3 =	rddreg [dreg:$0x2]  }
0x4: {  	s0 =	rddreg [dreg:$0x3]  }
0x5: {  	s1 =	stileid.u32;
	s4 =	simm.s32 $0x0;
	s7 =	srdreg.scid  }
0x6: {  	s16 =	simm.s32 $0x80;
	s17 =	simm.s32 $0x1;
	s18 =	simm.s32 $0x64  }
0x7: {  	s19 =	simm.s32 $0x2;
	s20 =	simm.s32 $0x0;
	s6 =	smul.u32 $0x14000, s1  }
0x8: {  	[smem:$0x7FF] =	sst s4;
	s7 =	sand.u32 $0x1, s7;
	s21 =	smul.u32 $0x50000, s1  }
0x9: {  	s12 =	sadd.s32 $0x2600, s5;
	s24 =	smul.u32 $0x3200, s1;
	s26 =	sshll.u32 s1, $0x6  }
0xa: {  	_ =	strace $0x80000047;
	s9 =	smul.u32 $0x140000, s7;
	s10 =	sshll.u32 s7, $0x4  }
0xb: {  	s11 =	ssub.s32 $0x2, s7;
	s7 =	smul.u32 $0x32000, s7;
	s8 =	sshrl.u32 s6, $0x3  }
0xc: {  	s10 =	sor.u32 s1, s10;
	s22 =	sshrl.u32 s11, $0x1;
	s23 =	sshrl.u32 s21, $0x2  }
0xd: {  	s8 =	sadd.s32 s8, s5;
	s6 =	sadd.s32 s6, s9;
	s10 =	smul.u32 $0x3200, s10  }
0xe: {  	s11 =	ssub.s32 s11, s22;
	s14 =	sadd.s32 s23, s3;
	s28 =	sadd.s32 s24, s7  }
0xf: {  	s7 =	sor.u32 $0x1C03, s26;
	s6 =	sshrl.u32 s6, $0x3;
	s15 =	sor.u32 $0x180, s28  }
0x10: {  	s30 =	sor.u32 $0x100, s28;
	s13 =	sadd.s32 s6, s5;
	s5 =	sadd.s32 $0xEE00, s8  }
0x11: {  	s25 =	sshrl.u32 s10, $0x3;
	s29 =	sshrl.u32 s15, $0x3;
	s10 =	smax.u32 s11, $0x1  }
0x12: {  	s31 =	sshrl.u32 s30, $0x3;
	s15 =	simm.s32 $0x100;
	s6 =	sadd.s32 s12, s25  }
0x13: {  	s9 =	sadd.s32 $0x36E00, s13;
	s11 =	sadd.s32 s29, s12;
	s12 =	sadd.s32 s31, s12  }
0x14: {  	s13 =	sshrl.u32 s14, $0x3;
	s14 =	simm.s32 $0x3;
	s8 =	sadd.s32 $0x10, s6  }
.LBB2_1:
0x15: {  	[spmem:s13], [sflag:s7] =	dma.local [hbm:s5], $0x2800  }
0x16: {  	_ =	swait.ge [sflag:s14], $0x2800  }
0x17: {  	[sflag:s14] =	ssyncset.done $0x0  }
0x18: {  	[sflag:s14] =	ssyncadd.s32 $0xFFFFD800  }
0x19: {  	[tilespmem:s15], [sflag:$0x3] =	stream.linear.gather [hbm4b:s2+s4], $0x3200, $0x38;
	[tilespmem:$0x17500] =	vst v63  }
0x1a: {  	_ =	swait.ge [sflag:s14], $0x3200  }
0x1b: {  	[sflag:s14] =	ssyncset.done $0x0  }
0x1c: {  	[sflag:s14] =	ssyncadd.s32 $0xFFFFCE00  }
0x1d: {  	[bflag:$0x0] =	sbarrier.arrive $0xFFFF  }
0x1e: {  	[tilespmem:s4], [sflag:$0x1] =	stream.linear.gather [hbm4b:s6+s4], $0x80, $0x38;
	[tilespmem:$0x17500] =	vst v63  }
0x1f: {  	_ = 	snop  }
0x20: {  	[tilespmem:s16], [sflag:$0x2] =	stream.linear.gather [hbm4b:s8+s4], $0x80, $0x38;
	[tilespmem:$0x17500] =	vst v63  }
0x21: {  	_ =	swait.ge [sflag:s17], $0x80  }
0x22: {  	[sflag:s17] =	ssyncset.done $0x0  }
0x23: {  	[sflag:s17] =	ssyncadd.s32 $0xFFFFFF80  }
0x24: {  	[spmem:s3] =	stream.indirect.scatter.add.f32 [tilespmem:s15], [sflag:$0x3], $0x80, s4, s18, $0xb8;
	[tilespmem:$0x17500] =	vst v63  }
0x25: {  	_ =	swait.ge [sflag:s14], $0x3200  }
0x26: {  	[sflag:s14] =	ssyncset.done $0x0  }
0x27: {  	s21 =	sadd.s32 $0x0, s12;
	[sflag:s14] =	ssyncadd.s32 $0xFFFFCE00  }
0x28: {  	[tilespmem:s4], [sflag:$0x1] =	stream.linear.gather [hbm4b:s21+s4], $0x80, $0x38;
	[tilespmem:$0x17500] =	vst v63  }
0x29: {  	_ =	swait.ge [sflag:s19], $0x80  }
0x2a: {  	[sflag:s19] =	ssyncset.done $0x0  }
0x2b: {  	[sflag:s19] =	ssyncadd.s32 $0xFFFFFF80  }
0x2c: {  	[spmem:s3] =	stream.indirect.scatter.add.f32 [tilespmem:s15], [sflag:$0x3], $0x80, s16, s18, $0xb8;
	[tilespmem:$0x17500] =	vst v63  }
0x2d: {  	_ =	swait.ge [sflag:s14], $0x3200  }
0x2e: {  	[sflag:s14] =	ssyncset.done $0x0  }
0x2f: {  	s22 =	sadd.s32 $0x0, s11;
	s21 =	simm.s32 $0x20;
	[sflag:s14] =	ssyncadd.s32 $0xFFFFCE00  }
.LBB2_2:
0x30: {  	[tilespmem:s16], [sflag:$0x2] =	stream.linear.gather [hbm4b:s22+s4], $0x80, $0x38;
	[tilespmem:$0x17500] =	vst v63  }
0x31: {  	s22 =	smov.u32 s21  }
0x32: {  	p0 =	sne.s32 s21, $0x600;
	s21 =	sadd.s32 $0x20, s21;
	_ =	swait.ge [sflag:s17], $0x80  }
0x33: {  	[sflag:s17] =	ssyncset.done $0x0  }
0x34: {  	[sflag:s17] =	ssyncadd.s32 $0xFFFFFF80  }
0x35: {  	[spmem:s3] =	stream.indirect.scatter.add.f32 [tilespmem:s15], [sflag:$0x3], $0x80, s4, s18, $0xb8;
	[tilespmem:$0x17500] =	vst v63  }
0x36: {  	_ =	swait.ge [sflag:s14], $0x3200  }
0x37: {  	[sflag:s14] =	ssyncset.done $0x0  }
0x38: {  	s23 =	sadd.s32 s22, s12;
	[sflag:s14] =	ssyncadd.s32 $0xFFFFCE00  }
0x39: {  	[tilespmem:s4], [sflag:$0x1] =	stream.linear.gather [hbm4b:s23+s4], $0x80, $0x38;
	[tilespmem:$0x17500] =	vst v63  }
0x3a: {  	_ =	swait.ge [sflag:s19], $0x80  }
0x3b: {  	[sflag:s19] =	ssyncset.done $0x0  }
.Ltmp0:
0x3c: {  	[sflag:s19] =	ssyncadd.s32 $0xFFFFFF80;
	(pc) =	sbr.rel @p0 .LBB2_2-.Ltmp0, $4  }
0x3d: {  	[spmem:s3] =	stream.indirect.scatter.add.f32 [tilespmem:s15], [sflag:$0x3], $0x80, s16, s18, $0xb8;
	[tilespmem:$0x17500] =	vst v63  }
0x3e: {  	_ =	swait.ge [sflag:s14], $0x3200  }
0x3f: {  	[sflag:s14] =	ssyncset.done $0x0  }
0x40: {  	s22 =	sadd.s32 s22, s11;
	[sflag:s14] =	ssyncadd.s32 $0xFFFFCE00  }
0x41: {  	[tilespmem:s16], [sflag:$0x2] =	stream.linear.gather [hbm4b:s22+s4], $0x80, $0x38;
	[tilespmem:$0x17500] =	vst v63  }
0x42: {  	_ =	swait.ge [sflag:s17], $0x80  }
0x43: {  	[sflag:s17] =	ssyncset.done $0x0  }
0x44: {  	[sflag:s17] =	ssyncadd.s32 $0xFFFFFF80  }
0x45: {  	[spmem:s3] =	stream.indirect.scatter.add.f32 [tilespmem:s15], [sflag:$0x3], $0x80, s4, s18, $0xb8;
	[tilespmem:$0x17500] =	vst v63  }
0x46: {  	_ =	swait.ge [sflag:s14], $0x3200  }
0x47: {  	[sflag:s14] =	ssyncset.done $0x0  }
0x48: {  	[sflag:s14] =	ssyncadd.s32 $0xFFFFCE00  }
0x49: {  	_ =	swait.ge [sflag:s19], $0x80  }
0x4a: {  	[sflag:s19] =	ssyncset.done $0x0  }
0x4b: {  	[sflag:s19] =	ssyncadd.s32 $0xFFFFFF80  }
0x4c: {  	[spmem:s3] =	stream.indirect.scatter.add.f32 [tilespmem:s15], [sflag:$0x3], $0x80, s16, s18, $0xb8;
	[tilespmem:$0x17500] =	vst v63  }
0x4d: {  	_ =	swait.ge [sflag:s14], $0x3200  }
0x4e: {  	s20 =	sadd.s32 $0x1, s20;
	[sflag:s14] =	ssyncset.done $0x0  }
0x4f: {  	p0 =	sne.s32 s20, s10;
	[sflag:s14] =	ssyncadd.s32 $0xFFFFCE00  }
.Ltmp1:
0x50: {  	[bflag:$0x0] =	sbarrier.arrive $0xFFFF;
	(pc) =	sbr.rel @p0 .LBB2_1-.Ltmp1, $4  }
0x51: {  	[hbm:s9], [sflag:s7] =	dma.local [spmem:s13], $0x2800  }
0x52: {  	_ =	swait.ge [sflag:s14], $0x2800  }
0x53: {  	[sflag:s14] =	ssyncset.done $0x0  }
0x54: {  	[sflag:s14] =	ssyncadd.s32 $0xFFFFD800  }
0x55: {  	_ =	sfence.sel $0x180000  }
0x56: {  	[bflag:$0x0] =	sbarrier.arrive $0xFFFF  }
0x57: {  	p0 =	sne.s32 s1, $0x0;
	_ =	strace $0x90000047  }
0x58: {  	s0 =	sadd.s32 @!p0 $0x100000, s0;
	[bflag:$0x2] =	sbarrier.arrive $0xFFFF  }
0x59: {  	[sflag:s0] =	ssyncadd.tile.s32 @!p0 $0x1;
	_ =	shalt  }
.Lfunc_end2:
_tile_overlayer_lowered:
.L_overlay_start_2:
0x5a: {  	(tag) =	ssettag $0x2  }
0x5b: {  	s0 =	rddreg [dreg:$0x0];
	s2 =	stileid.u32  }
0x5c: {  	s1 =	rddreg [dreg:$0x1];
	p0 =	sne.s32 s2, $0x0  }
0x5d: {  	s3 =	rddreg [dreg:$0x2];
	[bflag:$0x3] =	sbarrier.arrive $0xFFFF;
	s2 =	simm.s32 @!p0 $0x1C03  }
0x5e: {  	[timem:s3], [sflag:s2] =	dma.local @!p0 [hbm:s0], s1  }
0x5f: {  	s0 =	simm.s32 @!p0 $0x3  }
0x60: {  	_ =	swait.ge @!p0 [sflag:s0], s1  }
0x61: {  	s1 =	ssub.s32 @!p0 $0x0, s1;
	[sflag:s0] =	ssyncset.done @!p0 $0x0  }
0x62: {  	[sflag:s0] =	ssyncadd.s32 @!p0 s1  }
0x63: {  	[bflag:$0x3] =	sbarrier.arrive $0xFFFF  }
0x64: {  	_ =	shalt  }

// kernel: kernel.13.cloned.1.call-start
scs
__scs_entry_jumppad:
0x0: {  	(pc) =	sbr.rel $0x88, $3  }
0x1: {  	(tag) =	ssettag $0x0;
	lr =	simm.s32 $0x1  }
0x2: {  	[smem:$0x3F98] =	sst lr;
	_ =	strace $0xD0000000  }
0x3: {  	_ = 	snop  }
0x4: {  	_ = 	snop  }
0x5: {  	_ = 	snop  }
0x6: {  	_ = 	snop  }
0x7: {  	_ = 	snop  }
__scs_overlays_trampoline_lowered:
0x8: {  	[smem:$0x3FA7] =	sst s0  }
0x9: {  	[smem:$0x3FA8] =	sst s1  }
0xa: {  	[smem:$0x3FA9] =	sst s2  }
0xb: {  	[smem:$0x3FAA] =	sst s3  }
0xc: {  	[smem:$0x3FAB] =	sst s4  }
0xd: {  	[smem:$0x3FAC] =	sst s5  }
0xe: {  	[smem:$0x3FAD] =	sst s6  }
0xf: {  	[smem:$0x3FAE] =	sst s7  }
0x10: {  	[smem:$0x3FAF] =	sst s8  }
0x11: {  	[smem:$0x3FB0] =	sst s9;
	s0 =	simm.s32 @!p0 $0x0  }
0x12: {  	s1 =	sld [smem:$0x3F96];
	s0 =	simm.s32 @p0 $0x1  }
0x13: {  	[smem:$0x3FB1] =	sst s0;
	s0 =	simm.s32 @!p1 $0x0  }
0x14: {  	s2 =	sld [smem:$0x3F95];
	s0 =	simm.s32 @p1 $0x1  }
0x15: {  	[smem:$0x3FB2] =	sst s0;
	s0 =	simm.s32 @!p2 $0x0  }
0x16: {  	s3 =	sld [smem:$0x3FDB];
	s0 =	simm.s32 @p2 $0x1  }
0x17: {  	s4 =	simm.s32 $0x1BF5;
	[smem:$0x3FB4] =	sst s0  }
0x18: {  	s0 =	sld [smem:$0x3F97];
	_ =	swait.ge [sflag:s4], $0x0  }
0x19: {  	s7 =	sld [smem:$0x3F98]  }
0x1a: {  	s8 =	sadd.s32 $0xFFFFE003, lr  }
0x1b: {  	s9 =	sadd.s32 $0xFFFFFEF7, lr;
	s5 =	simm.s32 $0xFFFFFFFF;
	p2 =	slt.u32 s8, $0xFFFFF086  }
0x1c: {  	p1 =	slt.u32 s9, $0xF7A;
	s5 =	simm.s32 @!p2 $0x0  }
0x1d: {  	s5 =	simm.s32 @p1 $0x1;
	p0 =	seq.s32 s7, s2  }
0x1e: {  	s7 =	smul.u32 @!p0 $0xF7A, s2;
	p2 =	seq.s32 @!p0 s5, $0x0  }
0x1f: {  	s9 =	smul.u32 $0xF7A, s1;
	s8 =	simm.s32 @!p0 $0x1BF5;
	p2 =	por !p2, p0  }
0x20: {  	[sflag:s8] =	ssyncset.s32 @!p0 $0xFFFFF086;
	s6 =	sadd.s32 @!p0 s3, s7;
	s7 =	simm.s32 @!p0 $0x108  }
0x21: {  	s3 =	sadd.s32 s3, s9;
	s6 =	sadd.s32 @!p0 $0x88, s6;
	s7 =	simm.s32 @p2 $0x1082  }
0x22: {  	[simem:s7], [sflag:s8] =	dma.local @!p0 [hbm:s6], $0xF7A  }
0x23: {  	s9 =	sor.u32 $0xD0000000, s2;
	s6 =	simm.s32 $0x108;
	_ =	swait.ge @!p0 [sflag:s8], $0x0  }
0x24: {  	s3 =	sadd.s32 $0x88, s3;
	s6 =	simm.s32 @!p1 $0x1082;
	[sflag:s4] =	ssyncset.s32 $0xFFFFF086  }
0x25: {  	[simem:s6], [sflag:s4] =	dma.local [hbm:s3], $0xF7A  }
0x26: {  	[smem:$0x3F98] =	sst s1;
	(tag) =	ssettag s2;
	_ =	strace s9  }
0x27: {  	s1 =	sld [smem:$0x3FA8]  }
0x28: {  	s2 =	sld [smem:$0x3FA9]  }
0x29: {  	s4 =	sld [smem:$0x3FAB]  }
0x2a: {  	p0 =	seq.s32 s5, $0x0;
	s5 =	sld [smem:$0x3FAC]  }
0x2b: {  	s6 =	sld [smem:$0x3FAD]  }
0x2c: {  	s7 =	sld [smem:$0x3FAE]  }
0x2d: {  	s3 =	simm.s32 $0x108;
	s8 =	sld [smem:$0x3FAF]  }
0x2e: {  	s3 =	simm.s32 @!p0 $0x1082;
	s9 =	sld [smem:$0x3FB0]  }
0x2f: {  	lr =	sadd.s32 s0, s3;
	s0 =	sld [smem:$0x3FA7]  }
0x30: {  	s3 =	sld [smem:$0x3FAA]  }
0x31: {  	[smem:$0x3FB3] =	sst s10  }
0x32: {  	s10 =	sld [smem:$0x3FB1];
	_ =	sdelay $0x3  }
0x33: {  	p0 =	seq.s32 s10, $0x1;
	s10 =	sld [smem:$0x3FB3];
	_ =	sdelay $0x3  }
0x34: {  	[smem:$0x3FB3] =	sst s10  }
0x35: {  	s10 =	sld [smem:$0x3FB2];
	_ =	sdelay $0x3  }
0x36: {  	p1 =	seq.s32 s10, $0x1;
	s10 =	sld [smem:$0x3FB3];
	_ =	sdelay $0x3  }
0x37: {  	[smem:$0x3FB3] =	sst s10  }
0x38: {  	s10 =	sld [smem:$0x3FB4]  }
0x39: {  	_ = 	snop;
	(pc) =	sbr.ind lr, $3  }
0x3a: {  	_ = 	snop  }
0x3b: {  	_ = 	snop  }
0x3c: {  	p2 =	seq.s32 s10, $0x1;
	s10 =	sld [smem:$0x3FB3]  }
0x3d: {  	_ =	shalt  }
0x3e: {  	_ =	shalt  }
0x3f: {  	_ =	shalt  }
0x40: {  	_ =	shalt  }
0x41: {  	_ =	shalt  }
0x42: {  	_ =	shalt  }
0x43: {  	_ =	shalt  }
0x44: {  	_ =	shalt  }
0x45: {  	_ =	shalt  }
0x46: {  	_ =	shalt  }
0x47: {  	_ =	shalt  }
0x48: {  	_ =	shalt  }
0x49: {  	_ =	shalt  }
0x4a: {  	_ =	shalt  }
0x4b: {  	_ =	shalt  }
0x4c: {  	_ =	shalt  }
0x4d: {  	_ =	shalt  }
0x4e: {  	_ =	shalt  }
0x4f: {  	_ =	shalt  }
0x50: {  	_ =	shalt  }
0x51: {  	_ =	shalt  }
0x52: {  	_ =	shalt  }
0x53: {  	_ =	shalt  }
0x54: {  	_ =	shalt  }
0x55: {  	_ =	shalt  }
0x56: {  	_ =	shalt  }
0x57: {  	_ =	shalt  }
0x58: {  	_ =	shalt  }
0x59: {  	_ =	shalt  }
0x5a: {  	_ =	shalt  }
0x5b: {  	_ =	shalt  }
0x5c: {  	_ =	shalt  }
0x5d: {  	_ =	shalt  }
0x5e: {  	_ =	shalt  }
0x5f: {  	_ =	shalt  }
0x60: {  	_ =	shalt  }
0x61: {  	_ =	shalt  }
0x62: {  	_ =	shalt  }
0x63: {  	_ =	shalt  }
0x64: {  	_ =	shalt  }
0x65: {  	_ =	shalt  }
0x66: {  	_ =	shalt  }
0x67: {  	_ =	shalt  }
0x68: {  	_ =	shalt  }
0x69: {  	_ =	shalt  }
0x6a: {  	_ =	shalt  }
0x6b: {  	_ =	shalt  }
0x6c: {  	_ =	shalt  }
0x6d: {  	_ =	shalt  }
0x6e: {  	_ =	shalt  }
0x6f: {  	_ =	shalt  }
0x70: {  	_ =	shalt  }
0x71: {  	_ =	shalt  }
0x72: {  	_ =	shalt  }
0x73: {  	_ =	shalt  }
0x74: {  	_ =	shalt  }
0x75: {  	_ =	shalt  }
0x76: {  	_ =	shalt  }
0x77: {  	_ =	shalt  }
0x78: {  	_ =	shalt  }
0x79: {  	_ =	shalt  }
0x7a: {  	_ =	shalt  }
0x7b: {  	_ =	shalt  }
0x7c: {  	_ =	shalt  }
0x7d: {  	_ =	shalt  }
0x7e: {  	_ =	shalt  }
0x7f: {  	_ =	shalt  }
0x80: {  	_ =	shalt  }
0x81: {  	_ =	shalt  }
0x82: {  	_ =	shalt  }
0x83: {  	_ =	shalt  }
0x84: {  	_ =	shalt  }
0x85: {  	_ =	shalt  }
0x86: {  	_ =	shalt  }
0x87: {  	_ =	shalt  }
.Lfunc_end0:
.L_simem_size_0:
called_computation.1_lowered:
.L_overlay_start_0:
0x88: {  	s2 =	sld [smem:$0x3FD9]  }
0x89: {  	s3 =	sld [smem:$0x3FFE];
	_ =	sdelay $0x1  }
0x8a: {  	s1 =	srdreg.scid  }
0x8b: {  	s0 =	sand.u32 $0x1, s1  }
0x8c: {  	s16 =	sshll.u32 s0, $0xA;
	s2 =	sadd.s32 s3, s2  }
0x8d: {  	s2 =	sadd.s32 s2, s16  }
0x8e: {  	[smem:$0x3FBF] =	sst s2  }
0x8f: {  	_ = 	snop  }
0x90: {  	(tm) =	ssettm $0x1  }
0x91: {  	s17 =	sld [smem:$0x3FFB];
	_ =	sdelay $0x3  }
0x92: {  	_ =	strace s17  }
0x93: {  	s2 =	sld [smem:$0x3FFC];
	_ =	sdelay $0x3  }
0x94: {  	_ =	strace s2  }
0x95: {  	s2 =	sld [smem:$0x3FFD];
	_ =	sdelay $0x3  }
0x96: {  	_ =	strace s2  }
0x97: {  	_ =	strace $0x8FFFFFFF  }
0x98: {  	s18 =	sld [smem:$0x3FDB];
	_ =	sdelay $0x1  }
0x99: {  	s19 =	simm.s32 $_scs_section_size  }
0x9a: {  	s4 =	simm.s32 $_size__tile_overlayer_lowered;
	s5 =	simm.s32 $_tile_overlayer_lowered  }
0x9b: {  	s22 =	simm.s32 $0x1BFF;
	s21 =	sshll.u32 s5, $0x1;
	s2 =	sadd.s32 s19, s18  }
0x9c: {  	s6 =	simm.s32 $0x0;
	s20 =	sshll.u32 s4, $0x1;
	s4 =	sadd.s32 s21, s2  }
0x9d: {  	[timem:s6], [sflag:s22] =	dma.local [hbm:s4], s20  }
0x9e: {  	_ =	swait.ge [sflag:s22], s20  }
0x9f: {  	s3 =	ssub.s32 $0x0, s20;
	[sflag:s22] =	ssyncset.done $0x0  }
0xa0: {  	[sflag:s22] =	ssyncadd.s32 s3;
	_ =	sdelay $0x1  }
0xa1: {  	s23 =	simm.s32 $0x1B8B  }
0xa2: {  	_ =	swait.ge [sflag:s23], $0x1  }
0xa3: {  	[sflag:s23] =	ssyncset.done $0x0  }
0xa4: {  	s25 =	simm.s32 $0x1B8E;
	s24 =	sld [smem:$0x3FFE];
	[sflag:s23] =	ssyncadd.s32 $0xFFFFFFFF  }
0xa5: {  	s26 =	simm.s32 $execute0_lowered;
	[smem:$0x3FD2] =	sst s25  }
0xa6: {  	s4 =	sshll.u32 s26, $0x1;
	_ =	strace $0x80000049;
	[dreg:$0x1] =	wrdreg $0xFFFFFFFF  }
0xa7: {  	s28 =	simm.s32 $_size_execute0_lowered;
	s2 =	sadd.s32 s2, s4;
	[dreg:$0x0] =	wrdreg $0x0  }
0xa8: {  	s4 =	sshll.u32 s28, $0x1;
	[dreg:$0x2] =	wrdreg s2  }
0xa9: {  	[dreg:$0x3] =	wrdreg s4  }
0xaa: {  	[dreg:$0x4] =	wrdreg $0xC0  }
0xab: {  	_ =	task [dreg:s6], $0x5FFFF  }
0xac: {  	[dreg:$0x1] =	wrdreg $0xFFFFFFFF  }
0xad: {  	[dreg:$0x0] =	wrdreg $0x60  }
0xae: {  	[dreg:$0x2] =	wrdreg s24  }
0xaf: {  	[dreg:$0x3] =	wrdreg $0x6A000  }
0xb0: {  	[dreg:$0x4] =	wrdreg $0x9  }
0xb1: {  	_ =	task.clear_ibuf [dreg:s6], $0x5FFFF;
	_ =	strace $0x90000049  }
0xb2: {  	s29 =	simm.s32 $0x9;
	_ =	strace $0x8000004B  }
0xb3: {  	_ =	swait.ge [sflag:s29], $0x1  }
0xb4: {  	[sflag:s29] =	ssyncadd.s32 $0xFFFFFFFF  }
0xb5: {  	_ =	strace $0x9000004B  }
0xb6: {  	_ =	sfence  }
0xb7: {  	s30 =	sld [smem:$0x0];
	_ =	sdelay $0x2  }
0xb8: {  	s31 =	sshll.u32 s1, $0xD;
	s1 =	sshrl.u32 s1, $0x2  }
0xb9: {  	s3 =	sand.u32 $0x4000, s31;
	s1 =	sadd.s32 s1, s30  }
0xba: {  	s0 =	sor.u32 s3, s0;
	s1 =	sshll.u32 s1, $0x11  }
0xbb: {  	s0 =	sor.u32 s1, s0  }
0xbc: {  	s0 =	sadd.s32 $0x8F2B, s0  }
0xbd: {  	[sflag:s0] =	ssyncadd.remote.s32 $0x1  }
0xbe: {  	_ =	sfence.sel $0xFFFF  }
0xbf: {  	[dreg:$0x0] =	wrdreg $0xFFFFFFFF;
	(pc) =	sbr.abs _section_cstart, $3  }
0xc0: {  	[dreg:$0x1] =	wrdreg $0xFFFFFFFF  }
0xc1: {  	_ =	task.clear_ibuf [dreg:s6], $0x2FFFF;
	_ =	strace $0x9FFFFFFF  }
0xc2: {  	(tm) =	ssettm $0x7FFFFFFF  }
0xc3: {  	_ =	shalt  }
tec
execute0_lowered:
.L_overlay_start_1:
0x0: {  	(tag) =	ssettag $0x1  }
0x1: {  	s0 =	rddreg [dreg:$0x0]  }
0x2: {  	s2 =	rddreg [dreg:$0x1];
	s3 =	simm.s32 $0x0  }
0x3: {  	s10 =	stileid.u32;
	s1 =	srdreg.scid;
	s18 =	simm.s32 $0x7  }
0x4: {  	s19 =	simm.s32 $0x100;
	s20 =	simm.s32 $0x80;
	s28 =	simm.s32 $0x3600  }
0x5: {  	s29 =	simm.s32 $0x5;
	s30 =	simm.s32 $0x2;
	s31 =	simm.s32 $0x6  }
0x6: {  	[smem:$0x7FF] =	sst s3;
	s5 =	smul.u32 $0x14000, s10;
	s1 =	sand.u32 $0x1, s1  }
0x7: {  	s4 =	sadd.s32 $0x36E00, s0;
	s16 =	sadd.s32 $0x86E00, s0;
	s15 =	sadd.s32 $0x2600, s0  }
0x8: {  	s21 =	smul.u32 $0x50000, s10;
	s23 =	sshll.u32 s10, $0x6;
	_ =	strace $0x8000004A  }
0x9: {  	s6 =	smul.u32 $0x140000, s1;
	s8 =	sshll.u32 s1, $0x4;
	s22 =	ssub.s32 $0x2, s1  }
0xa: {  	s1 =	smul.u32 $0x32000, s1;
	s7 =	sshrl.u32 s5, $0x3;
	s8 =	sor.u32 s10, s8  }
0xb: {  	s9 =	sshrl.u32 s22, $0x1;
	s10 =	smul.u32 $0x3200, s10;
	s7 =	sadd.s32 s7, s0  }
0xc: {  	s5 =	sadd.s32 s5, s6;
	s6 =	sshrl.u32 s21, $0x2;
	s8 =	smul.u32 $0x3200, s8  }
0xd: {  	s21 =	simm.s32 $0x180;
	s5 =	sshrl.u32 s5, $0x3;
	s17 =	sadd.s32 s6, s2  }
0xe: {  	s7 =	sadd.s32 $0xEE00, s7;
	s6 =	sor.u32 $0x1C07, s23;
	s1 =	sadd.s32 s10, s1  }
0xf: {  	s23 =	simm.s32 $0x64;
	s0 =	sadd.s32 s5, s0;
	s5 =	ssub.s32 s22, s9  }
0x10: {  	s24 =	sshrl.u32 s8, $0x3;
	[dreg:$0x3] =	wrdreg s7;
	s12 =	sor.u32 $0x180, s1  }
0x11: {  	s1 =	sor.u32 $0x100, s1;
	s17 =	sshrl.u32 s17, $0x3;
	s22 =	simm.s32 $0x3  }
0x12: {  	s25 =	sadd.s32 s16, s24;
	s8 =	sadd.s32 s15, s24;
	s11 =	sor.u32 $0x10, s24  }
0x13: {  	s26 =	sshrl.u32 s12, $0x3;
	s12 =	smax.u32 s5, $0x1;
	s1 =	sshrl.u32 s1, $0x3  }
0x14: {  	s24 =	simm.s32 $0x200;
	[dreg:$0x4] =	wrdreg s25;
	s9 =	sadd.s32 s16, s11  }
0x15: {  	s10 =	sadd.s32 s15, s11;
	s11 =	sadd.s32 $0x93600, s0;
	s13 =	sadd.s32 s26, s15  }
0x16: {  	s14 =	sadd.s32 s26, s16;
	s15 =	sadd.s32 s1, s15;
	s16 =	sadd.s32 s1, s16  }
0x17: {  	s25 =	simm.s32 $0x1;
	s26 =	simm.s32 $0x4;
	s0 =	simm.s32 $0x0  }
.LBB2_1:
0x18: {  	s1 =	rddreg [dreg:$0x3]  }
0x19: {  	[spmem:s17], [sflag:s6] =	dma.local [hbm:s1], $0x2800  }
0x1a: {  	_ =	swait.ge [sflag:s18], $0x2800  }
0x1b: {  	[sflag:s18] =	ssyncset.done $0x0  }
0x1c: {  	[sflag:s18] =	ssyncadd.s32 $0xFFFFD800  }
0x1d: {  	[bflag:$0x0] =	sbarrier.arrive $0xFFFF  }
0x1e: {  	s5 =	rddreg [dreg:$0x4]  }
0x1f: {  	[tilespmem:s3], [sflag:$0x3] =	stream.linear.gather [hbm4b:s5+s3], $0x80, $0x38;
	[tilespmem:$0x1AA00] =	vst v63  }
0x20: {  	_ = 	snop  }
0x21: {  	[tilespmem:s19], [sflag:$0x5] =	stream.linear.gather [hbm4b:s8+s3], $0x80, $0x38;
	[tilespmem:$0x1AA00] =	vst v63  }
0x22: {  	_ = 	snop  }
0x23: {  	[tilespmem:s20], [sflag:$0x4] =	stream.linear.gather [hbm4b:s9+s3], $0x80, $0x38;
	[tilespmem:$0x1AA00] =	vst v63  }
0x24: {  	_ = 	snop  }
0x25: {  	[tilespmem:s21], [sflag:$0x6] =	stream.linear.gather [hbm4b:s10+s3], $0x80, $0x38;
	[tilespmem:$0x1AA00] =	vst v63  }
0x26: {  	_ =	swait.ge [sflag:s22], $0x80  }
0x27: {  	[sflag:s22] =	ssyncset.done $0x0  }
0x28: {  	[sflag:s22] =	ssyncadd.s32 $0xFFFFFF80  }
0x29: {  	[tilespmem:s24], [sflag:$0x1] =	stream.indirect.gather [hbm4b:s4+s23], $0x80, s3, s23, $0xb8;
	[tilespmem:$0x1AA00] =	vst v63  }
0x2a: {  	_ =	swait.ge [sflag:s25], $0x3200  }
0x2b: {  	[sflag:s25] =	ssyncset.done $0x0  }
0x2c: {  	[sflag:s25] =	ssyncadd.s32 $0xFFFFCE00  }
0x2d: {  	_ =	swait.ge [sflag:s26], $0x80  }
0x2e: {  	[sflag:s26] =	ssyncset.done $0x0  }
0x2f: {  	[sflag:s26] =	ssyncadd.s32 $0xFFFFFF80  }
0x30: {  	[tilespmem:s28], [sflag:$0x2] =	stream.indirect.gather [hbm4b:s4+s23], $0x80, s20, s23, $0xb8;
	[tilespmem:$0x1AA00] =	vst v63  }
0x31: {  	_ =	swait.ge [sflag:s29], $0x80  }
0x32: {  	[sflag:s29] =	ssyncset.done $0x0  }
0x33: {  	[sflag:s29] =	ssyncadd.s32 $0xFFFFFF80  }
0x34: {  	[spmem:s2] =	stream.indirect.scatter.add.f32 [tilespmem:s24], [sflag:$0x7], $0x80, s19, s23, $0xb8;
	[tilespmem:$0x1AA00] =	vst v63  }
0x35: {  	_ =	swait.ge [sflag:s18], $0x3200  }
0x36: {  	[sflag:s18] =	ssyncset.done $0x0  }
0x37: {  	s7 =	sadd.s32 $0x0, s16;
	[sflag:s18] =	ssyncadd.s32 $0xFFFFCE00  }
0x38: {  	[tilespmem:s3], [sflag:$0x3] =	stream.linear.gather [hbm4b:s7+s3], $0x80, $0x38;
	[tilespmem:$0x1AA00] =	vst v63  }
0x39: {  	s5 =	sadd.s32 $0x0, s15  }
0x3a: {  	[tilespmem:s19], [sflag:$0x5] =	stream.linear.gather [hbm4b:s5+s3], $0x80, $0x38;
	[tilespmem:$0x1AA00] =	vst v63  }
0x3b: {  	_ =	swait.ge [sflag:s30], $0x3200  }
0x3c: {  	[sflag:s30] =	ssyncset.done $0x0  }
0x3d: {  	[sflag:s30] =	ssyncadd.s32 $0xFFFFCE00  }
0x3e: {  	_ =	swait.ge [sflag:s31], $0x80  }
0x3f: {  	[sflag:s31] =	ssyncset.done $0x0  }
0x40: {  	[sflag:s31] =	ssyncadd.s32 $0xFFFFFF80  }
0x41: {  	[spmem:s2] =	stream.indirect.scatter.add.f32 [tilespmem:s28], [sflag:$0x7], $0x80, s21, s23, $0xb8;
	[tilespmem:$0x1AA00] =	vst v63  }
0x42: {  	_ =	swait.ge [sflag:s18], $0x3200  }
0x43: {  	[sflag:s18] =	ssyncset.done $0x0  }
0x44: {  	[sflag:s18] =	ssyncadd.s32 $0xFFFFCE00  }
0x45: {  	_ =	swait.ge [sflag:s22], $0x80  }
0x46: {  	[sflag:s22] =	ssyncset.done $0x0  }
0x47: {  	[sflag:s22] =	ssyncadd.s32 $0xFFFFFF80  }
0x48: {  	[tilespmem:s24], [sflag:$0x1] =	stream.indirect.gather [hbm4b:s4+s23], $0x80, s3, s23, $0xb8;
	[tilespmem:$0x1AA00] =	vst v63  }
0x49: {  	s1 =	simm.s32 $0x20;
	s7 =	sadd.s32 $0x0, s14;
	s5 =	sadd.s32 $0x0, s13  }
0x4a: {  	[tilespmem:s20], [sflag:$0x4] =	stream.linear.gather [hbm4b:s7+s3], $0x80, $0x38;
	[tilespmem:$0x1AA00] =	vst v63  }
.LBB2_2:
0x4b: {  	[tilespmem:s21], [sflag:$0x6] =	stream.linear.gather [hbm4b:s5+s3], $0x80, $0x38;
	[tilespmem:$0x1AA00] =	vst v63  }
0x4c: {  	s5 =	smov.u32 s1  }
0x4d: {  	p0 =	sne.s32 s1, $0x600;
	s1 =	sadd.s32 $0x20, s1;
	_ =	swait.ge [sflag:s25], $0x3200  }
0x4e: {  	[sflag:s25] =	ssyncset.done $0x0  }
0x4f: {  	[sflag:s25] =	ssyncadd.s32 $0xFFFFCE00  }
0x50: {  	_ =	swait.ge [sflag:s26], $0x80  }
0x51: {  	[sflag:s26] =	ssyncset.done $0x0  }
0x52: {  	[sflag:s26] =	ssyncadd.s32 $0xFFFFFF80  }
0x53: {  	[tilespmem:s28], [sflag:$0x2] =	stream.indirect.gather [hbm4b:s4+s23], $0x80, s20, s23, $0xb8;
	[tilespmem:$0x1AA00] =	vst v63  }
0x54: {  	_ =	swait.ge [sflag:s29], $0x80  }
0x55: {  	[sflag:s29] =	ssyncset.done $0x0  }
0x56: {  	[sflag:s29] =	ssyncadd.s32 $0xFFFFFF80  }
0x57: {  	[spmem:s2] =	stream.indirect.scatter.add.f32 [tilespmem:s24], [sflag:$0x7], $0x80, s19, s23, $0xb8;
	[tilespmem:$0x1AA00] =	vst v63  }
0x58: {  	_ =	swait.ge [sflag:s18], $0x3200  }
0x59: {  	[sflag:s18] =	ssyncset.done $0x0  }
0x5a: {  	s7 =	sadd.s32 s5, s16;
	[sflag:s18] =	ssyncadd.s32 $0xFFFFCE00  }
0x5b: {  	[tilespmem:s3], [sflag:$0x3] =	stream.linear.gather [hbm4b:s7+s3], $0x80, $0x38;
	[tilespmem:$0x1AA00] =	vst v63  }
0x5c: {  	s7 =	sadd.s32 s5, s15  }
0x5d: {  	[tilespmem:s19], [sflag:$0x5] =	stream.linear.gather [hbm4b:s7+s3], $0x80, $0x38;
	[tilespmem:$0x1AA00] =	vst v63  }
0x5e: {  	_ =	swait.ge [sflag:s30], $0x3200  }
0x5f: {  	[sflag:s30] =	ssyncset.done $0x0  }
0x60: {  	[sflag:s30] =	ssyncadd.s32 $0xFFFFCE00  }
0x61: {  	_ =	swait.ge [sflag:s31], $0x80  }
0x62: {  	[sflag:s31] =	ssyncset.done $0x0  }
0x63: {  	[sflag:s31] =	ssyncadd.s32 $0xFFFFFF80  }
0x64: {  	[spmem:s2] =	stream.indirect.scatter.add.f32 [tilespmem:s28], [sflag:$0x7], $0x80, s21, s23, $0xb8;
	[tilespmem:$0x1AA00] =	vst v63  }
0x65: {  	_ =	swait.ge [sflag:s18], $0x3200  }
0x66: {  	[sflag:s18] =	ssyncset.done $0x0  }
0x67: {  	[sflag:s18] =	ssyncadd.s32 $0xFFFFCE00  }
0x68: {  	_ =	swait.ge [sflag:s22], $0x80  }
0x69: {  	[sflag:s22] =	ssyncset.done $0x0  }
.Ltmp0:
0x6a: {  	[sflag:s22] =	ssyncadd.s32 $0xFFFFFF80;
	(pc) =	sbr.rel @p0 .LBB2_2-.Ltmp0, $4  }
0x6b: {  	[tilespmem:s24], [sflag:$0x1] =	stream.indirect.gather [hbm4b:s4+s23], $0x80, s3, s23, $0xb8;
	[tilespmem:$0x1AA00] =	vst v63  }
0x6c: {  	s7 =	sadd.s32 s5, s14  }
0x6d: {  	[tilespmem:s20], [sflag:$0x4] =	stream.linear.gather [hbm4b:s7+s3], $0x80, $0x38;
	[tilespmem:$0x1AA00] =	vst v63  }
0x6e: {  	s5 =	sadd.s32 s5, s13  }
0x6f: {  	[tilespmem:s21], [sflag:$0x6] =	stream.linear.gather [hbm4b:s5+s3], $0x80, $0x38;
	[tilespmem:$0x1AA00] =	vst v63  }
0x70: {  	_ =	swait.ge [sflag:s25], $0x3200  }
0x71: {  	[sflag:s25] =	ssyncset.done $0x0  }
0x72: {  	[sflag:s25] =	ssyncadd.s32 $0xFFFFCE00  }
0x73: {  	_ =	swait.ge [sflag:s26], $0x80  }
0x74: {  	[sflag:s26] =	ssyncset.done $0x0  }
0x75: {  	[sflag:s26] =	ssyncadd.s32 $0xFFFFFF80  }
0x76: {  	[tilespmem:s28], [sflag:$0x2] =	stream.indirect.gather [hbm4b:s4+s23], $0x80, s20, s23, $0xb8;
	[tilespmem:$0x1AA00] =	vst v63  }
0x77: {  	_ =	swait.ge [sflag:s29], $0x80  }
0x78: {  	[sflag:s29] =	ssyncset.done $0x0  }
0x79: {  	[sflag:s29] =	ssyncadd.s32 $0xFFFFFF80  }
0x7a: {  	[spmem:s2] =	stream.indirect.scatter.add.f32 [tilespmem:s24], [sflag:$0x7], $0x80, s19, s23, $0xb8;
	[tilespmem:$0x1AA00] =	vst v63  }
0x7b: {  	_ =	swait.ge [sflag:s18], $0x3200  }
0x7c: {  	[sflag:s18] =	ssyncset.done $0x0  }
0x7d: {  	[sflag:s18] =	ssyncadd.s32 $0xFFFFCE00  }
0x7e: {  	_ =	swait.ge [sflag:s30], $0x3200  }
0x7f: {  	[sflag:s30] =	ssyncset.done $0x0  }
0x80: {  	[sflag:s30] =	ssyncadd.s32 $0xFFFFCE00  }
0x81: {  	_ =	swait.ge [sflag:s31], $0x80  }
0x82: {  	[sflag:s31] =	ssyncset.done $0x0  }
0x83: {  	[sflag:s31] =	ssyncadd.s32 $0xFFFFFF80  }
0x84: {  	[spmem:s2] =	stream.indirect.scatter.add.f32 [tilespmem:s28], [sflag:$0x7], $0x80, s21, s23, $0xb8;
	[tilespmem:$0x1AA00] =	vst v63  }
0x85: {  	_ =	swait.ge [sflag:s18], $0x3200  }
0x86: {  	s0 =	sadd.s32 $0x1, s0;
	[sflag:s18] =	ssyncset.done $0x0  }
0x87: {  	p0 =	sne.s32 s0, s12;
	[sflag:s18] =	ssyncadd.s32 $0xFFFFCE00  }
.Ltmp1:
0x88: {  	[bflag:$0x0] =	sbarrier.arrive $0xFFFF;
	(pc) =	sbr.rel @p0 .LBB2_1-.Ltmp1, $4  }
0x89: {  	[hbm:s11], [sflag:s6] =	dma.local [spmem:s17], $0x2800  }
0x8a: {  	_ =	swait.ge [sflag:s18], $0x2800  }
0x8b: {  	[sflag:s18] =	ssyncset.done $0x0  }
0x8c: {  	[sflag:s18] =	ssyncadd.s32 $0xFFFFD800  }
0x8d: {  	_ =	sfence.sel $0x180000  }
0x8e: {  	[bflag:$0x0] =	sbarrier.arrive $0xFFFF  }
0x8f: {  	_ =	strace $0x9000004A  }
0x90: {  	s0 =	stileid.u32;
	[bflag:$0x2] =	sbarrier.arrive $0xFFFF  }
0x91: {  	p0 =	sne.s32 s0, $0x0;
	s0 =	rddreg [dreg:$0x2]  }
0x92: {  	s0 =	sadd.s32 @!p0 $0x100000, s0  }
0x93: {  	[sflag:s0] =	ssyncadd.tile.s32 @!p0 $0x1;
	_ =	shalt  }
.Lfunc_end2:
_tile_overlayer_lowered:
.L_overlay_start_2:
0x94: {  	(tag) =	ssettag $0x2  }
0x95: {  	s0 =	rddreg [dreg:$0x0];
	s2 =	stileid.u32  }
0x96: {  	s1 =	rddreg [dreg:$0x1];
	p0 =	sne.s32 s2, $0x0  }
0x97: {  	s3 =	rddreg [dreg:$0x2];
	[bflag:$0x3] =	sbarrier.arrive $0xFFFF;
	s2 =	simm.s32 @!p0 $0x1C07  }
0x98: {  	[timem:s3], [sflag:s2] =	dma.local @!p0 [hbm:s0], s1  }
0x99: {  	s0 =	simm.s32 @!p0 $0x7  }
0x9a: {  	_ =	swait.ge @!p0 [sflag:s0], s1  }
0x9b: {  	s1 =	ssub.s32 @!p0 $0x0, s1;
	[sflag:s0] =	ssyncset.done @!p0 $0x0  }
0x9c: {  	[sflag:s0] =	ssyncadd.s32 @!p0 s1  }
0x9d: {  	[bflag:$0x3] =	sbarrier.arrive $0xFFFF  }
0x9e: {  	_ =	shalt  }

// kernel: kernel.16.cloned.1.call-start
scs
__scs_entry_jumppad:
0x0: {  	(pc) =	sbr.rel $0x88, $3  }
0x1: {  	(tag) =	ssettag $0x0;
	lr =	simm.s32 $0x1  }
0x2: {  	[smem:$0x3F98] =	sst lr;
	_ =	strace $0xD0000000  }
0x3: {  	_ = 	snop  }
0x4: {  	_ = 	snop  }
0x5: {  	_ = 	snop  }
0x6: {  	_ = 	snop  }
0x7: {  	_ = 	snop  }
__scs_overlays_trampoline_lowered:
0x8: {  	[smem:$0x3FA7] =	sst s0  }
0x9: {  	[smem:$0x3FA8] =	sst s1  }
0xa: {  	[smem:$0x3FA9] =	sst s2  }
0xb: {  	[smem:$0x3FAA] =	sst s3  }
0xc: {  	[smem:$0x3FAB] =	sst s4  }
0xd: {  	[smem:$0x3FAC] =	sst s5  }
0xe: {  	[smem:$0x3FAD] =	sst s6  }
0xf: {  	[smem:$0x3FAE] =	sst s7  }
0x10: {  	[smem:$0x3FAF] =	sst s8  }
0x11: {  	[smem:$0x3FB0] =	sst s9;
	s0 =	simm.s32 @!p0 $0x0  }
0x12: {  	s1 =	sld [smem:$0x3F96];
	s0 =	simm.s32 @p0 $0x1  }
0x13: {  	[smem:$0x3FB1] =	sst s0;
	s0 =	simm.s32 @!p1 $0x0  }
0x14: {  	s2 =	sld [smem:$0x3F95];
	s0 =	simm.s32 @p1 $0x1  }
0x15: {  	[smem:$0x3FB2] =	sst s0;
	s0 =	simm.s32 @!p2 $0x0  }
0x16: {  	s3 =	sld [smem:$0x3FDB];
	s0 =	simm.s32 @p2 $0x1  }
0x17: {  	s4 =	simm.s32 $0x1BF5;
	[smem:$0x3FB4] =	sst s0  }
0x18: {  	s0 =	sld [smem:$0x3F97];
	_ =	swait.ge [sflag:s4], $0x0  }
0x19: {  	s7 =	sld [smem:$0x3F98]  }
0x1a: {  	s8 =	sadd.s32 $0xFFFFE003, lr  }
0x1b: {  	s9 =	sadd.s32 $0xFFFFFEF7, lr;
	s5 =	simm.s32 $0xFFFFFFFF;
	p2 =	slt.u32 s8, $0xFFFFF086  }
0x1c: {  	p1 =	slt.u32 s9, $0xF7A;
	s5 =	simm.s32 @!p2 $0x0  }
0x1d: {  	s5 =	simm.s32 @p1 $0x1;
	p0 =	seq.s32 s7, s2  }
0x1e: {  	s7 =	smul.u32 @!p0 $0xF7A, s2;
	p2 =	seq.s32 @!p0 s5, $0x0  }
0x1f: {  	s9 =	smul.u32 $0xF7A, s1;
	s8 =	simm.s32 @!p0 $0x1BF5;
	p2 =	por !p2, p0  }
0x20: {  	[sflag:s8] =	ssyncset.s32 @!p0 $0xFFFFF086;
	s6 =	sadd.s32 @!p0 s3, s7;
	s7 =	simm.s32 @!p0 $0x108  }
0x21: {  	s3 =	sadd.s32 s3, s9;
	s6 =	sadd.s32 @!p0 $0x88, s6;
	s7 =	simm.s32 @p2 $0x1082  }
0x22: {  	[simem:s7], [sflag:s8] =	dma.local @!p0 [hbm:s6], $0xF7A  }
0x23: {  	s9 =	sor.u32 $0xD0000000, s2;
	s6 =	simm.s32 $0x108;
	_ =	swait.ge @!p0 [sflag:s8], $0x0  }
0x24: {  	s3 =	sadd.s32 $0x88, s3;
	s6 =	simm.s32 @!p1 $0x1082;
	[sflag:s4] =	ssyncset.s32 $0xFFFFF086  }
0x25: {  	[simem:s6], [sflag:s4] =	dma.local [hbm:s3], $0xF7A  }
0x26: {  	[smem:$0x3F98] =	sst s1;
	(tag) =	ssettag s2;
	_ =	strace s9  }
0x27: {  	s1 =	sld [smem:$0x3FA8]  }
0x28: {  	s2 =	sld [smem:$0x3FA9]  }
0x29: {  	s4 =	sld [smem:$0x3FAB]  }
0x2a: {  	p0 =	seq.s32 s5, $0x0;
	s5 =	sld [smem:$0x3FAC]  }
0x2b: {  	s6 =	sld [smem:$0x3FAD]  }
0x2c: {  	s7 =	sld [smem:$0x3FAE]  }
0x2d: {  	s3 =	simm.s32 $0x108;
	s8 =	sld [smem:$0x3FAF]  }
0x2e: {  	s3 =	simm.s32 @!p0 $0x1082;
	s9 =	sld [smem:$0x3FB0]  }
0x2f: {  	lr =	sadd.s32 s0, s3;
	s0 =	sld [smem:$0x3FA7]  }
0x30: {  	s3 =	sld [smem:$0x3FAA]  }
0x31: {  	[smem:$0x3FB3] =	sst s10  }
0x32: {  	s10 =	sld [smem:$0x3FB1];
	_ =	sdelay $0x3  }
0x33: {  	p0 =	seq.s32 s10, $0x1;
	s10 =	sld [smem:$0x3FB3];
	_ =	sdelay $0x3  }
0x34: {  	[smem:$0x3FB3] =	sst s10  }
0x35: {  	s10 =	sld [smem:$0x3FB2];
	_ =	sdelay $0x3  }
0x36: {  	p1 =	seq.s32 s10, $0x1;
	s10 =	sld [smem:$0x3FB3];
	_ =	sdelay $0x3  }
0x37: {  	[smem:$0x3FB3] =	sst s10  }
0x38: {  	s10 =	sld [smem:$0x3FB4]  }
0x39: {  	_ = 	snop;
	(pc) =	sbr.ind lr, $3  }
0x3a: {  	_ = 	snop  }
0x3b: {  	_ = 	snop  }
0x3c: {  	p2 =	seq.s32 s10, $0x1;
	s10 =	sld [smem:$0x3FB3]  }
0x3d: {  	_ =	shalt  }
0x3e: {  	_ =	shalt  }
0x3f: {  	_ =	shalt  }
0x40: {  	_ =	shalt  }
0x41: {  	_ =	shalt  }
0x42: {  	_ =	shalt  }
0x43: {  	_ =	shalt  }
0x44: {  	_ =	shalt  }
0x45: {  	_ =	shalt  }
0x46: {  	_ =	shalt  }
0x47: {  	_ =	shalt  }
0x48: {  	_ =	shalt  }
0x49: {  	_ =	shalt  }
0x4a: {  	_ =	shalt  }
0x4b: {  	_ =	shalt  }
0x4c: {  	_ =	shalt  }
0x4d: {  	_ =	shalt  }
0x4e: {  	_ =	shalt  }
0x4f: {  	_ =	shalt  }
0x50: {  	_ =	shalt  }
0x51: {  	_ =	shalt  }
0x52: {  	_ =	shalt  }
0x53: {  	_ =	shalt  }
0x54: {  	_ =	shalt  }
0x55: {  	_ =	shalt  }
0x56: {  	_ =	shalt  }
0x57: {  	_ =	shalt  }
0x58: {  	_ =	shalt  }
0x59: {  	_ =	shalt  }
0x5a: {  	_ =	shalt  }
0x5b: {  	_ =	shalt  }
0x5c: {  	_ =	shalt  }
0x5d: {  	_ =	shalt  }
0x5e: {  	_ =	shalt  }
0x5f: {  	_ =	shalt  }
0x60: {  	_ =	shalt  }
0x61: {  	_ =	shalt  }
0x62: {  	_ =	shalt  }
0x63: {  	_ =	shalt  }
0x64: {  	_ =	shalt  }
0x65: {  	_ =	shalt  }
0x66: {  	_ =	shalt  }
0x67: {  	_ =	shalt  }
0x68: {  	_ =	shalt  }
0x69: {  	_ =	shalt  }
0x6a: {  	_ =	shalt  }
0x6b: {  	_ =	shalt  }
0x6c: {  	_ =	shalt  }
0x6d: {  	_ =	shalt  }
0x6e: {  	_ =	shalt  }
0x6f: {  	_ =	shalt  }
0x70: {  	_ =	shalt  }
0x71: {  	_ =	shalt  }
0x72: {  	_ =	shalt  }
0x73: {  	_ =	shalt  }
0x74: {  	_ =	shalt  }
0x75: {  	_ =	shalt  }
0x76: {  	_ =	shalt  }
0x77: {  	_ =	shalt  }
0x78: {  	_ =	shalt  }
0x79: {  	_ =	shalt  }
0x7a: {  	_ =	shalt  }
0x7b: {  	_ =	shalt  }
0x7c: {  	_ =	shalt  }
0x7d: {  	_ =	shalt  }
0x7e: {  	_ =	shalt  }
0x7f: {  	_ =	shalt  }
0x80: {  	_ =	shalt  }
0x81: {  	_ =	shalt  }
0x82: {  	_ =	shalt  }
0x83: {  	_ =	shalt  }
0x84: {  	_ =	shalt  }
0x85: {  	_ =	shalt  }
0x86: {  	_ =	shalt  }
0x87: {  	_ =	shalt  }
.Lfunc_end0:
.L_simem_size_0:
called_computation.2_lowered:
.L_overlay_start_0:
0x88: {  	s2 =	sld [smem:$0x3FD9]  }
0x89: {  	s3 =	sld [smem:$0x3FFE];
	_ =	sdelay $0x1  }
0x8a: {  	s1 =	srdreg.scid  }
0x8b: {  	s0 =	sand.u32 $0x1, s1  }
0x8c: {  	s16 =	sshll.u32 s0, $0xA;
	s2 =	sadd.s32 s3, s2  }
0x8d: {  	s2 =	sadd.s32 s2, s16  }
0x8e: {  	[smem:$0x3FBF] =	sst s2  }
0x8f: {  	_ = 	snop  }
0x90: {  	(tm) =	ssettm $0x1  }
0x91: {  	s17 =	sld [smem:$0x3FFB];
	_ =	sdelay $0x3  }
0x92: {  	_ =	strace s17  }
0x93: {  	s2 =	sld [smem:$0x3FFC];
	_ =	sdelay $0x3  }
0x94: {  	_ =	strace s2  }
0x95: {  	s2 =	sld [smem:$0x3FFD];
	_ =	sdelay $0x3  }
0x96: {  	_ =	strace s2  }
0x97: {  	_ =	strace $0x8FFFFFFF  }
0x98: {  	s18 =	sld [smem:$0x3FDB];
	_ =	sdelay $0x1  }
0x99: {  	s19 =	simm.s32 $_scs_section_size  }
0x9a: {  	s4 =	simm.s32 $_size__tile_overlayer_lowered;
	s5 =	simm.s32 $_tile_overlayer_lowered  }
0x9b: {  	s22 =	simm.s32 $0x1BFF;
	s21 =	sshll.u32 s5, $0x1;
	s2 =	sadd.s32 s19, s18  }
0x9c: {  	s6 =	simm.s32 $0x0;
	s20 =	sshll.u32 s4, $0x1;
	s4 =	sadd.s32 s21, s2  }
0x9d: {  	[timem:s6], [sflag:s22] =	dma.local [hbm:s4], s20  }
0x9e: {  	_ =	swait.ge [sflag:s22], s20  }
0x9f: {  	s3 =	ssub.s32 $0x0, s20;
	[sflag:s22] =	ssyncset.done $0x0  }
0xa0: {  	[sflag:s22] =	ssyncadd.s32 s3;
	_ =	sdelay $0x1  }
0xa1: {  	s23 =	simm.s32 $0x1B8B  }
0xa2: {  	_ =	swait.ge [sflag:s23], $0x1  }
0xa3: {  	[sflag:s23] =	ssyncset.done $0x0  }
0xa4: {  	s25 =	simm.s32 $0x1B8E;
	s24 =	sld [smem:$0x3FFE];
	[sflag:s23] =	ssyncadd.s32 $0xFFFFFFFF  }
0xa5: {  	s26 =	simm.s32 $execute0_lowered;
	[smem:$0x3FD2] =	sst s25  }
0xa6: {  	s4 =	sshll.u32 s26, $0x1;
	_ =	strace $0x8000004C;
	[dreg:$0x1] =	wrdreg $0xFFFFFFFF  }
0xa7: {  	s28 =	simm.s32 $_size_execute0_lowered;
	s2 =	sadd.s32 s2, s4;
	[dreg:$0x0] =	wrdreg $0x0  }
0xa8: {  	s4 =	sshll.u32 s28, $0x1;
	[dreg:$0x2] =	wrdreg s2  }
0xa9: {  	[dreg:$0x3] =	wrdreg s4  }
0xaa: {  	[dreg:$0x4] =	wrdreg $0xC0  }
0xab: {  	_ =	task [dreg:s6], $0x5FFFF  }
0xac: {  	[dreg:$0x1] =	wrdreg $0xFFFFFFFF  }
0xad: {  	[dreg:$0x0] =	wrdreg $0x60  }
0xae: {  	[dreg:$0x2] =	wrdreg s24  }
0xaf: {  	[dreg:$0x3] =	wrdreg $0x6A000  }
0xb0: {  	[dreg:$0x4] =	wrdreg $0x9  }
0xb1: {  	_ =	task.clear_ibuf [dreg:s6], $0x5FFFF;
	_ =	strace $0x9000004C  }
0xb2: {  	s29 =	simm.s32 $0x9;
	_ =	strace $0x8000004E  }
0xb3: {  	_ =	swait.ge [sflag:s29], $0x1  }
0xb4: {  	[sflag:s29] =	ssyncadd.s32 $0xFFFFFFFF  }
0xb5: {  	_ =	strace $0x9000004E  }
0xb6: {  	_ =	sfence  }
0xb7: {  	s30 =	sld [smem:$0x0];
	_ =	sdelay $0x2  }
0xb8: {  	s31 =	sshll.u32 s1, $0xD;
	s1 =	sshrl.u32 s1, $0x2  }
0xb9: {  	s3 =	sand.u32 $0x4000, s31;
	s1 =	sadd.s32 s1, s30  }
0xba: {  	s0 =	sor.u32 s3, s0;
	s1 =	sshll.u32 s1, $0x11  }
0xbb: {  	s0 =	sor.u32 s1, s0  }
0xbc: {  	s0 =	sadd.s32 $0x8F2B, s0  }
0xbd: {  	[sflag:s0] =	ssyncadd.remote.s32 $0x1  }
0xbe: {  	_ =	sfence.sel $0xFFFF  }
0xbf: {  	[dreg:$0x0] =	wrdreg $0xFFFFFFFF;
	(pc) =	sbr.abs _section_cstart, $3  }
0xc0: {  	[dreg:$0x1] =	wrdreg $0xFFFFFFFF  }
0xc1: {  	_ =	task.clear_ibuf [dreg:s6], $0x2FFFF;
	_ =	strace $0x9FFFFFFF  }
0xc2: {  	(tm) =	ssettm $0x7FFFFFFF  }
0xc3: {  	_ =	shalt  }
tec
execute0_lowered:
.L_overlay_start_1:
0x0: {  	(tag) =	ssettag $0x1  }
0x1: {  	s0 =	rddreg [dreg:$0x0]  }
0x2: {  	s2 =	rddreg [dreg:$0x1];
	s3 =	simm.s32 $0x0  }
0x3: {  	s10 =	stileid.u32;
	s1 =	srdreg.scid;
	s18 =	simm.s32 $0x7  }
0x4: {  	s19 =	simm.s32 $0x100;
	s20 =	simm.s32 $0x80;
	s28 =	simm.s32 $0x3600  }
0x5: {  	s29 =	simm.s32 $0x5;
	s30 =	simm.s32 $0x2;
	s31 =	simm.s32 $0x6  }
0x6: {  	[smem:$0x7FF] =	sst s3;
	s5 =	smul.u32 $0x14000, s10;
	s1 =	sand.u32 $0x1, s1  }
0x7: {  	s4 =	sadd.s32 $0x36E00, s0;
	s16 =	sadd.s32 $0x86E00, s0;
	s15 =	sadd.s32 $0x2600, s0  }
0x8: {  	s21 =	smul.u32 $0x50000, s10;
	s23 =	sshll.u32 s10, $0x6;
	_ =	strace $0x8000004D  }
0x9: {  	s6 =	smul.u32 $0x140000, s1;
	s8 =	sshll.u32 s1, $0x4;
	s22 =	ssub.s32 $0x2, s1  }
0xa: {  	s1 =	smul.u32 $0x32000, s1;
	s7 =	sshrl.u32 s5, $0x3;
	s8 =	sor.u32 s10, s8  }
0xb: {  	s9 =	sshrl.u32 s22, $0x1;
	s10 =	smul.u32 $0x3200, s10;
	s7 =	sadd.s32 s7, s0  }
0xc: {  	s5 =	sadd.s32 s5, s6;
	s6 =	sshrl.u32 s21, $0x2;
	s8 =	smul.u32 $0x3200, s8  }
0xd: {  	s21 =	simm.s32 $0x180;
	s5 =	sshrl.u32 s5, $0x3;
	s17 =	sadd.s32 s6, s2  }
0xe: {  	s7 =	sadd.s32 $0xEE00, s7;
	s6 =	sor.u32 $0x1C07, s23;
	s1 =	sadd.s32 s10, s1  }
0xf: {  	s23 =	simm.s32 $0x64;
	s0 =	sadd.s32 s5, s0;
	s5 =	ssub.s32 s22, s9  }
0x10: {  	s24 =	sshrl.u32 s8, $0x3;
	[dreg:$0x3] =	wrdreg s7;
	s12 =	sor.u32 $0x180, s1  }
0x11: {  	s1 =	sor.u32 $0x100, s1;
	s17 =	sshrl.u32 s17, $0x3;
	s22 =	simm.s32 $0x3  }
0x12: {  	s25 =	sadd.s32 s16, s24;
	s8 =	sadd.s32 s15, s24;
	s11 =	sor.u32 $0x10, s24  }
0x13: {  	s26 =	sshrl.u32 s12, $0x3;
	s12 =	smax.u32 s5, $0x1;
	s1 =	sshrl.u32 s1, $0x3  }
0x14: {  	s24 =	simm.s32 $0x200;
	[dreg:$0x4] =	wrdreg s25;
	s9 =	sadd.s32 s16, s11  }
0x15: {  	s10 =	sadd.s32 s15, s11;
	s11 =	sadd.s32 $0x93600, s0;
	s13 =	sadd.s32 s26, s15  }
0x16: {  	s14 =	sadd.s32 s26, s16;
	s15 =	sadd.s32 s1, s15;
	s16 =	sadd.s32 s1, s16  }
0x17: {  	s25 =	simm.s32 $0x1;
	s26 =	simm.s32 $0x4;
	s0 =	simm.s32 $0x0  }
.LBB2_1:
0x18: {  	s1 =	rddreg [dreg:$0x3]  }
0x19: {  	[spmem:s17], [sflag:s6] =	dma.local [hbm:s1], $0x2800  }
0x1a: {  	_ =	swait.ge [sflag:s18], $0x2800  }
0x1b: {  	[sflag:s18] =	ssyncset.done $0x0  }
0x1c: {  	[sflag:s18] =	ssyncadd.s32 $0xFFFFD800  }
0x1d: {  	[bflag:$0x0] =	sbarrier.arrive $0xFFFF  }
0x1e: {  	s5 =	rddreg [dreg:$0x4]  }
0x1f: {  	[tilespmem:s3], [sflag:$0x3] =	stream.linear.gather [hbm4b:s5+s3], $0x80, $0x38;
	[tilespmem:$0x1AA00] =	vst v63  }
0x20: {  	_ = 	snop  }
0x21: {  	[tilespmem:s19], [sflag:$0x5] =	stream.linear.gather [hbm4b:s8+s3], $0x80, $0x38;
	[tilespmem:$0x1AA00] =	vst v63  }
0x22: {  	_ = 	snop  }
0x23: {  	[tilespmem:s20], [sflag:$0x4] =	stream.linear.gather [hbm4b:s9+s3], $0x80, $0x38;
	[tilespmem:$0x1AA00] =	vst v63  }
0x24: {  	_ = 	snop  }
0x25: {  	[tilespmem:s21], [sflag:$0x6] =	stream.linear.gather [hbm4b:s10+s3], $0x80, $0x38;
	[tilespmem:$0x1AA00] =	vst v63  }
0x26: {  	_ =	swait.ge [sflag:s22], $0x80  }
0x27: {  	[sflag:s22] =	ssyncset.done $0x0  }
0x28: {  	[sflag:s22] =	ssyncadd.s32 $0xFFFFFF80  }
0x29: {  	[tilespmem:s24], [sflag:$0x1] =	stream.indirect.gather [hbm4b:s4+s23], $0x80, s3, s23, $0xb8;
	[tilespmem:$0x1AA00] =	vst v63  }
0x2a: {  	_ =	swait.ge [sflag:s25], $0x3200  }
0x2b: {  	[sflag:s25] =	ssyncset.done $0x0  }
0x2c: {  	[sflag:s25] =	ssyncadd.s32 $0xFFFFCE00  }
0x2d: {  	_ =	swait.ge [sflag:s26], $0x80  }
0x2e: {  	[sflag:s26] =	ssyncset.done $0x0  }
0x2f: {  	[sflag:s26] =	ssyncadd.s32 $0xFFFFFF80  }
0x30: {  	[tilespmem:s28], [sflag:$0x2] =	stream.indirect.gather [hbm4b:s4+s23], $0x80, s20, s23, $0xb8;
	[tilespmem:$0x1AA00] =	vst v63  }
0x31: {  	_ =	swait.ge [sflag:s29], $0x80  }
0x32: {  	[sflag:s29] =	ssyncset.done $0x0  }
0x33: {  	[sflag:s29] =	ssyncadd.s32 $0xFFFFFF80  }
0x34: {  	[spmem:s2] =	stream.indirect.scatter.add.f32 [tilespmem:s24], [sflag:$0x7], $0x80, s19, s23, $0xb8;
	[tilespmem:$0x1AA00] =	vst v63  }
0x35: {  	_ =	swait.ge [sflag:s18], $0x3200  }
0x36: {  	[sflag:s18] =	ssyncset.done $0x0  }
0x37: {  	s7 =	sadd.s32 $0x0, s16;
	[sflag:s18] =	ssyncadd.s32 $0xFFFFCE00  }
0x38: {  	[tilespmem:s3], [sflag:$0x3] =	stream.linear.gather [hbm4b:s7+s3], $0x80, $0x38;
	[tilespmem:$0x1AA00] =	vst v63  }
0x39: {  	s5 =	sadd.s32 $0x0, s15  }
0x3a: {  	[tilespmem:s19], [sflag:$0x5] =	stream.linear.gather [hbm4b:s5+s3], $0x80, $0x38;
	[tilespmem:$0x1AA00] =	vst v63  }
0x3b: {  	_ =	swait.ge [sflag:s30], $0x3200  }
0x3c: {  	[sflag:s30] =	ssyncset.done $0x0  }
0x3d: {  	[sflag:s30] =	ssyncadd.s32 $0xFFFFCE00  }
0x3e: {  	_ =	swait.ge [sflag:s31], $0x80  }
0x3f: {  	[sflag:s31] =	ssyncset.done $0x0  }
0x40: {  	[sflag:s31] =	ssyncadd.s32 $0xFFFFFF80  }
0x41: {  	[spmem:s2] =	stream.indirect.scatter.add.f32 [tilespmem:s28], [sflag:$0x7], $0x80, s21, s23, $0xb8;
	[tilespmem:$0x1AA00] =	vst v63  }
0x42: {  	_ =	swait.ge [sflag:s18], $0x3200  }
0x43: {  	[sflag:s18] =	ssyncset.done $0x0  }
0x44: {  	[sflag:s18] =	ssyncadd.s32 $0xFFFFCE00  }
0x45: {  	_ =	swait.ge [sflag:s22], $0x80  }
0x46: {  	[sflag:s22] =	ssyncset.done $0x0  }
0x47: {  	[sflag:s22] =	ssyncadd.s32 $0xFFFFFF80  }
0x48: {  	[tilespmem:s24], [sflag:$0x1] =	stream.indirect.gather [hbm4b:s4+s23], $0x80, s3, s23, $0xb8;
	[tilespmem:$0x1AA00] =	vst v63  }
0x49: {  	s1 =	simm.s32 $0x20;
	s7 =	sadd.s32 $0x0, s14;
	s5 =	sadd.s32 $0x0, s13  }
0x4a: {  	[tilespmem:s20], [sflag:$0x4] =	stream.linear.gather [hbm4b:s7+s3], $0x80, $0x38;
	[tilespmem:$0x1AA00] =	vst v63  }
.LBB2_2:
0x4b: {  	[tilespmem:s21], [sflag:$0x6] =	stream.linear.gather [hbm4b:s5+s3], $0x80, $0x38;
	[tilespmem:$0x1AA00] =	vst v63  }
0x4c: {  	s5 =	smov.u32 s1  }
0x4d: {  	p0 =	sne.s32 s1, $0x600;
	s1 =	sadd.s32 $0x20, s1;
	_ =	swait.ge [sflag:s25], $0x3200  }
0x4e: {  	[sflag:s25] =	ssyncset.done $0x0  }
0x4f: {  	[sflag:s25] =	ssyncadd.s32 $0xFFFFCE00  }
0x50: {  	_ =	swait.ge [sflag:s26], $0x80  }
0x51: {  	[sflag:s26] =	ssyncset.done $0x0  }
0x52: {  	[sflag:s26] =	ssyncadd.s32 $0xFFFFFF80  }
0x53: {  	[tilespmem:s28], [sflag:$0x2] =	stream.indirect.gather [hbm4b:s4+s23], $0x80, s20, s23, $0xb8;
	[tilespmem:$0x1AA00] =	vst v63  }
0x54: {  	_ =	swait.ge [sflag:s29], $0x80  }
0x55: {  	[sflag:s29] =	ssyncset.done $0x0  }
0x56: {  	[sflag:s29] =	ssyncadd.s32 $0xFFFFFF80  }
0x57: {  	[spmem:s2] =	stream.indirect.scatter.add.f32 [tilespmem:s24], [sflag:$0x7], $0x80, s19, s23, $0xb8;
	[tilespmem:$0x1AA00] =	vst v63  }
0x58: {  	_ =	swait.ge [sflag:s18], $0x3200  }
0x59: {  	[sflag:s18] =	ssyncset.done $0x0  }
0x5a: {  	s7 =	sadd.s32 s5, s16;
	[sflag:s18] =	ssyncadd.s32 $0xFFFFCE00  }
0x5b: {  	[tilespmem:s3], [sflag:$0x3] =	stream.linear.gather [hbm4b:s7+s3], $0x80, $0x38;
	[tilespmem:$0x1AA00] =	vst v63  }
0x5c: {  	s7 =	sadd.s32 s5, s15  }
0x5d: {  	[tilespmem:s19], [sflag:$0x5] =	stream.linear.gather [hbm4b:s7+s3], $0x80, $0x38;
	[tilespmem:$0x1AA00] =	vst v63  }
0x5e: {  	_ =	swait.ge [sflag:s30], $0x3200  }
0x5f: {  	[sflag:s30] =	ssyncset.done $0x0  }
0x60: {  	[sflag:s30] =	ssyncadd.s32 $0xFFFFCE00  }
0x61: {  	_ =	swait.ge [sflag:s31], $0x80  }
0x62: {  	[sflag:s31] =	ssyncset.done $0x0  }
0x63: {  	[sflag:s31] =	ssyncadd.s32 $0xFFFFFF80  }
0x64: {  	[spmem:s2] =	stream.indirect.scatter.add.f32 [tilespmem:s28], [sflag:$0x7], $0x80, s21, s23, $0xb8;
	[tilespmem:$0x1AA00] =	vst v63  }
0x65: {  	_ =	swait.ge [sflag:s18], $0x3200  }
0x66: {  	[sflag:s18] =	ssyncset.done $0x0  }
0x67: {  	[sflag:s18] =	ssyncadd.s32 $0xFFFFCE00  }
0x68: {  	_ =	swait.ge [sflag:s22], $0x80  }
0x69: {  	[sflag:s22] =	ssyncset.done $0x0  }
.Ltmp0:
0x6a: {  	[sflag:s22] =	ssyncadd.s32 $0xFFFFFF80;
	(pc) =	sbr.rel @p0 .LBB2_2-.Ltmp0, $4  }
0x6b: {  	[tilespmem:s24], [sflag:$0x1] =	stream.indirect.gather [hbm4b:s4+s23], $0x80, s3, s23, $0xb8;
	[tilespmem:$0x1AA00] =	vst v63  }
0x6c: {  	s7 =	sadd.s32 s5, s14  }
0x6d: {  	[tilespmem:s20], [sflag:$0x4] =	stream.linear.gather [hbm4b:s7+s3], $0x80, $0x38;
	[tilespmem:$0x1AA00] =	vst v63  }
0x6e: {  	s5 =	sadd.s32 s5, s13  }
0x6f: {  	[tilespmem:s21], [sflag:$0x6] =	stream.linear.gather [hbm4b:s5+s3], $0x80, $0x38;
	[tilespmem:$0x1AA00] =	vst v63  }
0x70: {  	_ =	swait.ge [sflag:s25], $0x3200  }
0x71: {  	[sflag:s25] =	ssyncset.done $0x0  }
0x72: {  	[sflag:s25] =	ssyncadd.s32 $0xFFFFCE00  }
0x73: {  	_ =	swait.ge [sflag:s26], $0x80  }
0x74: {  	[sflag:s26] =	ssyncset.done $0x0  }
0x75: {  	[sflag:s26] =	ssyncadd.s32 $0xFFFFFF80  }
0x76: {  	[tilespmem:s28], [sflag:$0x2] =	stream.indirect.gather [hbm4b:s4+s23], $0x80, s20, s23, $0xb8;
	[tilespmem:$0x1AA00] =	vst v63  }
0x77: {  	_ =	swait.ge [sflag:s29], $0x80  }
0x78: {  	[sflag:s29] =	ssyncset.done $0x0  }
0x79: {  	[sflag:s29] =	ssyncadd.s32 $0xFFFFFF80  }
0x7a: {  	[spmem:s2] =	stream.indirect.scatter.add.f32 [tilespmem:s24], [sflag:$0x7], $0x80, s19, s23, $0xb8;
	[tilespmem:$0x1AA00] =	vst v63  }
0x7b: {  	_ =	swait.ge [sflag:s18], $0x3200  }
0x7c: {  	[sflag:s18] =	ssyncset.done $0x0  }
0x7d: {  	[sflag:s18] =	ssyncadd.s32 $0xFFFFCE00  }
0x7e: {  	_ =	swait.ge [sflag:s30], $0x3200  }
0x7f: {  	[sflag:s30] =	ssyncset.done $0x0  }
0x80: {  	[sflag:s30] =	ssyncadd.s32 $0xFFFFCE00  }
0x81: {  	_ =	swait.ge [sflag:s31], $0x80  }
0x82: {  	[sflag:s31] =	ssyncset.done $0x0  }
0x83: {  	[sflag:s31] =	ssyncadd.s32 $0xFFFFFF80  }
0x84: {  	[spmem:s2] =	stream.indirect.scatter.add.f32 [tilespmem:s28], [sflag:$0x7], $0x80, s21, s23, $0xb8;
	[tilespmem:$0x1AA00] =	vst v63  }
0x85: {  	_ =	swait.ge [sflag:s18], $0x3200  }
0x86: {  	s0 =	sadd.s32 $0x1, s0;
	[sflag:s18] =	ssyncset.done $0x0  }
0x87: {  	p0 =	sne.s32 s0, s12;
	[sflag:s18] =	ssyncadd.s32 $0xFFFFCE00  }
.Ltmp1:
0x88: {  	[bflag:$0x0] =	sbarrier.arrive $0xFFFF;
	(pc) =	sbr.rel @p0 .LBB2_1-.Ltmp1, $4  }
0x89: {  	[hbm:s11], [sflag:s6] =	dma.local [spmem:s17], $0x2800  }
0x8a: {  	_ =	swait.ge [sflag:s18], $0x2800  }
0x8b: {  	[sflag:s18] =	ssyncset.done $0x0  }
0x8c: {  	[sflag:s18] =	ssyncadd.s32 $0xFFFFD800  }
0x8d: {  	_ =	sfence.sel $0x180000  }
0x8e: {  	[bflag:$0x0] =	sbarrier.arrive $0xFFFF  }
0x8f: {  	_ =	strace $0x9000004D  }
0x90: {  	s0 =	stileid.u32;
	[bflag:$0x2] =	sbarrier.arrive $0xFFFF  }
0x91: {  	p0 =	sne.s32 s0, $0x0;
	s0 =	rddreg [dreg:$0x2]  }
0x92: {  	s0 =	sadd.s32 @!p0 $0x100000, s0  }
0x93: {  	[sflag:s0] =	ssyncadd.tile.s32 @!p0 $0x1;
	_ =	shalt  }
.Lfunc_end2:
_tile_overlayer_lowered:
.L_overlay_start_2:
0x94: {  	(tag) =	ssettag $0x2  }
0x95: {  	s0 =	rddreg [dreg:$0x0];
	s2 =	stileid.u32  }
0x96: {  	s1 =	rddreg [dreg:$0x1];
	p0 =	sne.s32 s2, $0x0  }
0x97: {  	s3 =	rddreg [dreg:$0x2];
	[bflag:$0x3] =	sbarrier.arrive $0xFFFF;
	s2 =	simm.s32 @!p0 $0x1C07  }
0x98: {  	[timem:s3], [sflag:s2] =	dma.local @!p0 [hbm:s0], s1  }
0x99: {  	s0 =	simm.s32 @!p0 $0x7  }
0x9a: {  	_ =	swait.ge @!p0 [sflag:s0], s1  }
0x9b: {  	s1 =	ssub.s32 @!p0 $0x0, s1;
	[sflag:s0] =	ssyncset.done @!p0 $0x0  }
0x9c: {  	[sflag:s0] =	ssyncadd.s32 @!p0 s1  }
0x9d: {  	[bflag:$0x3] =	sbarrier.arrive $0xFFFF  }
0x9e: {  	_ =	shalt  }

// kernel: kernel.19.cloned.1.call-start
scs
__scs_entry_jumppad:
0x0: {  	(pc) =	sbr.rel $0x88, $3  }
0x1: {  	(tag) =	ssettag $0x0;
	lr =	simm.s32 $0x1  }
0x2: {  	[smem:$0x3F98] =	sst lr;
	_ =	strace $0xD0000000  }
0x3: {  	_ = 	snop  }
0x4: {  	_ = 	snop  }
0x5: {  	_ = 	snop  }
0x6: {  	_ = 	snop  }
0x7: {  	_ = 	snop  }
__scs_overlays_trampoline_lowered:
0x8: {  	[smem:$0x3FA7] =	sst s0  }
0x9: {  	[smem:$0x3FA8] =	sst s1  }
0xa: {  	[smem:$0x3FA9] =	sst s2  }
0xb: {  	[smem:$0x3FAA] =	sst s3  }
0xc: {  	[smem:$0x3FAB] =	sst s4  }
0xd: {  	[smem:$0x3FAC] =	sst s5  }
0xe: {  	[smem:$0x3FAD] =	sst s6  }
0xf: {  	[smem:$0x3FAE] =	sst s7  }
0x10: {  	[smem:$0x3FAF] =	sst s8  }
0x11: {  	[smem:$0x3FB0] =	sst s9;
	s0 =	simm.s32 @!p0 $0x0  }
0x12: {  	s1 =	sld [smem:$0x3F96];
	s0 =	simm.s32 @p0 $0x1  }
0x13: {  	[smem:$0x3FB1] =	sst s0;
	s0 =	simm.s32 @!p1 $0x0  }
0x14: {  	s2 =	sld [smem:$0x3F95];
	s0 =	simm.s32 @p1 $0x1  }
0x15: {  	[smem:$0x3FB2] =	sst s0;
	s0 =	simm.s32 @!p2 $0x0  }
0x16: {  	s3 =	sld [smem:$0x3FDB];
	s0 =	simm.s32 @p2 $0x1  }
0x17: {  	s4 =	simm.s32 $0x1BF5;
	[smem:$0x3FB4] =	sst s0  }
0x18: {  	s0 =	sld [smem:$0x3F97];
	_ =	swait.ge [sflag:s4], $0x0  }
0x19: {  	s7 =	sld [smem:$0x3F98]  }
0x1a: {  	s8 =	sadd.s32 $0xFFFFE003, lr  }
0x1b: {  	s9 =	sadd.s32 $0xFFFFFEF7, lr;
	s5 =	simm.s32 $0xFFFFFFFF;
	p2 =	slt.u32 s8, $0xFFFFF086  }
0x1c: {  	p1 =	slt.u32 s9, $0xF7A;
	s5 =	simm.s32 @!p2 $0x0  }
0x1d: {  	s5 =	simm.s32 @p1 $0x1;
	p0 =	seq.s32 s7, s2  }
0x1e: {  	s7 =	smul.u32 @!p0 $0xF7A, s2;
	p2 =	seq.s32 @!p0 s5, $0x0  }
0x1f: {  	s9 =	smul.u32 $0xF7A, s1;
	s8 =	simm.s32 @!p0 $0x1BF5;
	p2 =	por !p2, p0  }
0x20: {  	[sflag:s8] =	ssyncset.s32 @!p0 $0xFFFFF086;
	s6 =	sadd.s32 @!p0 s3, s7;
	s7 =	simm.s32 @!p0 $0x108  }
0x21: {  	s3 =	sadd.s32 s3, s9;
	s6 =	sadd.s32 @!p0 $0x88, s6;
	s7 =	simm.s32 @p2 $0x1082  }
0x22: {  	[simem:s7], [sflag:s8] =	dma.local @!p0 [hbm:s6], $0xF7A  }
0x23: {  	s9 =	sor.u32 $0xD0000000, s2;
	s6 =	simm.s32 $0x108;
	_ =	swait.ge @!p0 [sflag:s8], $0x0  }
0x24: {  	s3 =	sadd.s32 $0x88, s3;
	s6 =	simm.s32 @!p1 $0x1082;
	[sflag:s4] =	ssyncset.s32 $0xFFFFF086  }
0x25: {  	[simem:s6], [sflag:s4] =	dma.local [hbm:s3], $0xF7A  }
0x26: {  	[smem:$0x3F98] =	sst s1;
	(tag) =	ssettag s2;
	_ =	strace s9  }
0x27: {  	s1 =	sld [smem:$0x3FA8]  }
0x28: {  	s2 =	sld [smem:$0x3FA9]  }
0x29: {  	s4 =	sld [smem:$0x3FAB]  }
0x2a: {  	p0 =	seq.s32 s5, $0x0;
	s5 =	sld [smem:$0x3FAC]  }
0x2b: {  	s6 =	sld [smem:$0x3FAD]  }
0x2c: {  	s7 =	sld [smem:$0x3FAE]  }
0x2d: {  	s3 =	simm.s32 $0x108;
	s8 =	sld [smem:$0x3FAF]  }
0x2e: {  	s3 =	simm.s32 @!p0 $0x1082;
	s9 =	sld [smem:$0x3FB0]  }
0x2f: {  	lr =	sadd.s32 s0, s3;
	s0 =	sld [smem:$0x3FA7]  }
0x30: {  	s3 =	sld [smem:$0x3FAA]  }
0x31: {  	[smem:$0x3FB3] =	sst s10  }
0x32: {  	s10 =	sld [smem:$0x3FB1];
	_ =	sdelay $0x3  }
0x33: {  	p0 =	seq.s32 s10, $0x1;
	s10 =	sld [smem:$0x3FB3];
	_ =	sdelay $0x3  }
0x34: {  	[smem:$0x3FB3] =	sst s10  }
0x35: {  	s10 =	sld [smem:$0x3FB2];
	_ =	sdelay $0x3  }
0x36: {  	p1 =	seq.s32 s10, $0x1;
	s10 =	sld [smem:$0x3FB3];
	_ =	sdelay $0x3  }
0x37: {  	[smem:$0x3FB3] =	sst s10  }
0x38: {  	s10 =	sld [smem:$0x3FB4]  }
0x39: {  	_ = 	snop;
	(pc) =	sbr.ind lr, $3  }
0x3a: {  	_ = 	snop  }
0x3b: {  	_ = 	snop  }
0x3c: {  	p2 =	seq.s32 s10, $0x1;
	s10 =	sld [smem:$0x3FB3]  }
0x3d: {  	_ =	shalt  }
0x3e: {  	_ =	shalt  }
0x3f: {  	_ =	shalt  }
0x40: {  	_ =	shalt  }
0x41: {  	_ =	shalt  }
0x42: {  	_ =	shalt  }
0x43: {  	_ =	shalt  }
0x44: {  	_ =	shalt  }
0x45: {  	_ =	shalt  }
0x46: {  	_ =	shalt  }
0x47: {  	_ =	shalt  }
0x48: {  	_ =	shalt  }
0x49: {  	_ =	shalt  }
0x4a: {  	_ =	shalt  }
0x4b: {  	_ =	shalt  }
0x4c: {  	_ =	shalt  }
0x4d: {  	_ =	shalt  }
0x4e: {  	_ =	shalt  }
0x4f: {  	_ =	shalt  }
0x50: {  	_ =	shalt  }
0x51: {  	_ =	shalt  }
0x52: {  	_ =	shalt  }
0x53: {  	_ =	shalt  }
0x54: {  	_ =	shalt  }
0x55: {  	_ =	shalt  }
0x56: {  	_ =	shalt  }
0x57: {  	_ =	shalt  }
0x58: {  	_ =	shalt  }
0x59: {  	_ =	shalt  }
0x5a: {  	_ =	shalt  }
0x5b: {  	_ =	shalt  }
0x5c: {  	_ =	shalt  }
0x5d: {  	_ =	shalt  }
0x5e: {  	_ =	shalt  }
0x5f: {  	_ =	shalt  }
0x60: {  	_ =	shalt  }
0x61: {  	_ =	shalt  }
0x62: {  	_ =	shalt  }
0x63: {  	_ =	shalt  }
0x64: {  	_ =	shalt  }
0x65: {  	_ =	shalt  }
0x66: {  	_ =	shalt  }
0x67: {  	_ =	shalt  }
0x68: {  	_ =	shalt  }
0x69: {  	_ =	shalt  }
0x6a: {  	_ =	shalt  }
0x6b: {  	_ =	shalt  }
0x6c: {  	_ =	shalt  }
0x6d: {  	_ =	shalt  }
0x6e: {  	_ =	shalt  }
0x6f: {  	_ =	shalt  }
0x70: {  	_ =	shalt  }
0x71: {  	_ =	shalt  }
0x72: {  	_ =	shalt  }
0x73: {  	_ =	shalt  }
0x74: {  	_ =	shalt  }
0x75: {  	_ =	shalt  }
0x76: {  	_ =	shalt  }
0x77: {  	_ =	shalt  }
0x78: {  	_ =	shalt  }
0x79: {  	_ =	shalt  }
0x7a: {  	_ =	shalt  }
0x7b: {  	_ =	shalt  }
0x7c: {  	_ =	shalt  }
0x7d: {  	_ =	shalt  }
0x7e: {  	_ =	shalt  }
0x7f: {  	_ =	shalt  }
0x80: {  	_ =	shalt  }
0x81: {  	_ =	shalt  }
0x82: {  	_ =	shalt  }
0x83: {  	_ =	shalt  }
0x84: {  	_ =	shalt  }
0x85: {  	_ =	shalt  }
0x86: {  	_ =	shalt  }
0x87: {  	_ =	shalt  }
.Lfunc_end0:
.L_simem_size_0:
called_computation.3_lowered:
.L_overlay_start_0:
0x88: {  	s2 =	sld [smem:$0x3FD9]  }
0x89: {  	s3 =	sld [smem:$0x3FFE];
	_ =	sdelay $0x1  }
0x8a: {  	s1 =	srdreg.scid  }
0x8b: {  	s0 =	sand.u32 $0x1, s1  }
0x8c: {  	s16 =	sshll.u32 s0, $0xA;
	s2 =	sadd.s32 s3, s2  }
0x8d: {  	s2 =	sadd.s32 s2, s16  }
0x8e: {  	[smem:$0x3FBF] =	sst s2  }
0x8f: {  	_ = 	snop  }
0x90: {  	(tm) =	ssettm $0x1  }
0x91: {  	s17 =	sld [smem:$0x3FFB];
	_ =	sdelay $0x3  }
0x92: {  	_ =	strace s17  }
0x93: {  	s2 =	sld [smem:$0x3FFC];
	_ =	sdelay $0x3  }
0x94: {  	_ =	strace s2  }
0x95: {  	s2 =	sld [smem:$0x3FFD];
	_ =	sdelay $0x3  }
0x96: {  	_ =	strace s2  }
0x97: {  	_ =	strace $0x8FFFFFFF  }
0x98: {  	s18 =	sld [smem:$0x3FDB];
	_ =	sdelay $0x1  }
0x99: {  	s19 =	simm.s32 $_scs_section_size  }
0x9a: {  	s4 =	simm.s32 $_size__tile_overlayer_lowered;
	s5 =	simm.s32 $_tile_overlayer_lowered  }
0x9b: {  	s22 =	simm.s32 $0x1BFF;
	s21 =	sshll.u32 s5, $0x1;
	s2 =	sadd.s32 s19, s18  }
0x9c: {  	s6 =	simm.s32 $0x0;
	s20 =	sshll.u32 s4, $0x1;
	s4 =	sadd.s32 s21, s2  }
0x9d: {  	[timem:s6], [sflag:s22] =	dma.local [hbm:s4], s20  }
0x9e: {  	_ =	swait.ge [sflag:s22], s20  }
0x9f: {  	s3 =	ssub.s32 $0x0, s20;
	[sflag:s22] =	ssyncset.done $0x0  }
0xa0: {  	[sflag:s22] =	ssyncadd.s32 s3;
	_ =	sdelay $0x1  }
0xa1: {  	s23 =	simm.s32 $0x1B8B  }
0xa2: {  	_ =	swait.ge [sflag:s23], $0x1  }
0xa3: {  	[sflag:s23] =	ssyncset.done $0x0  }
0xa4: {  	s25 =	simm.s32 $0x1B8E;
	s24 =	sld [smem:$0x3FFE];
	[sflag:s23] =	ssyncadd.s32 $0xFFFFFFFF  }
0xa5: {  	s26 =	simm.s32 $execute0_lowered;
	[smem:$0x3FD2] =	sst s25  }
0xa6: {  	s4 =	sshll.u32 s26, $0x1;
	_ =	strace $0x8000004F;
	[dreg:$0x1] =	wrdreg $0xFFFFFFFF  }
0xa7: {  	s28 =	simm.s32 $_size_execute0_lowered;
	s2 =	sadd.s32 s2, s4;
	[dreg:$0x0] =	wrdreg $0x0  }
0xa8: {  	s4 =	sshll.u32 s28, $0x1;
	[dreg:$0x2] =	wrdreg s2  }
0xa9: {  	[dreg:$0x3] =	wrdreg s4  }
0xaa: {  	[dreg:$0x4] =	wrdreg $0xC0  }
0xab: {  	_ =	task [dreg:s6], $0x5FFFF  }
0xac: {  	[dreg:$0x1] =	wrdreg $0xFFFFFFFF  }
0xad: {  	[dreg:$0x0] =	wrdreg $0x60  }
0xae: {  	[dreg:$0x2] =	wrdreg s24  }
0xaf: {  	[dreg:$0x3] =	wrdreg $0x6A000  }
0xb0: {  	[dreg:$0x4] =	wrdreg $0x9  }
0xb1: {  	_ =	task.clear_ibuf [dreg:s6], $0x5FFFF;
	_ =	strace $0x9000004F  }
0xb2: {  	s29 =	simm.s32 $0x9;
	_ =	strace $0x80000051  }
0xb3: {  	_ =	swait.ge [sflag:s29], $0x1  }
0xb4: {  	[sflag:s29] =	ssyncadd.s32 $0xFFFFFFFF  }
0xb5: {  	_ =	strace $0x90000051  }
0xb6: {  	_ =	sfence  }
0xb7: {  	s30 =	sld [smem:$0x0];
	_ =	sdelay $0x2  }
0xb8: {  	s31 =	sshll.u32 s1, $0xD;
	s1 =	sshrl.u32 s1, $0x2  }
0xb9: {  	s3 =	sand.u32 $0x4000, s31;
	s1 =	sadd.s32 s1, s30  }
0xba: {  	s0 =	sor.u32 s3, s0;
	s1 =	sshll.u32 s1, $0x11  }
0xbb: {  	s0 =	sor.u32 s1, s0  }
0xbc: {  	s0 =	sadd.s32 $0x8F2B, s0  }
0xbd: {  	[sflag:s0] =	ssyncadd.remote.s32 $0x1  }
0xbe: {  	_ =	sfence.sel $0xFFFF  }
0xbf: {  	[dreg:$0x0] =	wrdreg $0xFFFFFFFF;
	(pc) =	sbr.abs _section_cstart, $3  }
0xc0: {  	[dreg:$0x1] =	wrdreg $0xFFFFFFFF  }
0xc1: {  	_ =	task.clear_ibuf [dreg:s6], $0x2FFFF;
	_ =	strace $0x9FFFFFFF  }
0xc2: {  	(tm) =	ssettm $0x7FFFFFFF  }
0xc3: {  	_ =	shalt  }
tec
execute0_lowered:
.L_overlay_start_1:
0x0: {  	(tag) =	ssettag $0x1  }
0x1: {  	s0 =	rddreg [dreg:$0x0]  }
0x2: {  	s2 =	rddreg [dreg:$0x1];
	s3 =	simm.s32 $0x0  }
0x3: {  	s10 =	stileid.u32;
	s1 =	srdreg.scid;
	s18 =	simm.s32 $0x7  }
0x4: {  	s19 =	simm.s32 $0x100;
	s20 =	simm.s32 $0x80;
	s28 =	simm.s32 $0x3600  }
0x5: {  	s29 =	simm.s32 $0x5;
	s30 =	simm.s32 $0x2;
	s31 =	simm.s32 $0x6  }
0x6: {  	[smem:$0x7FF] =	sst s3;
	s5 =	smul.u32 $0x14000, s10;
	s1 =	sand.u32 $0x1, s1  }
0x7: {  	s4 =	sadd.s32 $0x36E00, s0;
	s16 =	sadd.s32 $0x86E00, s0;
	s15 =	sadd.s32 $0x2600, s0  }
0x8: {  	s21 =	smul.u32 $0x50000, s10;
	s23 =	sshll.u32 s10, $0x6;
	_ =	strace $0x80000050  }
0x9: {  	s6 =	smul.u32 $0x140000, s1;
	s8 =	sshll.u32 s1, $0x4;
	s22 =	ssub.s32 $0x2, s1  }
0xa: {  	s1 =	smul.u32 $0x32000, s1;
	s7 =	sshrl.u32 s5, $0x3;
	s8 =	sor.u32 s10, s8  }
0xb: {  	s9 =	sshrl.u32 s22, $0x1;
	s10 =	smul.u32 $0x3200, s10;
	s7 =	sadd.s32 s7, s0  }
0xc: {  	s5 =	sadd.s32 s5, s6;
	s6 =	sshrl.u32 s21, $0x2;
	s8 =	smul.u32 $0x3200, s8  }
0xd: {  	s21 =	simm.s32 $0x180;
	s5 =	sshrl.u32 s5, $0x3;
	s17 =	sadd.s32 s6, s2  }
0xe: {  	s7 =	sadd.s32 $0xEE00, s7;
	s6 =	sor.u32 $0x1C07, s23;
	s1 =	sadd.s32 s10, s1  }
0xf: {  	s23 =	simm.s32 $0x64;
	s0 =	sadd.s32 s5, s0;
	s5 =	ssub.s32 s22, s9  }
0x10: {  	s24 =	sshrl.u32 s8, $0x3;
	[dreg:$0x3] =	wrdreg s7;
	s12 =	sor.u32 $0x180, s1  }
0x11: {  	s1 =	sor.u32 $0x100, s1;
	s17 =	sshrl.u32 s17, $0x3;
	s22 =	simm.s32 $0x3  }
0x12: {  	s25 =	sadd.s32 s16, s24;
	s8 =	sadd.s32 s15, s24;
	s11 =	sor.u32 $0x10, s24  }
0x13: {  	s26 =	sshrl.u32 s12, $0x3;
	s12 =	smax.u32 s5, $0x1;
	s1 =	sshrl.u32 s1, $0x3  }
0x14: {  	s24 =	simm.s32 $0x200;
	[dreg:$0x4] =	wrdreg s25;
	s9 =	sadd.s32 s16, s11  }
0x15: {  	s10 =	sadd.s32 s15, s11;
	s11 =	sadd.s32 $0x93600, s0;
	s13 =	sadd.s32 s26, s15  }
0x16: {  	s14 =	sadd.s32 s26, s16;
	s15 =	sadd.s32 s1, s15;
	s16 =	sadd.s32 s1, s16  }
0x17: {  	s25 =	simm.s32 $0x1;
	s26 =	simm.s32 $0x4;
	s0 =	simm.s32 $0x0  }
.LBB2_1:
0x18: {  	s1 =	rddreg [dreg:$0x3]  }
0x19: {  	[spmem:s17], [sflag:s6] =	dma.local [hbm:s1], $0x2800  }
0x1a: {  	_ =	swait.ge [sflag:s18], $0x2800  }
0x1b: {  	[sflag:s18] =	ssyncset.done $0x0  }
0x1c: {  	[sflag:s18] =	ssyncadd.s32 $0xFFFFD800  }
0x1d: {  	[bflag:$0x0] =	sbarrier.arrive $0xFFFF  }
0x1e: {  	s5 =	rddreg [dreg:$0x4]  }
0x1f: {  	[tilespmem:s3], [sflag:$0x3] =	stream.linear.gather [hbm4b:s5+s3], $0x80, $0x38;
	[tilespmem:$0x1AA00] =	vst v63  }
0x20: {  	_ = 	snop  }
0x21: {  	[tilespmem:s19], [sflag:$0x5] =	stream.linear.gather [hbm4b:s8+s3], $0x80, $0x38;
	[tilespmem:$0x1AA00] =	vst v63  }
0x22: {  	_ = 	snop  }
0x23: {  	[tilespmem:s20], [sflag:$0x4] =	stream.linear.gather [hbm4b:s9+s3], $0x80, $0x38;
	[tilespmem:$0x1AA00] =	vst v63  }
0x24: {  	_ = 	snop  }
0x25: {  	[tilespmem:s21], [sflag:$0x6] =	stream.linear.gather [hbm4b:s10+s3], $0x80, $0x38;
	[tilespmem:$0x1AA00] =	vst v63  }
0x26: {  	_ =	swait.ge [sflag:s22], $0x80  }
0x27: {  	[sflag:s22] =	ssyncset.done $0x0  }
0x28: {  	[sflag:s22] =	ssyncadd.s32 $0xFFFFFF80  }
0x29: {  	[tilespmem:s24], [sflag:$0x1] =	stream.indirect.gather [hbm4b:s4+s23], $0x80, s3, s23, $0xb8;
	[tilespmem:$0x1AA00] =	vst v63  }
0x2a: {  	_ =	swait.ge [sflag:s25], $0x3200  }
0x2b: {  	[sflag:s25] =	ssyncset.done $0x0  }
0x2c: {  	[sflag:s25] =	ssyncadd.s32 $0xFFFFCE00  }
0x2d: {  	_ =	swait.ge [sflag:s26], $0x80  }
0x2e: {  	[sflag:s26] =	ssyncset.done $0x0  }
0x2f: {  	[sflag:s26] =	ssyncadd.s32 $0xFFFFFF80  }
0x30: {  	[tilespmem:s28], [sflag:$0x2] =	stream.indirect.gather [hbm4b:s4+s23], $0x80, s20, s23, $0xb8;
	[tilespmem:$0x1AA00] =	vst v63  }
0x31: {  	_ =	swait.ge [sflag:s29], $0x80  }
0x32: {  	[sflag:s29] =	ssyncset.done $0x0  }
0x33: {  	[sflag:s29] =	ssyncadd.s32 $0xFFFFFF80  }
0x34: {  	[spmem:s2] =	stream.indirect.scatter.add.f32 [tilespmem:s24], [sflag:$0x7], $0x80, s19, s23, $0xb8;
	[tilespmem:$0x1AA00] =	vst v63  }
0x35: {  	_ =	swait.ge [sflag:s18], $0x3200  }
0x36: {  	[sflag:s18] =	ssyncset.done $0x0  }
0x37: {  	s7 =	sadd.s32 $0x0, s16;
	[sflag:s18] =	ssyncadd.s32 $0xFFFFCE00  }
0x38: {  	[tilespmem:s3], [sflag:$0x3] =	stream.linear.gather [hbm4b:s7+s3], $0x80, $0x38;
	[tilespmem:$0x1AA00] =	vst v63  }
0x39: {  	s5 =	sadd.s32 $0x0, s15  }
0x3a: {  	[tilespmem:s19], [sflag:$0x5] =	stream.linear.gather [hbm4b:s5+s3], $0x80, $0x38;
	[tilespmem:$0x1AA00] =	vst v63  }
0x3b: {  	_ =	swait.ge [sflag:s30], $0x3200  }
0x3c: {  	[sflag:s30] =	ssyncset.done $0x0  }
0x3d: {  	[sflag:s30] =	ssyncadd.s32 $0xFFFFCE00  }
0x3e: {  	_ =	swait.ge [sflag:s31], $0x80  }
0x3f: {  	[sflag:s31] =	ssyncset.done $0x0  }
0x40: {  	[sflag:s31] =	ssyncadd.s32 $0xFFFFFF80  }
0x41: {  	[spmem:s2] =	stream.indirect.scatter.add.f32 [tilespmem:s28], [sflag:$0x7], $0x80, s21, s23, $0xb8;
	[tilespmem:$0x1AA00] =	vst v63  }
0x42: {  	_ =	swait.ge [sflag:s18], $0x3200  }
0x43: {  	[sflag:s18] =	ssyncset.done $0x0  }
0x44: {  	[sflag:s18] =	ssyncadd.s32 $0xFFFFCE00  }
0x45: {  	_ =	swait.ge [sflag:s22], $0x80  }
0x46: {  	[sflag:s22] =	ssyncset.done $0x0  }
0x47: {  	[sflag:s22] =	ssyncadd.s32 $0xFFFFFF80  }
0x48: {  	[tilespmem:s24], [sflag:$0x1] =	stream.indirect.gather [hbm4b:s4+s23], $0x80, s3, s23, $0xb8;
	[tilespmem:$0x1AA00] =	vst v63  }
0x49: {  	s1 =	simm.s32 $0x20;
	s7 =	sadd.s32 $0x0, s14;
	s5 =	sadd.s32 $0x0, s13  }
0x4a: {  	[tilespmem:s20], [sflag:$0x4] =	stream.linear.gather [hbm4b:s7+s3], $0x80, $0x38;
	[tilespmem:$0x1AA00] =	vst v63  }
.LBB2_2:
0x4b: {  	[tilespmem:s21], [sflag:$0x6] =	stream.linear.gather [hbm4b:s5+s3], $0x80, $0x38;
	[tilespmem:$0x1AA00] =	vst v63  }
0x4c: {  	s5 =	smov.u32 s1  }
0x4d: {  	p0 =	sne.s32 s1, $0x600;
	s1 =	sadd.s32 $0x20, s1;
	_ =	swait.ge [sflag:s25], $0x3200  }
0x4e: {  	[sflag:s25] =	ssyncset.done $0x0  }
0x4f: {  	[sflag:s25] =	ssyncadd.s32 $0xFFFFCE00  }
0x50: {  	_ =	swait.ge [sflag:s26], $0x80  }
0x51: {  	[sflag:s26] =	ssyncset.done $0x0  }
0x52: {  	[sflag:s26] =	ssyncadd.s32 $0xFFFFFF80  }
0x53: {  	[tilespmem:s28], [sflag:$0x2] =	stream.indirect.gather [hbm4b:s4+s23], $0x80, s20, s23, $0xb8;
	[tilespmem:$0x1AA00] =	vst v63  }
0x54: {  	_ =	swait.ge [sflag:s29], $0x80  }
0x55: {  	[sflag:s29] =	ssyncset.done $0x0  }
0x56: {  	[sflag:s29] =	ssyncadd.s32 $0xFFFFFF80  }
0x57: {  	[spmem:s2] =	stream.indirect.scatter.add.f32 [tilespmem:s24], [sflag:$0x7], $0x80, s19, s23, $0xb8;
	[tilespmem:$0x1AA00] =	vst v63  }
0x58: {  	_ =	swait.ge [sflag:s18], $0x3200  }
0x59: {  	[sflag:s18] =	ssyncset.done $0x0  }
0x5a: {  	s7 =	sadd.s32 s5, s16;
	[sflag:s18] =	ssyncadd.s32 $0xFFFFCE00  }
0x5b: {  	[tilespmem:s3], [sflag:$0x3] =	stream.linear.gather [hbm4b:s7+s3], $0x80, $0x38;
	[tilespmem:$0x1AA00] =	vst v63  }
0x5c: {  	s7 =	sadd.s32 s5, s15  }
0x5d: {  	[tilespmem:s19], [sflag:$0x5] =	stream.linear.gather [hbm4b:s7+s3], $0x80, $0x38;
	[tilespmem:$0x1AA00] =	vst v63  }
0x5e: {  	_ =	swait.ge [sflag:s30], $0x3200  }
0x5f: {  	[sflag:s30] =	ssyncset.done $0x0  }
0x60: {  	[sflag:s30] =	ssyncadd.s32 $0xFFFFCE00  }
0x61: {  	_ =	swait.ge [sflag:s31], $0x80  }
0x62: {  	[sflag:s31] =	ssyncset.done $0x0  }
0x63: {  	[sflag:s31] =	ssyncadd.s32 $0xFFFFFF80  }
0x64: {  	[spmem:s2] =	stream.indirect.scatter.add.f32 [tilespmem:s28], [sflag:$0x7], $0x80, s21, s23, $0xb8;
	[tilespmem:$0x1AA00] =	vst v63  }
0x65: {  	_ =	swait.ge [sflag:s18], $0x3200  }
0x66: {  	[sflag:s18] =	ssyncset.done $0x0  }
0x67: {  	[sflag:s18] =	ssyncadd.s32 $0xFFFFCE00  }
0x68: {  	_ =	swait.ge [sflag:s22], $0x80  }
0x69: {  	[sflag:s22] =	ssyncset.done $0x0  }
.Ltmp0:
0x6a: {  	[sflag:s22] =	ssyncadd.s32 $0xFFFFFF80;
	(pc) =	sbr.rel @p0 .LBB2_2-.Ltmp0, $4  }
0x6b: {  	[tilespmem:s24], [sflag:$0x1] =	stream.indirect.gather [hbm4b:s4+s23], $0x80, s3, s23, $0xb8;
	[tilespmem:$0x1AA00] =	vst v63  }
0x6c: {  	s7 =	sadd.s32 s5, s14  }
0x6d: {  	[tilespmem:s20], [sflag:$0x4] =	stream.linear.gather [hbm4b:s7+s3], $0x80, $0x38;
	[tilespmem:$0x1AA00] =	vst v63  }
0x6e: {  	s5 =	sadd.s32 s5, s13  }
0x6f: {  	[tilespmem:s21], [sflag:$0x6] =	stream.linear.gather [hbm4b:s5+s3], $0x80, $0x38;
	[tilespmem:$0x1AA00] =	vst v63  }
0x70: {  	_ =	swait.ge [sflag:s25], $0x3200  }
0x71: {  	[sflag:s25] =	ssyncset.done $0x0  }
0x72: {  	[sflag:s25] =	ssyncadd.s32 $0xFFFFCE00  }
0x73: {  	_ =	swait.ge [sflag:s26], $0x80  }
0x74: {  	[sflag:s26] =	ssyncset.done $0x0  }
0x75: {  	[sflag:s26] =	ssyncadd.s32 $0xFFFFFF80  }
0x76: {  	[tilespmem:s28], [sflag:$0x2] =	stream.indirect.gather [hbm4b:s4+s23], $0x80, s20, s23, $0xb8;
	[tilespmem:$0x1AA00] =	vst v63  }
0x77: {  	_ =	swait.ge [sflag:s29], $0x80  }
0x78: {  	[sflag:s29] =	ssyncset.done $0x0  }
0x79: {  	[sflag:s29] =	ssyncadd.s32 $0xFFFFFF80  }
0x7a: {  	[spmem:s2] =	stream.indirect.scatter.add.f32 [tilespmem:s24], [sflag:$0x7], $0x80, s19, s23, $0xb8;
	[tilespmem:$0x1AA00] =	vst v63  }
0x7b: {  	_ =	swait.ge [sflag:s18], $0x3200  }
0x7c: {  	[sflag:s18] =	ssyncset.done $0x0  }
0x7d: {  	[sflag:s18] =	ssyncadd.s32 $0xFFFFCE00  }
0x7e: {  	_ =	swait.ge [sflag:s30], $0x3200  }
0x7f: {  	[sflag:s30] =	ssyncset.done $0x0  }
0x80: {  	[sflag:s30] =	ssyncadd.s32 $0xFFFFCE00  }
0x81: {  	_ =	swait.ge [sflag:s31], $0x80  }
0x82: {  	[sflag:s31] =	ssyncset.done $0x0  }
0x83: {  	[sflag:s31] =	ssyncadd.s32 $0xFFFFFF80  }
0x84: {  	[spmem:s2] =	stream.indirect.scatter.add.f32 [tilespmem:s28], [sflag:$0x7], $0x80, s21, s23, $0xb8;
	[tilespmem:$0x1AA00] =	vst v63  }
0x85: {  	_ =	swait.ge [sflag:s18], $0x3200  }
0x86: {  	s0 =	sadd.s32 $0x1, s0;
	[sflag:s18] =	ssyncset.done $0x0  }
0x87: {  	p0 =	sne.s32 s0, s12;
	[sflag:s18] =	ssyncadd.s32 $0xFFFFCE00  }
.Ltmp1:
0x88: {  	[bflag:$0x0] =	sbarrier.arrive $0xFFFF;
	(pc) =	sbr.rel @p0 .LBB2_1-.Ltmp1, $4  }
0x89: {  	[hbm:s11], [sflag:s6] =	dma.local [spmem:s17], $0x2800  }
0x8a: {  	_ =	swait.ge [sflag:s18], $0x2800  }
0x8b: {  	[sflag:s18] =	ssyncset.done $0x0  }
0x8c: {  	[sflag:s18] =	ssyncadd.s32 $0xFFFFD800  }
0x8d: {  	_ =	sfence.sel $0x180000  }
0x8e: {  	[bflag:$0x0] =	sbarrier.arrive $0xFFFF  }
0x8f: {  	_ =	strace $0x90000050  }
0x90: {  	s0 =	stileid.u32;
	[bflag:$0x2] =	sbarrier.arrive $0xFFFF  }
0x91: {  	p0 =	sne.s32 s0, $0x0;
	s0 =	rddreg [dreg:$0x2]  }
0x92: {  	s0 =	sadd.s32 @!p0 $0x100000, s0  }
0x93: {  	[sflag:s0] =	ssyncadd.tile.s32 @!p0 $0x1;
	_ =	shalt  }
.Lfunc_end2:
_tile_overlayer_lowered:
.L_overlay_start_2:
0x94: {  	(tag) =	ssettag $0x2  }
0x95: {  	s0 =	rddreg [dreg:$0x0];
	s2 =	stileid.u32  }
0x96: {  	s1 =	rddreg [dreg:$0x1];
	p0 =	sne.s32 s2, $0x0  }
0x97: {  	s3 =	rddreg [dreg:$0x2];
	[bflag:$0x3] =	sbarrier.arrive $0xFFFF;
	s2 =	simm.s32 @!p0 $0x1C07  }
0x98: {  	[timem:s3], [sflag:s2] =	dma.local @!p0 [hbm:s0], s1  }
0x99: {  	s0 =	simm.s32 @!p0 $0x7  }
0x9a: {  	_ =	swait.ge @!p0 [sflag:s0], s1  }
0x9b: {  	s1 =	ssub.s32 @!p0 $0x0, s1;
	[sflag:s0] =	ssyncset.done @!p0 $0x0  }
0x9c: {  	[sflag:s0] =	ssyncadd.s32 @!p0 s1  }
0x9d: {  	[bflag:$0x3] =	sbarrier.arrive $0xFFFF  }
0x9e: {  	_ =	shalt  }

</sc_bundles>
